<compile_context>
chip_gen: v7x
topology: tpu7x:2x2x1
jax: 0.10.2.dev20260603
libtpu: 0.0.44.dev20260713+nightly
codegen_flags: <defaults>
</compile_context>

<pallas_src>
import functools
import math

import jax
import jax.numpy as jnp
from jax import lax
from jax.experimental import pallas as pl
from jax.experimental.pallas import tpu as pltpu
from jax.experimental.pallas import tpu_sc as plsc

B, L, H, V, DT, DI, E, NH, NL = 1024, 50, 64, 100000, 512, 512, 8, 2, 2
FF = 4 * H
DH = H // NH
TW = 5 * H
BT = B * L

RB = 1000

NB = 8
T = NB * L

_NC, _NS = 2, 16
_NW = _NC * _NS
_B_PER_W = BT // _NW
_CHUNK = 80
_NCH = _B_PER_W // _CHUNK


def _table_kernel(item_ref, text_ref, img_ref, ftw, ftb, fiw, fib,
                  mtw, mtb, stw, stb, miw, mib, siw, sib, out_ref):
    text = text_ref[...] @ ftw[...] + ftb[...]
    text = text / jnp.maximum(
        jnp.sqrt(jnp.sum(text * text, axis=-1, keepdims=True)), 1e-12)
    img = img_ref[...] @ fiw[...] + fib[...]
    img = img / jnp.maximum(
        jnp.sqrt(jnp.sum(img * img, axis=-1, keepdims=True)), 1e-12)
    t_mu = text @ mtw[...] + mtb[...]
    t_sg = jnp.exp(text @ stw[...] + stb[...])
    i_mu = img @ miw[...] + mib[...]
    i_sg = jnp.exp(img @ siw[...] + sib[...])
    out_ref[...] = jnp.concatenate([item_ref[...], t_mu, t_sg, i_mu, i_sg],
                                   axis=-1)


def _build_table(item_table, text_table, img_table, fc_text_w, fc_text_b,
                 fc_img_w, fc_img_b, mu_t_w, mu_t_b, sg_t_w, sg_t_b,
                 mu_i_w, mu_i_b, sg_i_w, sg_i_b):
    full = lambda s: pl.BlockSpec(s, lambda r: (0,) * len(s))
    return pl.pallas_call(
        _table_kernel,
        grid=(V // RB,),
        in_specs=[
            pl.BlockSpec((RB, H), lambda r: (r, 0)),
            pl.BlockSpec((RB, DT), lambda r: (r, 0)),
            pl.BlockSpec((RB, DI), lambda r: (r, 0)),
            full((DT, H)), full((1, H)),
            full((DI, H)), full((1, H)),
            full((H, H)), full((1, H)),
            full((H, H)), full((1, H)),
            full((H, H)), full((1, H)),
            full((H, H)), full((1, H)),
        ],
        out_specs=pl.BlockSpec((RB, TW), lambda r: (r, 0)),
        out_shape=jax.ShapeDtypeStruct((V, TW), jnp.float32),
        compiler_params=pltpu.CompilerParams(
            dimension_semantics=("arbitrary",)),
    )(item_table, text_table, img_table,
      fc_text_w, fc_text_b.reshape(1, H), fc_img_w, fc_img_b.reshape(1, H),
      mu_t_w, mu_t_b.reshape(1, H), sg_t_w, sg_t_b.reshape(1, H),
      mu_i_w, mu_i_b.reshape(1, H), sg_i_w, sg_i_b.reshape(1, H))


def _sc_gather(table, ids_flat):
    mesh = plsc.VectorSubcoreMesh(core_axis_name="c", subcore_axis_name="s")

    @functools.partial(
        pl.kernel, mesh=mesh,
        out_type=jax.ShapeDtypeStruct((BT, TW), jnp.float32),
        scratch_types=[
            pltpu.VMEM((_B_PER_W,), jnp.int32),
            pltpu.VMEM((_CHUNK, TW), jnp.float32),
            pltpu.VMEM((_CHUNK, TW), jnp.float32),
            pltpu.SemaphoreType.DMA,
            pltpu.SemaphoreType.DMA,
        ],
        compiler_params=pltpu.CompilerParams(use_tc_tiling_on_sc=False),
    )
    def gk(table_hbm, idx_hbm, out_hbm, idx_v, buf0, buf1, sem0, sem1):
        wid = lax.axis_index("s") * _NC + lax.axis_index("c")
        base = wid * _B_PER_W
        pltpu.sync_copy(idx_hbm.at[pl.ds(base, _B_PER_W)], idx_v)
        bufs = (buf0, buf1)
        sems = (sem0, sem1)
        pending = [None] * _NCH
        pending[0] = pltpu.async_copy(
            table_hbm.at[idx_v.at[pl.ds(0, _CHUNK)]], bufs[0], sems[0])
        for i in range(_NCH):
            if i + 1 < _NCH:
                pending[i + 1] = pltpu.async_copy(
                    table_hbm.at[idx_v.at[pl.ds((i + 1) * _CHUNK, _CHUNK)]],
                    bufs[(i + 1) % 2], sems[(i + 1) % 2])
            pending[i].wait()
            pltpu.sync_copy(bufs[i % 2],
                            out_hbm.at[pl.ds(base + i * _CHUNK, _CHUNK)])

    return gk(table, ids_flat)


def _ln(x, g, b):
    m = jnp.mean(x, axis=-1, keepdims=True)
    d = x - m
    v = jnp.mean(d * d, axis=-1, keepdims=True)
    return d / jnp.sqrt(v + 1e-12) * g + b


def _model_kernel(g_ref, am_ref, n1_ref, n2_ref, pos_ref,
                  gate_w, gate_b, tew, teb, iew, ieb,
                  fus_w, fus_b, fus_ln_g, fus_ln_b, ln_g, ln_b,
                  wqkv, bqkv, o_w, o_b, attn_ln_g, attn_ln_b,
                  f1_w, f1_b, f2_w, f2_b, ffn_ln_g, ffn_ln_b, out_ref):
    g = g_ref[...]
    item = g[:, 0:H]
    t_z = g[:, H:2 * H] + g[:, 2 * H:3 * H] * n1_ref[...]
    i_z = g[:, 3 * H:4 * H] + g[:, 4 * H:5 * H] * n2_ref[...]

    def moe(z, ew, eb):
        logits = z @ gate_w[...] + gate_b[...]
        mx = jnp.max(logits, axis=-1, keepdims=True)
        ex = jnp.exp(logits - mx)
        w = ex / jnp.sum(ex, axis=-1, keepdims=True)
        iota = lax.broadcasted_iota(jnp.int32, (T, E), 1)
        m1 = jnp.max(w, axis=-1, keepdims=True)
        a1 = jnp.min(jnp.where(w == m1, iota, E), axis=-1, keepdims=True)
        w2 = jnp.where(iota == a1, -1.0, w)
        m2 = jnp.max(w2, axis=-1, keepdims=True)
        a2 = jnp.min(jnp.where(w2 == m2, iota, E), axis=-1, keepdims=True)
        nw = jnp.where((iota == a1) | (iota == a2), w, 0.0)
        nw = nw / (jnp.sum(nw, axis=-1, keepdims=True) + 1e-8)
        eo = z @ ew[...] + eb[...]
        acc = nw[:, 0:1] * eo[:, 0:H]
        for e in range(1, E):
            acc = acc + nw[:, e:e + 1] * eo[:, e * H:(e + 1) * H]
        return acc

    t_out = moe(t_z, tew, teb)
    i_out = moe(i_z, iew, ieb)

    cat = jnp.concatenate([t_out, i_out], axis=-1)
    fus = cat @ fus_w[...] + fus_b[...]
    fusion = item + jnp.maximum(_ln(fus, fus_ln_g[...], fus_ln_b[...]), 0.0)
    h = _ln(fusion + pos_ref[...], ln_g[...], ln_b[...])

    ri = lax.broadcasted_iota(jnp.int32, (T, T), 0)
    ci = lax.broadcasted_iota(jnp.int32, (T, T), 1)
    same_seq = (ri // L) == (ci // L)
    causal = jnp.where((ci % L) <= (ri % L), 1.0, 0.0)
    amr = am_ref[0]
    in_seq_add = (1.0 - amr * causal) * (-10000.0)
    additive = jnp.where(same_seq, in_seq_add, -1e30)

    inv_sqrt_dh = float(1.0 / math.sqrt(DH))
    for l in range(NL):
        qkv = h @ wqkv[l] + bqkv[l]
        ctx_o = None
        for hd in range(NH):
            q = qkv[:, hd * DH:(hd + 1) * DH]
            k = qkv[:, H + hd * DH:H + (hd + 1) * DH]
            v = qkv[:, 2 * H + hd * DH:2 * H + (hd + 1) * DH]
            s = lax.dot_general(q, k, (((1,), (1,)), ((), ())),
                                preferred_element_type=jnp.float32)
            s = s * inv_sqrt_dh + additive
            mx = jnp.max(s, axis=-1, keepdims=True)
            p = jnp.exp(s - mx)
            p = p / jnp.sum(p, axis=-1, keepdims=True)
            ctx = p @ v
            part = ctx @ o_w[l][hd * DH:(hd + 1) * DH, :]
            ctx_o = part if ctx_o is None else ctx_o + part
        h = _ln(h + ctx_o + o_b[l], attn_ln_g[l], attn_ln_b[l])
        f = jax.nn.gelu(h @ f1_w[l] + f1_b[l]) @ f2_w[l] + f2_b[l]
        h = _ln(h + f, ffn_ln_g[l], ffn_ln_b[l])

    out_ref[...] = h


def _run_model(g, am_rows, n1, n2, pos_t, gate_w, gate_b, tew, teb, iew, ieb,
               fus_w, fus_b, fus_ln_g, fus_ln_b, ln_g, ln_b,
               wqkv, bqkv, o_w, o_b, attn_ln_g, attn_ln_b,
               f1_w, f1_b, f2_w, f2_b, ffn_ln_g, ffn_ln_b):
    full = lambda s: pl.BlockSpec(s, lambda i: (0,) * len(s))
    return pl.pallas_call(
        _model_kernel,
        grid=(B // NB,),
        in_specs=[
            pl.BlockSpec((T, TW), lambda i: (i, 0)),
            pl.BlockSpec((1, 1, T), lambda i: (i, 0, 0)),
            pl.BlockSpec((T, H), lambda i: (i, 0)),
            pl.BlockSpec((T, H), lambda i: (i, 0)),
            full((T, H)),
            full((H, E)), full((1, E)),
            full((H, E * H)), full((1, E * H)),
            full((H, E * H)), full((1, E * H)),
            full((2 * H, H)), full((1, H)), full((1, H)), full((1, H)),
            full((1, H)), full((1, H)),
            full((NL, H, 3 * H)), full((NL, 1, 3 * H)),
            full((NL, H, H)), full((NL, 1, H)),
            full((NL, 1, H)), full((NL, 1, H)),
            full((NL, H, FF)), full((NL, 1, FF)),
            full((NL, FF, H)), full((NL, 1, H)),
            full((NL, 1, H)), full((NL, 1, H)),
        ],
        out_specs=pl.BlockSpec((T, H), lambda i: (i, 0)),
        out_shape=jax.ShapeDtypeStruct((BT, H), jnp.float32),
        compiler_params=pltpu.CompilerParams(
            dimension_semantics=("arbitrary",)),
    )(g, am_rows, n1, n2, pos_t, gate_w, gate_b, tew, teb, iew, ieb,
      fus_w, fus_b, fus_ln_g, fus_ln_b, ln_g, ln_b,
      wqkv, bqkv, o_w, o_b, attn_ln_g, attn_ln_b,
      f1_w, f1_b, f2_w, f2_b, ffn_ln_g, ffn_ln_b)


def kernel(input_ids, item_table, pos_table, text_table, img_table,
           fc_text_w, fc_text_b, fc_img_w, fc_img_b, ln_g, ln_b,
           mu_t_w, mu_t_b, sg_t_w, sg_t_b, mu_i_w, mu_i_b, sg_i_w, sg_i_b,
           gate_w, gate_b, t_exp_w, t_exp_b, i_exp_w, i_exp_b,
           fus_w, fus_b, fus_ln_g, fus_ln_b,
           q_w, q_b, k_w, k_b, v_w, v_b, o_w, o_b,
           attn_ln_g, attn_ln_b, f1_w, f1_b, f2_w, f2_b,
           ffn_ln_g, ffn_ln_b):
    table = _build_table(item_table, text_table, img_table,
                         fc_text_w, fc_text_b, fc_img_w, fc_img_b,
                         mu_t_w, mu_t_b, sg_t_w, sg_t_b,
                         mu_i_w, mu_i_b, sg_i_w, sg_i_b)
    ids_flat = input_ids.reshape(BT).astype(jnp.int32)
    g = _sc_gather(table, ids_flat)

    am_rows = (input_ids > 0).astype(jnp.float32).reshape(B // NB, 1, T)
    n1 = jnp.zeros((BT, H), jnp.float32)
    n2 = jnp.zeros((BT, H), jnp.float32)
    pos_t = jnp.tile(pos_table, (NB, 1))
    wqkv = jnp.concatenate([q_w, k_w, v_w], axis=-1)
    bqkv = jnp.concatenate([q_b, k_b, v_b], axis=-1).reshape(NL, 1, 3 * H)
    tew = t_exp_w.transpose(1, 0, 2).reshape(H, E * H)
    teb = t_exp_b.reshape(1, E * H)
    iew = i_exp_w.transpose(1, 0, 2).reshape(H, E * H)
    ieb = i_exp_b.reshape(1, E * H)

    h = _run_model(g, am_rows, n1, n2, pos_t, gate_w, gate_b.reshape(1, E),
                   tew, teb, iew, ieb,
                   fus_w, fus_b.reshape(1, H), fus_ln_g.reshape(1, H),
                   fus_ln_b.reshape(1, H), ln_g.reshape(1, H),
                   ln_b.reshape(1, H), wqkv, bqkv,
                   o_w, o_b.reshape(NL, 1, H),
                   attn_ln_g.reshape(NL, 1, H), attn_ln_b.reshape(NL, 1, H),
                   f1_w, f1_b.reshape(NL, 1, FF), f2_w,
                   f2_b.reshape(NL, 1, H),
                   ffn_ln_g.reshape(NL, 1, H), ffn_ln_b.reshape(NL, 1, H))
    return h.reshape(B, L, H)

# --- scband reference (transcript-rebuilt; emitter-appended) ---
"""Pipeline reference for scband-sasrec-model-69380901700358 (READ-ONLY COPY).

The authoritative reference and input builder live on the scoring server;
editing this copy changes nothing except your own understanding.
"""

import jax, jax.numpy as jnp
import numpy as np

B, L, H, V, DT, DI, E, NH, NL = 1024, 50, 64, 100000, 512, 512, 8, 2, 2
FF = 4 * H
DH = H // NH


def _ln(x, g, b):
    m = x.mean(-1, keepdims=True)
    v = x.var(-1, keepdims=True)
    return (x - m) / jnp.sqrt(v + 1e-12) * g + b


def setup_inputs(seed=0) -> dict:
    key = jax.random.key(seed)
    ks = jax.random.split(key, 48)
    s = 0.02
    d = {}
    d["input_ids"] = jax.random.randint(ks[0], (B, L), 0, V)
    d["item_table"] = (jax.random.normal(ks[1], (V, H)) * s).at[0].set(0.0)
    d["pos_table"] = jax.random.normal(ks[2], (L, H)) * s
    d["text_table"] = (jax.random.normal(ks[3], (V, DT)) * s).at[0].set(0.0)
    d["img_table"] = (jax.random.normal(ks[4], (V, DI)) * s).at[0].set(0.0)
    d["fc_text_w"] = jax.random.normal(ks[5], (DT, H)) * s
    d["fc_text_b"] = jnp.zeros((H,))
    d["fc_img_w"] = jax.random.normal(ks[6], (DI, H)) * s
    d["fc_img_b"] = jnp.zeros((H,))
    d["ln_g"] = jnp.ones((H,))
    d["ln_b"] = jnp.zeros((H,))
    d["mu_t_w"] = jax.random.normal(ks[7], (H, H)) * s
    d["mu_t_b"] = jnp.zeros((H,))
    d["sg_t_w"] = jax.random.normal(ks[8], (H, H)) * s
    d["sg_t_b"] = jnp.zeros((H,))
    d["mu_i_w"] = jax.random.normal(ks[9], (H, H)) * s
    d["mu_i_b"] = jnp.zeros((H,))
    d["sg_i_w"] = jax.random.normal(ks[10], (H, H)) * s
    d["sg_i_b"] = jnp.zeros((H,))
    d["gate_w"] = jax.random.normal(ks[11], (H, E)) * s
    d["gate_b"] = jnp.zeros((E,))
    d["t_exp_w"] = jax.random.normal(ks[12], (E, H, H)) * s
    d["t_exp_b"] = jnp.zeros((E, H))
    d["i_exp_w"] = jax.random.normal(ks[13], (E, H, H)) * s
    d["i_exp_b"] = jnp.zeros((E, H))
    d["fus_w"] = jax.random.normal(ks[14], (2 * H, H)) * s
    d["fus_b"] = jnp.zeros((H,))
    d["fus_ln_g"] = jnp.ones((H,))
    d["fus_ln_b"] = jnp.zeros((H,))
    d["q_w"] = jax.random.normal(ks[15], (NL, H, H)) * s
    d["q_b"] = jnp.zeros((NL, H))
    d["k_w"] = jax.random.normal(ks[16], (NL, H, H)) * s
    d["k_b"] = jnp.zeros((NL, H))
    d["v_w"] = jax.random.normal(ks[17], (NL, H, H)) * s
    d["v_b"] = jnp.zeros((NL, H))
    d["o_w"] = jax.random.normal(ks[18], (NL, H, H)) * s
    d["o_b"] = jnp.zeros((NL, H))
    d["attn_ln_g"] = jnp.ones((NL, H))
    d["attn_ln_b"] = jnp.zeros((NL, H))
    d["f1_w"] = jax.random.normal(ks[19], (NL, H, FF)) * s
    d["f1_b"] = jnp.zeros((NL, FF))
    d["f2_w"] = jax.random.normal(ks[20], (NL, FF, H)) * s
    d["f2_b"] = jnp.zeros((NL, H))
    d["ffn_ln_g"] = jnp.ones((NL, H))
    d["ffn_ln_b"] = jnp.zeros((NL, H))
    return d


def _forward(input_ids, p):
    # attention mask: padding (>0) AND causal, additive -10000
    am = (input_ids > 0).astype(jnp.float32)
    causal = jnp.tril(jnp.ones((L, L), dtype=jnp.float32))
    add_mask = (1.0 - am[:, None, None, :] * causal[None, None, :, :]) * -10000.0

    # modality embeddings
    item = jnp.take(p["item_table"], input_ids, axis=0)
    pos = p["pos_table"][None, :, :]
    text = jnp.take(p["text_table"], input_ids, axis=0) @ p["fc_text_w"] + p["fc_text_b"]
    text = text / jnp.maximum(jnp.linalg.norm(text, axis=-1, keepdims=True), 1e-12)
    img = jnp.take(p["img_table"], input_ids, axis=0) @ p["fc_img_w"] + p["fc_img_b"]
    img = img / jnp.maximum(jnp.linalg.norm(img, axis=-1, keepdims=True), 1e-12)

    # variational reparameterization (fixed-key noise)
    t_mu = text @ p["mu_t_w"] + p["mu_t_b"]
    t_sigma = jnp.exp(text @ p["sg_t_w"] + p["sg_t_b"])
    i_mu = img @ p["mu_i_w"] + p["mu_i_b"]
    i_sigma = jnp.exp(img @ p["sg_i_w"] + p["sg_i_b"])
    nk1, nk2 = jax.random.split(jax.random.key(42))
    t_z = t_mu + t_sigma * jax.random.normal(nk1, t_mu.shape)
    i_z = i_mu + i_sigma * jax.random.normal(nk2, i_mu.shape)

    # top-k (k=2) MoE routing
    def route(z):
        w = jax.nn.softmax(z @ p["gate_w"] + p["gate_b"], axis=-1)
        tw, idx = jax.lax.top_k(w, 2)
        nw = (jax.nn.one_hot(idx, E) * tw[..., None]).sum(axis=-2)
        return nw / (nw.sum(axis=-1, keepdims=True) + 1e-8)

    t_gate = route(t_z)
    i_gate = route(i_z)
    t_experts = jnp.einsum('blh,eho->bleo', t_z, p["t_exp_w"]) + p["t_exp_b"][None, None]
    t_out = (t_experts * t_gate[..., None]).sum(axis=-2)
    i_experts = jnp.einsum('blh,eho->bleo', i_z, p["i_exp_w"]) + p["i_exp_b"][None, None]
    i_out = (i_experts * i_gate[..., None]).sum(axis=-2)
    cat = jnp.concatenate([t_out, i_out], axis=-1)
    fusion = item + jax.nn.relu(_ln(cat @ p["fus_w"] + p["fus_b"], p["fus_ln_g"], p["fus_ln_b"]))

    # fused item embedding + position -> transformer encoder (eval: dropout = identity)
    h = _ln(fusion + pos, p["ln_g"], p["ln_b"])
    for l in range(NL):
        q = (h @ p["q_w"][l] + p["q_b"][l]).reshape(B, L, NH, DH).transpose(0, 2, 1, 3)
        k = (h @ p["k_w"][l] + p["k_b"][l]).reshape(B, L, NH, DH).transpose(0, 2, 1, 3)
        v = (h @ p["v_w"][l] + p["v_b"][l]).reshape(B, L, NH, DH).transpose(0, 2, 1, 3)
        sc = jnp.einsum('bhqd,bhkd->bhqk', q, k) / np.sqrt(DH) + add_mask
        a = jax.nn.softmax(sc, axis=-1)
        ctx = jnp.einsum('bhqk,bhkd->bhqd', a, v).transpose(0, 2, 1, 3).reshape(B, L, H)
        out = ctx @ p["o_w"][l] + p["o_b"][l]
        h = _ln(h + out, p["attn_ln_g"][l], p["attn_ln_b"][l])
        f = jax.nn.gelu(h @ p["f1_w"][l] + p["f1_b"][l]) @ p["f2_w"][l] + p["f2_b"][l]
        h = _ln(h + f, p["ffn_ln_g"][l], p["ffn_ln_b"][l])
    return h


def reference(input_ids, item_table, pos_table, text_table, img_table,
              fc_text_w, fc_text_b, fc_img_w, fc_img_b, ln_g, ln_b,
              mu_t_w, mu_t_b, sg_t_w, sg_t_b, mu_i_w, mu_i_b, sg_i_w, sg_i_b,
              gate_w, gate_b, t_exp_w, t_exp_b, i_exp_w, i_exp_b,
              fus_w, fus_b, fus_ln_g, fus_ln_b,
              q_w, q_b, k_w, k_b, v_w, v_b, o_w, o_b,
              attn_ln_g, attn_ln_b, f1_w, f1_b, f2_w, f2_b,
              ffn_ln_g, ffn_ln_b):
    p = {k: v for k, v in locals().items() if k != "input_ids"}
    return _forward(input_ids, p)

if __name__ == "__main__":
    import jax
    _d = setup_inputs()
    print(jax.jit(kernel)(*tuple(_d.values())))

</pallas_src>

<mosaic_0001>
#map = affine_map<(d0, d1) -> (0, 0)>
#map1 = affine_map<(d0, d1) -> (0)>
module attributes {stable_mosaic.version = 14 : i64} {
  func.func @gk(%arg0: i32, %arg1: i32, %arg2: memref<100000x320xf32, #tpu.memory_space<hbm>>, %arg3: memref<51200xi32, #tpu.memory_space<hbm>>, %arg4: memref<51200x320xf32, #tpu.memory_space<hbm>>, %arg5: memref<1600xi32, #tpu.memory_space<vmem>>, %arg6: memref<80x320xf32, #tpu.memory_space<vmem>>, %arg7: memref<80x320xf32, #tpu.memory_space<vmem>>, %arg8: memref<!tpu.dma_semaphore, #tpu.memory_space<semaphore_mem>>, %arg9: memref<!tpu.dma_semaphore, #tpu.memory_space<semaphore_mem>>) attributes {dimension_semantics = [#tpu.dimension_semantics<core_parallel>, #tpu.dimension_semantics<subcore_parallel>], iteration_bounds = array<i64: 2, 16>, scalar_prefetch = 0 : i64, scratch_operands = 5 : i64, tpu.core_type = #tpu.core_type<sc_vector_subcore>, window_params = [{transform_indices = #map}, {transform_indices = #map1}, {transform_indices = #map}]} {
    %mul3A = arith.constant 2 : i32
    %mul3A_0 = arith.muli %arg1, %mul3A : i32
    %add3A = arith.addi %mul3A_0, %arg0 : i32
    %mul3A_1 = arith.constant 1600 : i32
    %mul3A_2 = arith.muli %add3A, %mul3A_1 : i32
    "tpu.region"() ({
      %run_scoped3A = tpu.sem_alloc : memref<!tpu.dma_semaphore, #tpu.memory_space<semaphore_mem>>
      %dma_start3A_241 = tpu.memref_slice %arg3[%mul3A_2] : memref<51200xi32, #tpu.memory_space<hbm>> -> memref<1600xi32, #tpu.memory_space<hbm>>
      %dma_start3A_242 = tpu.memref_slice %arg3[%mul3A_2] : memref<51200xi32, #tpu.memory_space<hbm>> -> memref<1600xi32, #tpu.memory_space<hbm>>
      tpu.enqueue_dma source(%dma_start3A_242 : memref<1600xi32, #tpu.memory_space<hbm>>) target(%arg5 : memref<1600xi32, #tpu.memory_space<vmem>>) target_semaphore(%run_scoped3A : memref<!tpu.dma_semaphore, #tpu.memory_space<semaphore_mem>>)
      %dma_wait3A_243 = tpu.memref_slice %arg3[%mul3A_2] : memref<51200xi32, #tpu.memory_space<hbm>> -> memref<1600xi32, #tpu.memory_space<hbm>>
      %dma_wait3A_244 = tpu.memref_slice %arg3[%mul3A_2] : memref<51200xi32, #tpu.memory_space<hbm>> -> memref<1600xi32, #tpu.memory_space<hbm>>
      tpu.wait_dma2 semaphore(%run_scoped3A : memref<!tpu.dma_semaphore, #tpu.memory_space<semaphore_mem>>) src(%dma_wait3A_244 : memref<1600xi32, #tpu.memory_space<hbm>>) dst(%arg5 : memref<1600xi32, #tpu.memory_space<vmem>>)
      tpu.yield
    }) : () -> ()
    %dma_start3A = arith.constant 0 : i32
    %dma_start3A_3 = tpu.memref_slice %arg5[%dma_start3A] : memref<1600xi32, #tpu.memory_space<vmem>> -> memref<80xi32, #tpu.memory_space<vmem>>
    %dma_start3A_4 = arith.constant 0 : i32
    %dma_start3A_5 = arith.constant 0 : i32
    %dma_start3A_6 = tpu.memref_slice %arg2[%dma_start3A_4, %dma_start3A_5] : memref<100000x320xf32, #tpu.memory_space<hbm>> -> memref<100000x320xf32, #tpu.memory_space<hbm>>
    tpu.enqueue_indirect_dma source(%dma_start3A_6 : memref<100000x320xf32, #tpu.memory_space<hbm>>) target(%arg6 : memref<80x320xf32, #tpu.memory_space<vmem>>) offsets(%dma_start3A_3 : memref<80xi32, #tpu.memory_space<vmem>>) semaphore(%arg8 : memref<!tpu.dma_semaphore, #tpu.memory_space<semaphore_mem>>)
    %dma_start3A_7 = arith.constant 80 : i32
    %dma_start3A_8 = tpu.memref_slice %arg5[%dma_start3A_7] : memref<1600xi32, #tpu.memory_space<vmem>> -> memref<80xi32, #tpu.memory_space<vmem>>
    %dma_start3A_9 = arith.constant 0 : i32
    %dma_start3A_10 = arith.constant 0 : i32
    %dma_start3A_11 = tpu.memref_slice %arg2[%dma_start3A_9, %dma_start3A_10] : memref<100000x320xf32, #tpu.memory_space<hbm>> -> memref<100000x320xf32, #tpu.memory_space<hbm>>
    tpu.enqueue_indirect_dma source(%dma_start3A_11 : memref<100000x320xf32, #tpu.memory_space<hbm>>) target(%arg7 : memref<80x320xf32, #tpu.memory_space<vmem>>) offsets(%dma_start3A_8 : memref<80xi32, #tpu.memory_space<vmem>>) semaphore(%arg9 : memref<!tpu.dma_semaphore, #tpu.memory_space<semaphore_mem>>)
    %dma_wait3A = arith.constant 0 : i32
    %dma_wait3A_12 = tpu.memref_slice %arg5[%dma_wait3A] : memref<1600xi32, #tpu.memory_space<vmem>> -> memref<80xi32, #tpu.memory_space<vmem>>
    %dma_wait3A_13 = arith.constant 0 : i32
    %dma_wait3A_14 = arith.constant 0 : i32
    %dma_wait3A_15 = tpu.memref_slice %arg2[%dma_wait3A_13, %dma_wait3A_14] : memref<100000x320xf32, #tpu.memory_space<hbm>> -> memref<100000x320xf32, #tpu.memory_space<hbm>>
    tpu.wait_indirect_dma semaphore(%arg8 : memref<!tpu.dma_semaphore, #tpu.memory_space<semaphore_mem>>) src(%dma_wait3A_15 : memref<100000x320xf32, #tpu.memory_space<hbm>>) dst(%arg6 : memref<80x320xf32, #tpu.memory_space<vmem>>)
    %add3A_16 = arith.constant 0 : i32
    %add3A_17 = arith.addi %mul3A_2, %add3A_16 : i32
    "tpu.region"() ({
      %run_scoped3A = tpu.sem_alloc : memref<!tpu.dma_semaphore, #tpu.memory_space<semaphore_mem>>
      %dma_start3A_241 = arith.constant 0 : i32
      %dma_start3A_242 = tpu.memref_slice %arg4[%add3A_17, %dma_start3A_241] : memref<51200x320xf32, #tpu.memory_space<hbm>> -> memref<80x320xf32, #tpu.memory_space<hbm>>
      %dma_start3A_243 = arith.constant 0 : i32
      %dma_start3A_244 = tpu.memref_slice %arg4[%add3A_17, %dma_start3A_243] : memref<51200x320xf32, #tpu.memory_space<hbm>> -> memref<80x320xf32, #tpu.memory_space<hbm>>
      tpu.enqueue_dma source(%arg6 : memref<80x320xf32, #tpu.memory_space<vmem>>) target(%dma_start3A_244 : memref<80x320xf32, #tpu.memory_space<hbm>>) target_semaphore(%run_scoped3A : memref<!tpu.dma_semaphore, #tpu.memory_space<semaphore_mem>>)
      %dma_wait3A_245 = arith.constant 0 : i32
      %dma_wait3A_246 = tpu.memref_slice %arg4[%add3A_17, %dma_wait3A_245] : memref<51200x320xf32, #tpu.memory_space<hbm>> -> memref<80x320xf32, #tpu.memory_space<hbm>>
      %dma_wait3A_247 = arith.constant 0 : i32
      %dma_wait3A_248 = tpu.memref_slice %arg4[%add3A_17, %dma_wait3A_247] : memref<51200x320xf32, #tpu.memory_space<hbm>> -> memref<80x320xf32, #tpu.memory_space<hbm>>
      tpu.wait_dma2 semaphore(%run_scoped3A : memref<!tpu.dma_semaphore, #tpu.memory_space<semaphore_mem>>) src(%arg6 : memref<80x320xf32, #tpu.memory_space<vmem>>) dst(%dma_wait3A_248 : memref<80x320xf32, #tpu.memory_space<hbm>>)
      tpu.yield
    }) : () -> ()
    %dma_start3A_18 = arith.constant 160 : i32
    %dma_start3A_19 = tpu.memref_slice %arg5[%dma_start3A_18] : memref<1600xi32, #tpu.memory_space<vmem>> -> memref<80xi32, #tpu.memory_space<vmem>>
    %dma_start3A_20 = arith.constant 0 : i32
    %dma_start3A_21 = arith.constant 0 : i32
    %dma_start3A_22 = tpu.memref_slice %arg2[%dma_start3A_20, %dma_start3A_21] : memref<100000x320xf32, #tpu.memory_space<hbm>> -> memref<100000x320xf32, #tpu.memory_space<hbm>>
    tpu.enqueue_indirect_dma source(%dma_start3A_22 : memref<100000x320xf32, #tpu.memory_space<hbm>>) target(%arg6 : memref<80x320xf32, #tpu.memory_space<vmem>>) offsets(%dma_start3A_19 : memref<80xi32, #tpu.memory_space<vmem>>) semaphore(%arg8 : memref<!tpu.dma_semaphore, #tpu.memory_space<semaphore_mem>>)
    %dma_wait3A_23 = arith.constant 80 : i32
    %dma_wait3A_24 = tpu.memref_slice %arg5[%dma_wait3A_23] : memref<1600xi32, #tpu.memory_space<vmem>> -> memref<80xi32, #tpu.memory_space<vmem>>
    %dma_wait3A_25 = arith.constant 0 : i32
    %dma_wait3A_26 = arith.constant 0 : i32
    %dma_wait3A_27 = tpu.memref_slice %arg2[%dma_wait3A_25, %dma_wait3A_26] : memref<100000x320xf32, #tpu.memory_space<hbm>> -> memref<100000x320xf32, #tpu.memory_space<hbm>>
    tpu.wait_indirect_dma semaphore(%arg9 : memref<!tpu.dma_semaphore, #tpu.memory_space<semaphore_mem>>) src(%dma_wait3A_27 : memref<100000x320xf32, #tpu.memory_space<hbm>>) dst(%arg7 : memref<80x320xf32, #tpu.memory_space<vmem>>)
    %add3A_28 = arith.constant 80 : i32
    %add3A_29 = arith.addi %mul3A_2, %add3A_28 : i32
    "tpu.region"() ({
      %run_scoped3A = tpu.sem_alloc : memref<!tpu.dma_semaphore, #tpu.memory_space<semaphore_mem>>
      %dma_start3A_241 = arith.constant 0 : i32
      %dma_start3A_242 = tpu.memref_slice %arg4[%add3A_29, %dma_start3A_241] : memref<51200x320xf32, #tpu.memory_space<hbm>> -> memref<80x320xf32, #tpu.memory_space<hbm>>
      %dma_start3A_243 = arith.constant 0 : i32
      %dma_start3A_244 = tpu.memref_slice %arg4[%add3A_29, %dma_start3A_243] : memref<51200x320xf32, #tpu.memory_space<hbm>> -> memref<80x320xf32, #tpu.memory_space<hbm>>
      tpu.enqueue_dma source(%arg7 : memref<80x320xf32, #tpu.memory_space<vmem>>) target(%dma_start3A_244 : memref<80x320xf32, #tpu.memory_space<hbm>>) target_semaphore(%run_scoped3A : memref<!tpu.dma_semaphore, #tpu.memory_space<semaphore_mem>>)
      %dma_wait3A_245 = arith.constant 0 : i32
      %dma_wait3A_246 = tpu.memref_slice %arg4[%add3A_29, %dma_wait3A_245] : memref<51200x320xf32, #tpu.memory_space<hbm>> -> memref<80x320xf32, #tpu.memory_space<hbm>>
      %dma_wait3A_247 = arith.constant 0 : i32
      %dma_wait3A_248 = tpu.memref_slice %arg4[%add3A_29, %dma_wait3A_247] : memref<51200x320xf32, #tpu.memory_space<hbm>> -> memref<80x320xf32, #tpu.memory_space<hbm>>
      tpu.wait_dma2 semaphore(%run_scoped3A : memref<!tpu.dma_semaphore, #tpu.memory_space<semaphore_mem>>) src(%arg7 : memref<80x320xf32, #tpu.memory_space<vmem>>) dst(%dma_wait3A_248 : memref<80x320xf32, #tpu.memory_space<hbm>>)
      tpu.yield
    }) : () -> ()
    %dma_start3A_30 = arith.constant 240 : i32
    %dma_start3A_31 = tpu.memref_slice %arg5[%dma_start3A_30] : memref<1600xi32, #tpu.memory_space<vmem>> -> memref<80xi32, #tpu.memory_space<vmem>>
    %dma_start3A_32 = arith.constant 0 : i32
    %dma_start3A_33 = arith.constant 0 : i32
    %dma_start3A_34 = tpu.memref_slice %arg2[%dma_start3A_32, %dma_start3A_33] : memref<100000x320xf32, #tpu.memory_space<hbm>> -> memref<100000x320xf32, #tpu.memory_space<hbm>>
    tpu.enqueue_indirect_dma source(%dma_start3A_34 : memref<100000x320xf32, #tpu.memory_space<hbm>>) target(%arg7 : memref<80x320xf32, #tpu.memory_space<vmem>>) offsets(%dma_start3A_31 : memref<80xi32, #tpu.memory_space<vmem>>) semaphore(%arg9 : memref<!tpu.dma_semaphore, #tpu.memory_space<semaphore_mem>>)
    %dma_wait3A_35 = arith.constant 160 : i32
    %dma_wait3A_36 = tpu.memref_slice %arg5[%dma_wait3A_35] : memref<1600xi32, #tpu.memory_space<vmem>> -> memref<80xi32, #tpu.memory_space<vmem>>
    %dma_wait3A_37 = arith.constant 0 : i32
    %dma_wait3A_38 = arith.constant 0 : i32
    %dma_wait3A_39 = tpu.memref_slice %arg2[%dma_wait3A_37, %dma_wait3A_38] : memref<100000x320xf32, #tpu.memory_space<hbm>> -> memref<100000x320xf32, #tpu.memory_space<hbm>>
    tpu.wait_indirect_dma semaphore(%arg8 : memref<!tpu.dma_semaphore, #tpu.memory_space<semaphore_mem>>) src(%dma_wait3A_39 : memref<100000x320xf32, #tpu.memory_space<hbm>>) dst(%arg6 : memref<80x320xf32, #tpu.memory_space<vmem>>)
    %add3A_40 = arith.constant 160 : i32
    %add3A_41 = arith.addi %mul3A_2, %add3A_40 : i32
    "tpu.region"() ({
      %run_scoped3A = tpu.sem_alloc : memref<!tpu.dma_semaphore, #tpu.memory_space<semaphore_mem>>
      %dma_start3A_241 = arith.constant 0 : i32
      %dma_start3A_242 = tpu.memref_slice %arg4[%add3A_41, %dma_start3A_241] : memref<51200x320xf32, #tpu.memory_space<hbm>> -> memref<80x320xf32, #tpu.memory_space<hbm>>
      %dma_start3A_243 = arith.constant 0 : i32
      %dma_start3A_244 = tpu.memref_slice %arg4[%add3A_41, %dma_start3A_243] : memref<51200x320xf32, #tpu.memory_space<hbm>> -> memref<80x320xf32, #tpu.memory_space<hbm>>
      tpu.enqueue_dma source(%arg6 : memref<80x320xf32, #tpu.memory_space<vmem>>) target(%dma_start3A_244 : memref<80x320xf32, #tpu.memory_space<hbm>>) target_semaphore(%run_scoped3A : memref<!tpu.dma_semaphore, #tpu.memory_space<semaphore_mem>>)
      %dma_wait3A_245 = arith.constant 0 : i32
      %dma_wait3A_246 = tpu.memref_slice %arg4[%add3A_41, %dma_wait3A_245] : memref<51200x320xf32, #tpu.memory_space<hbm>> -> memref<80x320xf32, #tpu.memory_space<hbm>>
      %dma_wait3A_247 = arith.constant 0 : i32
      %dma_wait3A_248 = tpu.memref_slice %arg4[%add3A_41, %dma_wait3A_247] : memref<51200x320xf32, #tpu.memory_space<hbm>> -> memref<80x320xf32, #tpu.memory_space<hbm>>
      tpu.wait_dma2 semaphore(%run_scoped3A : memref<!tpu.dma_semaphore, #tpu.memory_space<semaphore_mem>>) src(%arg6 : memref<80x320xf32, #tpu.memory_space<vmem>>) dst(%dma_wait3A_248 : memref<80x320xf32, #tpu.memory_space<hbm>>)
      tpu.yield
    }) : () -> ()
    %dma_start3A_42 = arith.constant 320 : i32
    %dma_start3A_43 = tpu.memref_slice %arg5[%dma_start3A_42] : memref<1600xi32, #tpu.memory_space<vmem>> -> memref<80xi32, #tpu.memory_space<vmem>>
    %dma_start3A_44 = arith.constant 0 : i32
    %dma_start3A_45 = arith.constant 0 : i32
    %dma_start3A_46 = tpu.memref_slice %arg2[%dma_start3A_44, %dma_start3A_45] : memref<100000x320xf32, #tpu.memory_space<hbm>> -> memref<100000x320xf32, #tpu.memory_space<hbm>>
    tpu.enqueue_indirect_dma source(%dma_start3A_46 : memref<100000x320xf32, #tpu.memory_space<hbm>>) target(%arg6 : memref<80x320xf32, #tpu.memory_space<vmem>>) offsets(%dma_start3A_43 : memref<80xi32, #tpu.memory_space<vmem>>) semaphore(%arg8 : memref<!tpu.dma_semaphore, #tpu.memory_space<semaphore_mem>>)
    %dma_wait3A_47 = arith.constant 240 : i32
    %dma_wait3A_48 = tpu.memref_slice %arg5[%dma_wait3A_47] : memref<1600xi32, #tpu.memory_space<vmem>> -> memref<80xi32, #tpu.memory_space<vmem>>
    %dma_wait3A_49 = arith.constant 0 : i32
    %dma_wait3A_50 = arith.constant 0 : i32
    %dma_wait3A_51 = tpu.memref_slice %arg2[%dma_wait3A_49, %dma_wait3A_50] : memref<100000x320xf32, #tpu.memory_space<hbm>> -> memref<100000x320xf32, #tpu.memory_space<hbm>>
    tpu.wait_indirect_dma semaphore(%arg9 : memref<!tpu.dma_semaphore, #tpu.memory_space<semaphore_mem>>) src(%dma_wait3A_51 : memref<100000x320xf32, #tpu.memory_space<hbm>>) dst(%arg7 : memref<80x320xf32, #tpu.memory_space<vmem>>)
    %add3A_52 = arith.constant 240 : i32
    %add3A_53 = arith.addi %mul3A_2, %add3A_52 : i32
    "tpu.region"() ({
      %run_scoped3A = tpu.sem_alloc : memref<!tpu.dma_semaphore, #tpu.memory_space<semaphore_mem>>
      %dma_start3A_241 = arith.constant 0 : i32
      %dma_start3A_242 = tpu.memref_slice %arg4[%add3A_53, %dma_start3A_241] : memref<51200x320xf32, #tpu.memory_space<hbm>> -> memref<80x320xf32, #tpu.memory_space<hbm>>
      %dma_start3A_243 = arith.constant 0 : i32
      %dma_start3A_244 = tpu.memref_slice %arg4[%add3A_53, %dma_start3A_243] : memref<51200x320xf32, #tpu.memory_space<hbm>> -> memref<80x320xf32, #tpu.memory_space<hbm>>
      tpu.enqueue_dma source(%arg7 : memref<80x320xf32, #tpu.memory_space<vmem>>) target(%dma_start3A_244 : memref<80x320xf32, #tpu.memory_space<hbm>>) target_semaphore(%run_scoped3A : memref<!tpu.dma_semaphore, #tpu.memory_space<semaphore_mem>>)
      %dma_wait3A_245 = arith.constant 0 : i32
      %dma_wait3A_246 = tpu.memref_slice %arg4[%add3A_53, %dma_wait3A_245] : memref<51200x320xf32, #tpu.memory_space<hbm>> -> memref<80x320xf32, #tpu.memory_space<hbm>>
      %dma_wait3A_247 = arith.constant 0 : i32
      %dma_wait3A_248 = tpu.memref_slice %arg4[%add3A_53, %dma_wait3A_247] : memref<51200x320xf32, #tpu.memory_space<hbm>> -> memref<80x320xf32, #tpu.memory_space<hbm>>
      tpu.wait_dma2 semaphore(%run_scoped3A : memref<!tpu.dma_semaphore, #tpu.memory_space<semaphore_mem>>) src(%arg7 : memref<80x320xf32, #tpu.memory_space<vmem>>) dst(%dma_wait3A_248 : memref<80x320xf32, #tpu.memory_space<hbm>>)
      tpu.yield
    }) : () -> ()
    %dma_start3A_54 = arith.constant 400 : i32
    %dma_start3A_55 = tpu.memref_slice %arg5[%dma_start3A_54] : memref<1600xi32, #tpu.memory_space<vmem>> -> memref<80xi32, #tpu.memory_space<vmem>>
    %dma_start3A_56 = arith.constant 0 : i32
    %dma_start3A_57 = arith.constant 0 : i32
    %dma_start3A_58 = tpu.memref_slice %arg2[%dma_start3A_56, %dma_start3A_57] : memref<100000x320xf32, #tpu.memory_space<hbm>> -> memref<100000x320xf32, #tpu.memory_space<hbm>>
    tpu.enqueue_indirect_dma source(%dma_start3A_58 : memref<100000x320xf32, #tpu.memory_space<hbm>>) target(%arg7 : memref<80x320xf32, #tpu.memory_space<vmem>>) offsets(%dma_start3A_55 : memref<80xi32, #tpu.memory_space<vmem>>) semaphore(%arg9 : memref<!tpu.dma_semaphore, #tpu.memory_space<semaphore_mem>>)
    %dma_wait3A_59 = arith.constant 320 : i32
    %dma_wait3A_60 = tpu.memref_slice %arg5[%dma_wait3A_59] : memref<1600xi32, #tpu.memory_space<vmem>> -> memref<80xi32, #tpu.memory_space<vmem>>
    %dma_wait3A_61 = arith.constant 0 : i32
    %dma_wait3A_62 = arith.constant 0 : i32
    %dma_wait3A_63 = tpu.memref_slice %arg2[%dma_wait3A_61, %dma_wait3A_62] : memref<100000x320xf32, #tpu.memory_space<hbm>> -> memref<100000x320xf32, #tpu.memory_space<hbm>>
    tpu.wait_indirect_dma semaphore(%arg8 : memref<!tpu.dma_semaphore, #tpu.memory_space<semaphore_mem>>) src(%dma_wait3A_63 : memref<100000x320xf32, #tpu.memory_space<hbm>>) dst(%arg6 : memref<80x320xf32, #tpu.memory_space<vmem>>)
    %add3A_64 = arith.constant 320 : i32
    %add3A_65 = arith.addi %mul3A_2, %add3A_64 : i32
    "tpu.region"() ({
      %run_scoped3A = tpu.sem_alloc : memref<!tpu.dma_semaphore, #tpu.memory_space<semaphore_mem>>
      %dma_start3A_241 = arith.constant 0 : i32
      %dma_start3A_242 = tpu.memref_slice %arg4[%add3A_65, %dma_start3A_241] : memref<51200x320xf32, #tpu.memory_space<hbm>> -> memref<80x320xf32, #tpu.memory_space<hbm>>
      %dma_start3A_243 = arith.constant 0 : i32
      %dma_start3A_244 = tpu.memref_slice %arg4[%add3A_65, %dma_start3A_243] : memref<51200x320xf32, #tpu.memory_space<hbm>> -> memref<80x320xf32, #tpu.memory_space<hbm>>
      tpu.enqueue_dma source(%arg6 : memref<80x320xf32, #tpu.memory_space<vmem>>) target(%dma_start3A_244 : memref<80x320xf32, #tpu.memory_space<hbm>>) target_semaphore(%run_scoped3A : memref<!tpu.dma_semaphore, #tpu.memory_space<semaphore_mem>>)
      %dma_wait3A_245 = arith.constant 0 : i32
      %dma_wait3A_246 = tpu.memref_slice %arg4[%add3A_65, %dma_wait3A_245] : memref<51200x320xf32, #tpu.memory_space<hbm>> -> memref<80x320xf32, #tpu.memory_space<hbm>>
      %dma_wait3A_247 = arith.constant 0 : i32
      %dma_wait3A_248 = tpu.memref_slice %arg4[%add3A_65, %dma_wait3A_247] : memref<51200x320xf32, #tpu.memory_space<hbm>> -> memref<80x320xf32, #tpu.memory_space<hbm>>
      tpu.wait_dma2 semaphore(%run_scoped3A : memref<!tpu.dma_semaphore, #tpu.memory_space<semaphore_mem>>) src(%arg6 : memref<80x320xf32, #tpu.memory_space<vmem>>) dst(%dma_wait3A_248 : memref<80x320xf32, #tpu.memory_space<hbm>>)
      tpu.yield
    }) : () -> ()
    %dma_start3A_66 = arith.constant 480 : i32
    %dma_start3A_67 = tpu.memref_slice %arg5[%dma_start3A_66] : memref<1600xi32, #tpu.memory_space<vmem>> -> memref<80xi32, #tpu.memory_space<vmem>>
    %dma_start3A_68 = arith.constant 0 : i32
    %dma_start3A_69 = arith.constant 0 : i32
    %dma_start3A_70 = tpu.memref_slice %arg2[%dma_start3A_68, %dma_start3A_69] : memref<100000x320xf32, #tpu.memory_space<hbm>> -> memref<100000x320xf32, #tpu.memory_space<hbm>>
    tpu.enqueue_indirect_dma source(%dma_start3A_70 : memref<100000x320xf32, #tpu.memory_space<hbm>>) target(%arg6 : memref<80x320xf32, #tpu.memory_space<vmem>>) offsets(%dma_start3A_67 : memref<80xi32, #tpu.memory_space<vmem>>) semaphore(%arg8 : memref<!tpu.dma_semaphore, #tpu.memory_space<semaphore_mem>>)
    %dma_wait3A_71 = arith.constant 400 : i32
    %dma_wait3A_72 = tpu.memref_slice %arg5[%dma_wait3A_71] : memref<1600xi32, #tpu.memory_space<vmem>> -> memref<80xi32, #tpu.memory_space<vmem>>
    %dma_wait3A_73 = arith.constant 0 : i32
    %dma_wait3A_74 = arith.constant 0 : i32
    %dma_wait3A_75 = tpu.memref_slice %arg2[%dma_wait3A_73, %dma_wait3A_74] : memref<100000x320xf32, #tpu.memory_space<hbm>> -> memref<100000x320xf32, #tpu.memory_space<hbm>>
    tpu.wait_indirect_dma semaphore(%arg9 : memref<!tpu.dma_semaphore, #tpu.memory_space<semaphore_mem>>) src(%dma_wait3A_75 : memref<100000x320xf32, #tpu.memory_space<hbm>>) dst(%arg7 : memref<80x320xf32, #tpu.memory_space<vmem>>)
    %add3A_76 = arith.constant 400 : i32
    %add3A_77 = arith.addi %mul3A_2, %add3A_76 : i32
    "tpu.region"() ({
      %run_scoped3A = tpu.sem_alloc : memref<!tpu.dma_semaphore, #tpu.memory_space<semaphore_mem>>
      %dma_start3A_241 = arith.constant 0 : i32
      %dma_start3A_242 = tpu.memref_slice %arg4[%add3A_77, %dma_start3A_241] : memref<51200x320xf32, #tpu.memory_space<hbm>> -> memref<80x320xf32, #tpu.memory_space<hbm>>
      %dma_start3A_243 = arith.constant 0 : i32
      %dma_start3A_244 = tpu.memref_slice %arg4[%add3A_77, %dma_start3A_243] : memref<51200x320xf32, #tpu.memory_space<hbm>> -> memref<80x320xf32, #tpu.memory_space<hbm>>
      tpu.enqueue_dma source(%arg7 : memref<80x320xf32, #tpu.memory_space<vmem>>) target(%dma_start3A_244 : memref<80x320xf32, #tpu.memory_space<hbm>>) target_semaphore(%run_scoped3A : memref<!tpu.dma_semaphore, #tpu.memory_space<semaphore_mem>>)
      %dma_wait3A_245 = arith.constant 0 : i32
      %dma_wait3A_246 = tpu.memref_slice %arg4[%add3A_77, %dma_wait3A_245] : memref<51200x320xf32, #tpu.memory_space<hbm>> -> memref<80x320xf32, #tpu.memory_space<hbm>>
      %dma_wait3A_247 = arith.constant 0 : i32
      %dma_wait3A_248 = tpu.memref_slice %arg4[%add3A_77, %dma_wait3A_247] : memref<51200x320xf32, #tpu.memory_space<hbm>> -> memref<80x320xf32, #tpu.memory_space<hbm>>
      tpu.wait_dma2 semaphore(%run_scoped3A : memref<!tpu.dma_semaphore, #tpu.memory_space<semaphore_mem>>) src(%arg7 : memref<80x320xf32, #tpu.memory_space<vmem>>) dst(%dma_wait3A_248 : memref<80x320xf32, #tpu.memory_space<hbm>>)
      tpu.yield
    }) : () -> ()
    %dma_start3A_78 = arith.constant 560 : i32
    %dma_start3A_79 = tpu.memref_slice %arg5[%dma_start3A_78] : memref<1600xi32, #tpu.memory_space<vmem>> -> memref<80xi32, #tpu.memory_space<vmem>>
    %dma_start3A_80 = arith.constant 0 : i32
    %dma_start3A_81 = arith.constant 0 : i32
    %dma_start3A_82 = tpu.memref_slice %arg2[%dma_start3A_80, %dma_start3A_81] : memref<100000x320xf32, #tpu.memory_space<hbm>> -> memref<100000x320xf32, #tpu.memory_space<hbm>>
    tpu.enqueue_indirect_dma source(%dma_start3A_82 : memref<100000x320xf32, #tpu.memory_space<hbm>>) target(%arg7 : memref<80x320xf32, #tpu.memory_space<vmem>>) offsets(%dma_start3A_79 : memref<80xi32, #tpu.memory_space<vmem>>) semaphore(%arg9 : memref<!tpu.dma_semaphore, #tpu.memory_space<semaphore_mem>>)
    %dma_wait3A_83 = arith.constant 480 : i32
    %dma_wait3A_84 = tpu.memref_slice %arg5[%dma_wait3A_83] : memref<1600xi32, #tpu.memory_space<vmem>> -> memref<80xi32, #tpu.memory_space<vmem>>
    %dma_wait3A_85 = arith.constant 0 : i32
    %dma_wait3A_86 = arith.constant 0 : i32
    %dma_wait3A_87 = tpu.memref_slice %arg2[%dma_wait3A_85, %dma_wait3A_86] : memref<100000x320xf32, #tpu.memory_space<hbm>> -> memref<100000x320xf32, #tpu.memory_space<hbm>>
    tpu.wait_indirect_dma semaphore(%arg8 : memref<!tpu.dma_semaphore, #tpu.memory_space<semaphore_mem>>) src(%dma_wait3A_87 : memref<100000x320xf32, #tpu.memory_space<hbm>>) dst(%arg6 : memref<80x320xf32, #tpu.memory_space<vmem>>)
    %add3A_88 = arith.constant 480 : i32
    %add3A_89 = arith.addi %mul3A_2, %add3A_88 : i32
    "tpu.region"() ({
      %run_scoped3A = tpu.sem_alloc : memref<!tpu.dma_semaphore, #tpu.memory_space<semaphore_mem>>
      %dma_start3A_241 = arith.constant 0 : i32
      %dma_start3A_242 = tpu.memref_slice %arg4[%add3A_89, %dma_start3A_241] : memref<51200x320xf32, #tpu.memory_space<hbm>> -> memref<80x320xf32, #tpu.memory_space<hbm>>
      %dma_start3A_243 = arith.constant 0 : i32
      %dma_start3A_244 = tpu.memref_slice %arg4[%add3A_89, %dma_start3A_243] : memref<51200x320xf32, #tpu.memory_space<hbm>> -> memref<80x320xf32, #tpu.memory_space<hbm>>
      tpu.enqueue_dma source(%arg6 : memref<80x320xf32, #tpu.memory_space<vmem>>) target(%dma_start3A_244 : memref<80x320xf32, #tpu.memory_space<hbm>>) target_semaphore(%run_scoped3A : memref<!tpu.dma_semaphore, #tpu.memory_space<semaphore_mem>>)
      %dma_wait3A_245 = arith.constant 0 : i32
      %dma_wait3A_246 = tpu.memref_slice %arg4[%add3A_89, %dma_wait3A_245] : memref<51200x320xf32, #tpu.memory_space<hbm>> -> memref<80x320xf32, #tpu.memory_space<hbm>>
      %dma_wait3A_247 = arith.constant 0 : i32
      %dma_wait3A_248 = tpu.memref_slice %arg4[%add3A_89, %dma_wait3A_247] : memref<51200x320xf32, #tpu.memory_space<hbm>> -> memref<80x320xf32, #tpu.memory_space<hbm>>
      tpu.wait_dma2 semaphore(%run_scoped3A : memref<!tpu.dma_semaphore, #tpu.memory_space<semaphore_mem>>) src(%arg6 : memref<80x320xf32, #tpu.memory_space<vmem>>) dst(%dma_wait3A_248 : memref<80x320xf32, #tpu.memory_space<hbm>>)
      tpu.yield
    }) : () -> ()
    %dma_start3A_90 = arith.constant 640 : i32
    %dma_start3A_91 = tpu.memref_slice %arg5[%dma_start3A_90] : memref<1600xi32, #tpu.memory_space<vmem>> -> memref<80xi32, #tpu.memory_space<vmem>>
    %dma_start3A_92 = arith.constant 0 : i32
    %dma_start3A_93 = arith.constant 0 : i32
    %dma_start3A_94 = tpu.memref_slice %arg2[%dma_start3A_92, %dma_start3A_93] : memref<100000x320xf32, #tpu.memory_space<hbm>> -> memref<100000x320xf32, #tpu.memory_space<hbm>>
    tpu.enqueue_indirect_dma source(%dma_start3A_94 : memref<100000x320xf32, #tpu.memory_space<hbm>>) target(%arg6 : memref<80x320xf32, #tpu.memory_space<vmem>>) offsets(%dma_start3A_91 : memref<80xi32, #tpu.memory_space<vmem>>) semaphore(%arg8 : memref<!tpu.dma_semaphore, #tpu.memory_space<semaphore_mem>>)
    %dma_wait3A_95 = arith.constant 560 : i32
    %dma_wait3A_96 = tpu.memref_slice %arg5[%dma_wait3A_95] : memref<1600xi32, #tpu.memory_space<vmem>> -> memref<80xi32, #tpu.memory_space<vmem>>
    %dma_wait3A_97 = arith.constant 0 : i32
    %dma_wait3A_98 = arith.constant 0 : i32
    %dma_wait3A_99 = tpu.memref_slice %arg2[%dma_wait3A_97, %dma_wait3A_98] : memref<100000x320xf32, #tpu.memory_space<hbm>> -> memref<100000x320xf32, #tpu.memory_space<hbm>>
    tpu.wait_indirect_dma semaphore(%arg9 : memref<!tpu.dma_semaphore, #tpu.memory_space<semaphore_mem>>) src(%dma_wait3A_99 : memref<100000x320xf32, #tpu.memory_space<hbm>>) dst(%arg7 : memref<80x320xf32, #tpu.memory_space<vmem>>)
    %add3A_100 = arith.constant 560 : i32
    %add3A_101 = arith.addi %mul3A_2, %add3A_100 : i32
    "tpu.region"() ({
      %run_scoped3A = tpu.sem_alloc : memref<!tpu.dma_semaphore, #tpu.memory_space<semaphore_mem>>
      %dma_start3A_241 = arith.constant 0 : i32
      %dma_start3A_242 = tpu.memref_slice %arg4[%add3A_101, %dma_start3A_241] : memref<51200x320xf32, #tpu.memory_space<hbm>> -> memref<80x320xf32, #tpu.memory_space<hbm>>
      %dma_start3A_243 = arith.constant 0 : i32
      %dma_start3A_244 = tpu.memref_slice %arg4[%add3A_101, %dma_start3A_243] : memref<51200x320xf32, #tpu.memory_space<hbm>> -> memref<80x320xf32, #tpu.memory_space<hbm>>
      tpu.enqueue_dma source(%arg7 : memref<80x320xf32, #tpu.memory_space<vmem>>) target(%dma_start3A_244 : memref<80x320xf32, #tpu.memory_space<hbm>>) target_semaphore(%run_scoped3A : memref<!tpu.dma_semaphore, #tpu.memory_space<semaphore_mem>>)
      %dma_wait3A_245 = arith.constant 0 : i32
      %dma_wait3A_246 = tpu.memref_slice %arg4[%add3A_101, %dma_wait3A_245] : memref<51200x320xf32, #tpu.memory_space<hbm>> -> memref<80x320xf32, #tpu.memory_space<hbm>>
      %dma_wait3A_247 = arith.constant 0 : i32
      %dma_wait3A_248 = tpu.memref_slice %arg4[%add3A_101, %dma_wait3A_247] : memref<51200x320xf32, #tpu.memory_space<hbm>> -> memref<80x320xf32, #tpu.memory_space<hbm>>
      tpu.wait_dma2 semaphore(%run_scoped3A : memref<!tpu.dma_semaphore, #tpu.memory_space<semaphore_mem>>) src(%arg7 : memref<80x320xf32, #tpu.memory_space<vmem>>) dst(%dma_wait3A_248 : memref<80x320xf32, #tpu.memory_space<hbm>>)
      tpu.yield
    }) : () -> ()
    %dma_start3A_102 = arith.constant 720 : i32
    %dma_start3A_103 = tpu.memref_slice %arg5[%dma_start3A_102] : memref<1600xi32, #tpu.memory_space<vmem>> -> memref<80xi32, #tpu.memory_space<vmem>>
    %dma_start3A_104 = arith.constant 0 : i32
    %dma_start3A_105 = arith.constant 0 : i32
    %dma_start3A_106 = tpu.memref_slice %arg2[%dma_start3A_104, %dma_start3A_105] : memref<100000x320xf32, #tpu.memory_space<hbm>> -> memref<100000x320xf32, #tpu.memory_space<hbm>>
    tpu.enqueue_indirect_dma source(%dma_start3A_106 : memref<100000x320xf32, #tpu.memory_space<hbm>>) target(%arg7 : memref<80x320xf32, #tpu.memory_space<vmem>>) offsets(%dma_start3A_103 : memref<80xi32, #tpu.memory_space<vmem>>) semaphore(%arg9 : memref<!tpu.dma_semaphore, #tpu.memory_space<semaphore_mem>>)
    %dma_wait3A_107 = arith.constant 640 : i32
    %dma_wait3A_108 = tpu.memref_slice %arg5[%dma_wait3A_107] : memref<1600xi32, #tpu.memory_space<vmem>> -> memref<80xi32, #tpu.memory_space<vmem>>
    %dma_wait3A_109 = arith.constant 0 : i32
    %dma_wait3A_110 = arith.constant 0 : i32
    %dma_wait3A_111 = tpu.memref_slice %arg2[%dma_wait3A_109, %dma_wait3A_110] : memref<100000x320xf32, #tpu.memory_space<hbm>> -> memref<100000x320xf32, #tpu.memory_space<hbm>>
    tpu.wait_indirect_dma semaphore(%arg8 : memref<!tpu.dma_semaphore, #tpu.memory_space<semaphore_mem>>) src(%dma_wait3A_111 : memref<100000x320xf32, #tpu.memory_space<hbm>>) dst(%arg6 : memref<80x320xf32, #tpu.memory_space<vmem>>)
    %add3A_112 = arith.constant 640 : i32
    %add3A_113 = arith.addi %mul3A_2, %add3A_112 : i32
    "tpu.region"() ({
      %run_scoped3A = tpu.sem_alloc : memref<!tpu.dma_semaphore, #tpu.memory_space<semaphore_mem>>
      %dma_start3A_241 = arith.constant 0 : i32
      %dma_start3A_242 = tpu.memref_slice %arg4[%add3A_113, %dma_start3A_241] : memref<51200x320xf32, #tpu.memory_space<hbm>> -> memref<80x320xf32, #tpu.memory_space<hbm>>
      %dma_start3A_243 = arith.constant 0 : i32
      %dma_start3A_244 = tpu.memref_slice %arg4[%add3A_113, %dma_start3A_243] : memref<51200x320xf32, #tpu.memory_space<hbm>> -> memref<80x320xf32, #tpu.memory_space<hbm>>
      tpu.enqueue_dma source(%arg6 : memref<80x320xf32, #tpu.memory_space<vmem>>) target(%dma_start3A_244 : memref<80x320xf32, #tpu.memory_space<hbm>>) target_semaphore(%run_scoped3A : memref<!tpu.dma_semaphore, #tpu.memory_space<semaphore_mem>>)
      %dma_wait3A_245 = arith.constant 0 : i32
      %dma_wait3A_246 = tpu.memref_slice %arg4[%add3A_113, %dma_wait3A_245] : memref<51200x320xf32, #tpu.memory_space<hbm>> -> memref<80x320xf32, #tpu.memory_space<hbm>>
      %dma_wait3A_247 = arith.constant 0 : i32
      %dma_wait3A_248 = tpu.memref_slice %arg4[%add3A_113, %dma_wait3A_247] : memref<51200x320xf32, #tpu.memory_space<hbm>> -> memref<80x320xf32, #tpu.memory_space<hbm>>
      tpu.wait_dma2 semaphore(%run_scoped3A : memref<!tpu.dma_semaphore, #tpu.memory_space<semaphore_mem>>) src(%arg6 : memref<80x320xf32, #tpu.memory_space<vmem>>) dst(%dma_wait3A_248 : memref<80x320xf32, #tpu.memory_space<hbm>>)
      tpu.yield
    }) : () -> ()
    %dma_start3A_114 = arith.constant 800 : i32
    %dma_start3A_115 = tpu.memref_slice %arg5[%dma_start3A_114] : memref<1600xi32, #tpu.memory_space<vmem>> -> memref<80xi32, #tpu.memory_space<vmem>>
    %dma_start3A_116 = arith.constant 0 : i32
    %dma_start3A_117 = arith.constant 0 : i32
    %dma_start3A_118 = tpu.memref_slice %arg2[%dma_start3A_116, %dma_start3A_117] : memref<100000x320xf32, #tpu.memory_space<hbm>> -> memref<100000x320xf32, #tpu.memory_space<hbm>>
    tpu.enqueue_indirect_dma source(%dma_start3A_118 : memref<100000x320xf32, #tpu.memory_space<hbm>>) target(%arg6 : memref<80x320xf32, #tpu.memory_space<vmem>>) offsets(%dma_start3A_115 : memref<80xi32, #tpu.memory_space<vmem>>) semaphore(%arg8 : memref<!tpu.dma_semaphore, #tpu.memory_space<semaphore_mem>>)
    %dma_wait3A_119 = arith.constant 720 : i32
    %dma_wait3A_120 = tpu.memref_slice %arg5[%dma_wait3A_119] : memref<1600xi32, #tpu.memory_space<vmem>> -> memref<80xi32, #tpu.memory_space<vmem>>
    %dma_wait3A_121 = arith.constant 0 : i32
    %dma_wait3A_122 = arith.constant 0 : i32
    %dma_wait3A_123 = tpu.memref_slice %arg2[%dma_wait3A_121, %dma_wait3A_122] : memref<100000x320xf32, #tpu.memory_space<hbm>> -> memref<100000x320xf32, #tpu.memory_space<hbm>>
    tpu.wait_indirect_dma semaphore(%arg9 : memref<!tpu.dma_semaphore, #tpu.memory_space<semaphore_mem>>) src(%dma_wait3A_123 : memref<100000x320xf32, #tpu.memory_space<hbm>>) dst(%arg7 : memref<80x320xf32, #tpu.memory_space<vmem>>)
    %add3A_124 = arith.constant 720 : i32
    %add3A_125 = arith.addi %mul3A_2, %add3A_124 : i32
    "tpu.region"() ({
      %run_scoped3A = tpu.sem_alloc : memref<!tpu.dma_semaphore, #tpu.memory_space<semaphore_mem>>
      %dma_start3A_241 = arith.constant 0 : i32
      %dma_start3A_242 = tpu.memref_slice %arg4[%add3A_125, %dma_start3A_241] : memref<51200x320xf32, #tpu.memory_space<hbm>> -> memref<80x320xf32, #tpu.memory_space<hbm>>
      %dma_start3A_243 = arith.constant 0 : i32
      %dma_start3A_244 = tpu.memref_slice %arg4[%add3A_125, %dma_start3A_243] : memref<51200x320xf32, #tpu.memory_space<hbm>> -> memref<80x320xf32, #tpu.memory_space<hbm>>
      tpu.enqueue_dma source(%arg7 : memref<80x320xf32, #tpu.memory_space<vmem>>) target(%dma_start3A_244 : memref<80x320xf32, #tpu.memory_space<hbm>>) target_semaphore(%run_scoped3A : memref<!tpu.dma_semaphore, #tpu.memory_space<semaphore_mem>>)
      %dma_wait3A_245 = arith.constant 0 : i32
      %dma_wait3A_246 = tpu.memref_slice %arg4[%add3A_125, %dma_wait3A_245] : memref<51200x320xf32, #tpu.memory_space<hbm>> -> memref<80x320xf32, #tpu.memory_space<hbm>>
      %dma_wait3A_247 = arith.constant 0 : i32
      %dma_wait3A_248 = tpu.memref_slice %arg4[%add3A_125, %dma_wait3A_247] : memref<51200x320xf32, #tpu.memory_space<hbm>> -> memref<80x320xf32, #tpu.memory_space<hbm>>
      tpu.wait_dma2 semaphore(%run_scoped3A : memref<!tpu.dma_semaphore, #tpu.memory_space<semaphore_mem>>) src(%arg7 : memref<80x320xf32, #tpu.memory_space<vmem>>) dst(%dma_wait3A_248 : memref<80x320xf32, #tpu.memory_space<hbm>>)
      tpu.yield
    }) : () -> ()
    %dma_start3A_126 = arith.constant 880 : i32
    %dma_start3A_127 = tpu.memref_slice %arg5[%dma_start3A_126] : memref<1600xi32, #tpu.memory_space<vmem>> -> memref<80xi32, #tpu.memory_space<vmem>>
    %dma_start3A_128 = arith.constant 0 : i32
    %dma_start3A_129 = arith.constant 0 : i32
    %dma_start3A_130 = tpu.memref_slice %arg2[%dma_start3A_128, %dma_start3A_129] : memref<100000x320xf32, #tpu.memory_space<hbm>> -> memref<100000x320xf32, #tpu.memory_space<hbm>>
    tpu.enqueue_indirect_dma source(%dma_start3A_130 : memref<100000x320xf32, #tpu.memory_space<hbm>>) target(%arg7 : memref<80x320xf32, #tpu.memory_space<vmem>>) offsets(%dma_start3A_127 : memref<80xi32, #tpu.memory_space<vmem>>) semaphore(%arg9 : memref<!tpu.dma_semaphore, #tpu.memory_space<semaphore_mem>>)
    %dma_wait3A_131 = arith.constant 800 : i32
    %dma_wait3A_132 = tpu.memref_slice %arg5[%dma_wait3A_131] : memref<1600xi32, #tpu.memory_space<vmem>> -> memref<80xi32, #tpu.memory_space<vmem>>
    %dma_wait3A_133 = arith.constant 0 : i32
    %dma_wait3A_134 = arith.constant 0 : i32
    %dma_wait3A_135 = tpu.memref_slice %arg2[%dma_wait3A_133, %dma_wait3A_134] : memref<100000x320xf32, #tpu.memory_space<hbm>> -> memref<100000x320xf32, #tpu.memory_space<hbm>>
    tpu.wait_indirect_dma semaphore(%arg8 : memref<!tpu.dma_semaphore, #tpu.memory_space<semaphore_mem>>) src(%dma_wait3A_135 : memref<100000x320xf32, #tpu.memory_space<hbm>>) dst(%arg6 : memref<80x320xf32, #tpu.memory_space<vmem>>)
    %add3A_136 = arith.constant 800 : i32
    %add3A_137 = arith.addi %mul3A_2, %add3A_136 : i32
    "tpu.region"() ({
      %run_scoped3A = tpu.sem_alloc : memref<!tpu.dma_semaphore, #tpu.memory_space<semaphore_mem>>
      %dma_start3A_241 = arith.constant 0 : i32
      %dma_start3A_242 = tpu.memref_slice %arg4[%add3A_137, %dma_start3A_241] : memref<51200x320xf32, #tpu.memory_space<hbm>> -> memref<80x320xf32, #tpu.memory_space<hbm>>
      %dma_start3A_243 = arith.constant 0 : i32
      %dma_start3A_244 = tpu.memref_slice %arg4[%add3A_137, %dma_start3A_243] : memref<51200x320xf32, #tpu.memory_space<hbm>> -> memref<80x320xf32, #tpu.memory_space<hbm>>
      tpu.enqueue_dma source(%arg6 : memref<80x320xf32, #tpu.memory_space<vmem>>) target(%dma_start3A_244 : memref<80x320xf32, #tpu.memory_space<hbm>>) target_semaphore(%run_scoped3A : memref<!tpu.dma_semaphore, #tpu.memory_space<semaphore_mem>>)
      %dma_wait3A_245 = arith.constant 0 : i32
      %dma_wait3A_246 = tpu.memref_slice %arg4[%add3A_137, %dma_wait3A_245] : memref<51200x320xf32, #tpu.memory_space<hbm>> -> memref<80x320xf32, #tpu.memory_space<hbm>>
      %dma_wait3A_247 = arith.constant 0 : i32
      %dma_wait3A_248 = tpu.memref_slice %arg4[%add3A_137, %dma_wait3A_247] : memref<51200x320xf32, #tpu.memory_space<hbm>> -> memref<80x320xf32, #tpu.memory_space<hbm>>
      tpu.wait_dma2 semaphore(%run_scoped3A : memref<!tpu.dma_semaphore, #tpu.memory_space<semaphore_mem>>) src(%arg6 : memref<80x320xf32, #tpu.memory_space<vmem>>) dst(%dma_wait3A_248 : memref<80x320xf32, #tpu.memory_space<hbm>>)
      tpu.yield
    }) : () -> ()
    %dma_start3A_138 = arith.constant 960 : i32
    %dma_start3A_139 = tpu.memref_slice %arg5[%dma_start3A_138] : memref<1600xi32, #tpu.memory_space<vmem>> -> memref<80xi32, #tpu.memory_space<vmem>>
    %dma_start3A_140 = arith.constant 0 : i32
    %dma_start3A_141 = arith.constant 0 : i32
    %dma_start3A_142 = tpu.memref_slice %arg2[%dma_start3A_140, %dma_start3A_141] : memref<100000x320xf32, #tpu.memory_space<hbm>> -> memref<100000x320xf32, #tpu.memory_space<hbm>>
    tpu.enqueue_indirect_dma source(%dma_start3A_142 : memref<100000x320xf32, #tpu.memory_space<hbm>>) target(%arg6 : memref<80x320xf32, #tpu.memory_space<vmem>>) offsets(%dma_start3A_139 : memref<80xi32, #tpu.memory_space<vmem>>) semaphore(%arg8 : memref<!tpu.dma_semaphore, #tpu.memory_space<semaphore_mem>>)
    %dma_wait3A_143 = arith.constant 880 : i32
    %dma_wait3A_144 = tpu.memref_slice %arg5[%dma_wait3A_143] : memref<1600xi32, #tpu.memory_space<vmem>> -> memref<80xi32, #tpu.memory_space<vmem>>
    %dma_wait3A_145 = arith.constant 0 : i32
    %dma_wait3A_146 = arith.constant 0 : i32
    %dma_wait3A_147 = tpu.memref_slice %arg2[%dma_wait3A_145, %dma_wait3A_146] : memref<100000x320xf32, #tpu.memory_space<hbm>> -> memref<100000x320xf32, #tpu.memory_space<hbm>>
    tpu.wait_indirect_dma semaphore(%arg9 : memref<!tpu.dma_semaphore, #tpu.memory_space<semaphore_mem>>) src(%dma_wait3A_147 : memref<100000x320xf32, #tpu.memory_space<hbm>>) dst(%arg7 : memref<80x320xf32, #tpu.memory_space<vmem>>)
    %add3A_148 = arith.constant 880 : i32
    %add3A_149 = arith.addi %mul3A_2, %add3A_148 : i32
    "tpu.region"() ({
      %run_scoped3A = tpu.sem_alloc : memref<!tpu.dma_semaphore, #tpu.memory_space<semaphore_mem>>
      %dma_start3A_241 = arith.constant 0 : i32
      %dma_start3A_242 = tpu.memref_slice %arg4[%add3A_149, %dma_start3A_241] : memref<51200x320xf32, #tpu.memory_space<hbm>> -> memref<80x320xf32, #tpu.memory_space<hbm>>
      %dma_start3A_243 = arith.constant 0 : i32
      %dma_start3A_244 = tpu.memref_slice %arg4[%add3A_149, %dma_start3A_243] : memref<51200x320xf32, #tpu.memory_space<hbm>> -> memref<80x320xf32, #tpu.memory_space<hbm>>
      tpu.enqueue_dma source(%arg7 : memref<80x320xf32, #tpu.memory_space<vmem>>) target(%dma_start3A_244 : memref<80x320xf32, #tpu.memory_space<hbm>>) target_semaphore(%run_scoped3A : memref<!tpu.dma_semaphore, #tpu.memory_space<semaphore_mem>>)
      %dma_wait3A_245 = arith.constant 0 : i32
      %dma_wait3A_246 = tpu.memref_slice %arg4[%add3A_149, %dma_wait3A_245] : memref<51200x320xf32, #tpu.memory_space<hbm>> -> memref<80x320xf32, #tpu.memory_space<hbm>>
      %dma_wait3A_247 = arith.constant 0 : i32
      %dma_wait3A_248 = tpu.memref_slice %arg4[%add3A_149, %dma_wait3A_247] : memref<51200x320xf32, #tpu.memory_space<hbm>> -> memref<80x320xf32, #tpu.memory_space<hbm>>
      tpu.wait_dma2 semaphore(%run_scoped3A : memref<!tpu.dma_semaphore, #tpu.memory_space<semaphore_mem>>) src(%arg7 : memref<80x320xf32, #tpu.memory_space<vmem>>) dst(%dma_wait3A_248 : memref<80x320xf32, #tpu.memory_space<hbm>>)
      tpu.yield
    }) : () -> ()
    %dma_start3A_150 = arith.constant 1040 : i32
    %dma_start3A_151 = tpu.memref_slice %arg5[%dma_start3A_150] : memref<1600xi32, #tpu.memory_space<vmem>> -> memref<80xi32, #tpu.memory_space<vmem>>
    %dma_start3A_152 = arith.constant 0 : i32
    %dma_start3A_153 = arith.constant 0 : i32
    %dma_start3A_154 = tpu.memref_slice %arg2[%dma_start3A_152, %dma_start3A_153] : memref<100000x320xf32, #tpu.memory_space<hbm>> -> memref<100000x320xf32, #tpu.memory_space<hbm>>
    tpu.enqueue_indirect_dma source(%dma_start3A_154 : memref<100000x320xf32, #tpu.memory_space<hbm>>) target(%arg7 : memref<80x320xf32, #tpu.memory_space<vmem>>) offsets(%dma_start3A_151 : memref<80xi32, #tpu.memory_space<vmem>>) semaphore(%arg9 : memref<!tpu.dma_semaphore, #tpu.memory_space<semaphore_mem>>)
    %dma_wait3A_155 = arith.constant 960 : i32
    %dma_wait3A_156 = tpu.memref_slice %arg5[%dma_wait3A_155] : memref<1600xi32, #tpu.memory_space<vmem>> -> memref<80xi32, #tpu.memory_space<vmem>>
    %dma_wait3A_157 = arith.constant 0 : i32
    %dma_wait3A_158 = arith.constant 0 : i32
    %dma_wait3A_159 = tpu.memref_slice %arg2[%dma_wait3A_157, %dma_wait3A_158] : memref<100000x320xf32, #tpu.memory_space<hbm>> -> memref<100000x320xf32, #tpu.memory_space<hbm>>
    tpu.wait_indirect_dma semaphore(%arg8 : memref<!tpu.dma_semaphore, #tpu.memory_space<semaphore_mem>>) src(%dma_wait3A_159 : memref<100000x320xf32, #tpu.memory_space<hbm>>) dst(%arg6 : memref<80x320xf32, #tpu.memory_space<vmem>>)
    %add3A_160 = arith.constant 960 : i32
    %add3A_161 = arith.addi %mul3A_2, %add3A_160 : i32
    "tpu.region"() ({
      %run_scoped3A = tpu.sem_alloc : memref<!tpu.dma_semaphore, #tpu.memory_space<semaphore_mem>>
      %dma_start3A_241 = arith.constant 0 : i32
      %dma_start3A_242 = tpu.memref_slice %arg4[%add3A_161, %dma_start3A_241] : memref<51200x320xf32, #tpu.memory_space<hbm>> -> memref<80x320xf32, #tpu.memory_space<hbm>>
      %dma_start3A_243 = arith.constant 0 : i32
      %dma_start3A_244 = tpu.memref_slice %arg4[%add3A_161, %dma_start3A_243] : memref<51200x320xf32, #tpu.memory_space<hbm>> -> memref<80x320xf32, #tpu.memory_space<hbm>>
      tpu.enqueue_dma source(%arg6 : memref<80x320xf32, #tpu.memory_space<vmem>>) target(%dma_start3A_244 : memref<80x320xf32, #tpu.memory_space<hbm>>) target_semaphore(%run_scoped3A : memref<!tpu.dma_semaphore, #tpu.memory_space<semaphore_mem>>)
      %dma_wait3A_245 = arith.constant 0 : i32
      %dma_wait3A_246 = tpu.memref_slice %arg4[%add3A_161, %dma_wait3A_245] : memref<51200x320xf32, #tpu.memory_space<hbm>> -> memref<80x320xf32, #tpu.memory_space<hbm>>
      %dma_wait3A_247 = arith.constant 0 : i32
      %dma_wait3A_248 = tpu.memref_slice %arg4[%add3A_161, %dma_wait3A_247] : memref<51200x320xf32, #tpu.memory_space<hbm>> -> memref<80x320xf32, #tpu.memory_space<hbm>>
      tpu.wait_dma2 semaphore(%run_scoped3A : memref<!tpu.dma_semaphore, #tpu.memory_space<semaphore_mem>>) src(%arg6 : memref<80x320xf32, #tpu.memory_space<vmem>>) dst(%dma_wait3A_248 : memref<80x320xf32, #tpu.memory_space<hbm>>)
      tpu.yield
    }) : () -> ()
    %dma_start3A_162 = arith.constant 1120 : i32
    %dma_start3A_163 = tpu.memref_slice %arg5[%dma_start3A_162] : memref<1600xi32, #tpu.memory_space<vmem>> -> memref<80xi32, #tpu.memory_space<vmem>>
    %dma_start3A_164 = arith.constant 0 : i32
    %dma_start3A_165 = arith.constant 0 : i32
    %dma_start3A_166 = tpu.memref_slice %arg2[%dma_start3A_164, %dma_start3A_165] : memref<100000x320xf32, #tpu.memory_space<hbm>> -> memref<100000x320xf32, #tpu.memory_space<hbm>>
    tpu.enqueue_indirect_dma source(%dma_start3A_166 : memref<100000x320xf32, #tpu.memory_space<hbm>>) target(%arg6 : memref<80x320xf32, #tpu.memory_space<vmem>>) offsets(%dma_start3A_163 : memref<80xi32, #tpu.memory_space<vmem>>) semaphore(%arg8 : memref<!tpu.dma_semaphore, #tpu.memory_space<semaphore_mem>>)
    %dma_wait3A_167 = arith.constant 1040 : i32
    %dma_wait3A_168 = tpu.memref_slice %arg5[%dma_wait3A_167] : memref<1600xi32, #tpu.memory_space<vmem>> -> memref<80xi32, #tpu.memory_space<vmem>>
    %dma_wait3A_169 = arith.constant 0 : i32
    %dma_wait3A_170 = arith.constant 0 : i32
    %dma_wait3A_171 = tpu.memref_slice %arg2[%dma_wait3A_169, %dma_wait3A_170] : memref<100000x320xf32, #tpu.memory_space<hbm>> -> memref<100000x320xf32, #tpu.memory_space<hbm>>
    tpu.wait_indirect_dma semaphore(%arg9 : memref<!tpu.dma_semaphore, #tpu.memory_space<semaphore_mem>>) src(%dma_wait3A_171 : memref<100000x320xf32, #tpu.memory_space<hbm>>) dst(%arg7 : memref<80x320xf32, #tpu.memory_space<vmem>>)
    %add3A_172 = arith.constant 1040 : i32
    %add3A_173 = arith.addi %mul3A_2, %add3A_172 : i32
    "tpu.region"() ({
      %run_scoped3A = tpu.sem_alloc : memref<!tpu.dma_semaphore, #tpu.memory_space<semaphore_mem>>
      %dma_start3A_241 = arith.constant 0 : i32
      %dma_start3A_242 = tpu.memref_slice %arg4[%add3A_173, %dma_start3A_241] : memref<51200x320xf32, #tpu.memory_space<hbm>> -> memref<80x320xf32, #tpu.memory_space<hbm>>
      %dma_start3A_243 = arith.constant 0 : i32
      %dma_start3A_244 = tpu.memref_slice %arg4[%add3A_173, %dma_start3A_243] : memref<51200x320xf32, #tpu.memory_space<hbm>> -> memref<80x320xf32, #tpu.memory_space<hbm>>
      tpu.enqueue_dma source(%arg7 : memref<80x320xf32, #tpu.memory_space<vmem>>) target(%dma_start3A_244 : memref<80x320xf32, #tpu.memory_space<hbm>>) target_semaphore(%run_scoped3A : memref<!tpu.dma_semaphore, #tpu.memory_space<semaphore_mem>>)
      %dma_wait3A_245 = arith.constant 0 : i32
      %dma_wait3A_246 = tpu.memref_slice %arg4[%add3A_173, %dma_wait3A_245] : memref<51200x320xf32, #tpu.memory_space<hbm>> -> memref<80x320xf32, #tpu.memory_space<hbm>>
      %dma_wait3A_247 = arith.constant 0 : i32
      %dma_wait3A_248 = tpu.memref_slice %arg4[%add3A_173, %dma_wait3A_247] : memref<51200x320xf32, #tpu.memory_space<hbm>> -> memref<80x320xf32, #tpu.memory_space<hbm>>
      tpu.wait_dma2 semaphore(%run_scoped3A : memref<!tpu.dma_semaphore, #tpu.memory_space<semaphore_mem>>) src(%arg7 : memref<80x320xf32, #tpu.memory_space<vmem>>) dst(%dma_wait3A_248 : memref<80x320xf32, #tpu.memory_space<hbm>>)
      tpu.yield
    }) : () -> ()
    %dma_start3A_174 = arith.constant 1200 : i32
    %dma_start3A_175 = tpu.memref_slice %arg5[%dma_start3A_174] : memref<1600xi32, #tpu.memory_space<vmem>> -> memref<80xi32, #tpu.memory_space<vmem>>
    %dma_start3A_176 = arith.constant 0 : i32
    %dma_start3A_177 = arith.constant 0 : i32
    %dma_start3A_178 = tpu.memref_slice %arg2[%dma_start3A_176, %dma_start3A_177] : memref<100000x320xf32, #tpu.memory_space<hbm>> -> memref<100000x320xf32, #tpu.memory_space<hbm>>
    tpu.enqueue_indirect_dma source(%dma_start3A_178 : memref<100000x320xf32, #tpu.memory_space<hbm>>) target(%arg7 : memref<80x320xf32, #tpu.memory_space<vmem>>) offsets(%dma_start3A_175 : memref<80xi32, #tpu.memory_space<vmem>>) semaphore(%arg9 : memref<!tpu.dma_semaphore, #tpu.memory_space<semaphore_mem>>)
    %dma_wait3A_179 = arith.constant 1120 : i32
    %dma_wait3A_180 = tpu.memref_slice %arg5[%dma_wait3A_179] : memref<1600xi32, #tpu.memory_space<vmem>> -> memref<80xi32, #tpu.memory_space<vmem>>
    %dma_wait3A_181 = arith.constant 0 : i32
    %dma_wait3A_182 = arith.constant 0 : i32
    %dma_wait3A_183 = tpu.memref_slice %arg2[%dma_wait3A_181, %dma_wait3A_182] : memref<100000x320xf32, #tpu.memory_space<hbm>> -> memref<100000x320xf32, #tpu.memory_space<hbm>>
    tpu.wait_indirect_dma semaphore(%arg8 : memref<!tpu.dma_semaphore, #tpu.memory_space<semaphore_mem>>) src(%dma_wait3A_183 : memref<100000x320xf32, #tpu.memory_space<hbm>>) dst(%arg6 : memref<80x320xf32, #tpu.memory_space<vmem>>)
    %add3A_184 = arith.constant 1120 : i32
    %add3A_185 = arith.addi %mul3A_2, %add3A_184 : i32
    "tpu.region"() ({
      %run_scoped3A = tpu.sem_alloc : memref<!tpu.dma_semaphore, #tpu.memory_space<semaphore_mem>>
      %dma_start3A_241 = arith.constant 0 : i32
      %dma_start3A_242 = tpu.memref_slice %arg4[%add3A_185, %dma_start3A_241] : memref<51200x320xf32, #tpu.memory_space<hbm>> -> memref<80x320xf32, #tpu.memory_space<hbm>>
      %dma_start3A_243 = arith.constant 0 : i32
      %dma_start3A_244 = tpu.memref_slice %arg4[%add3A_185, %dma_start3A_243] : memref<51200x320xf32, #tpu.memory_space<hbm>> -> memref<80x320xf32, #tpu.memory_space<hbm>>
      tpu.enqueue_dma source(%arg6 : memref<80x320xf32, #tpu.memory_space<vmem>>) target(%dma_start3A_244 : memref<80x320xf32, #tpu.memory_space<hbm>>) target_semaphore(%run_scoped3A : memref<!tpu.dma_semaphore, #tpu.memory_space<semaphore_mem>>)
      %dma_wait3A_245 = arith.constant 0 : i32
      %dma_wait3A_246 = tpu.memref_slice %arg4[%add3A_185, %dma_wait3A_245] : memref<51200x320xf32, #tpu.memory_space<hbm>> -> memref<80x320xf32, #tpu.memory_space<hbm>>
      %dma_wait3A_247 = arith.constant 0 : i32
      %dma_wait3A_248 = tpu.memref_slice %arg4[%add3A_185, %dma_wait3A_247] : memref<51200x320xf32, #tpu.memory_space<hbm>> -> memref<80x320xf32, #tpu.memory_space<hbm>>
      tpu.wait_dma2 semaphore(%run_scoped3A : memref<!tpu.dma_semaphore, #tpu.memory_space<semaphore_mem>>) src(%arg6 : memref<80x320xf32, #tpu.memory_space<vmem>>) dst(%dma_wait3A_248 : memref<80x320xf32, #tpu.memory_space<hbm>>)
      tpu.yield
    }) : () -> ()
    %dma_start3A_186 = arith.constant 1280 : i32
    %dma_start3A_187 = tpu.memref_slice %arg5[%dma_start3A_186] : memref<1600xi32, #tpu.memory_space<vmem>> -> memref<80xi32, #tpu.memory_space<vmem>>
    %dma_start3A_188 = arith.constant 0 : i32
    %dma_start3A_189 = arith.constant 0 : i32
    %dma_start3A_190 = tpu.memref_slice %arg2[%dma_start3A_188, %dma_start3A_189] : memref<100000x320xf32, #tpu.memory_space<hbm>> -> memref<100000x320xf32, #tpu.memory_space<hbm>>
    tpu.enqueue_indirect_dma source(%dma_start3A_190 : memref<100000x320xf32, #tpu.memory_space<hbm>>) target(%arg6 : memref<80x320xf32, #tpu.memory_space<vmem>>) offsets(%dma_start3A_187 : memref<80xi32, #tpu.memory_space<vmem>>) semaphore(%arg8 : memref<!tpu.dma_semaphore, #tpu.memory_space<semaphore_mem>>)
    %dma_wait3A_191 = arith.constant 1200 : i32
    %dma_wait3A_192 = tpu.memref_slice %arg5[%dma_wait3A_191] : memref<1600xi32, #tpu.memory_space<vmem>> -> memref<80xi32, #tpu.memory_space<vmem>>
    %dma_wait3A_193 = arith.constant 0 : i32
    %dma_wait3A_194 = arith.constant 0 : i32
    %dma_wait3A_195 = tpu.memref_slice %arg2[%dma_wait3A_193, %dma_wait3A_194] : memref<100000x320xf32, #tpu.memory_space<hbm>> -> memref<100000x320xf32, #tpu.memory_space<hbm>>
    tpu.wait_indirect_dma semaphore(%arg9 : memref<!tpu.dma_semaphore, #tpu.memory_space<semaphore_mem>>) src(%dma_wait3A_195 : memref<100000x320xf32, #tpu.memory_space<hbm>>) dst(%arg7 : memref<80x320xf32, #tpu.memory_space<vmem>>)
    %add3A_196 = arith.constant 1200 : i32
    %add3A_197 = arith.addi %mul3A_2, %add3A_196 : i32
    "tpu.region"() ({
      %run_scoped3A = tpu.sem_alloc : memref<!tpu.dma_semaphore, #tpu.memory_space<semaphore_mem>>
      %dma_start3A_241 = arith.constant 0 : i32
      %dma_start3A_242 = tpu.memref_slice %arg4[%add3A_197, %dma_start3A_241] : memref<51200x320xf32, #tpu.memory_space<hbm>> -> memref<80x320xf32, #tpu.memory_space<hbm>>
      %dma_start3A_243 = arith.constant 0 : i32
      %dma_start3A_244 = tpu.memref_slice %arg4[%add3A_197, %dma_start3A_243] : memref<51200x320xf32, #tpu.memory_space<hbm>> -> memref<80x320xf32, #tpu.memory_space<hbm>>
      tpu.enqueue_dma source(%arg7 : memref<80x320xf32, #tpu.memory_space<vmem>>) target(%dma_start3A_244 : memref<80x320xf32, #tpu.memory_space<hbm>>) target_semaphore(%run_scoped3A : memref<!tpu.dma_semaphore, #tpu.memory_space<semaphore_mem>>)
      %dma_wait3A_245 = arith.constant 0 : i32
      %dma_wait3A_246 = tpu.memref_slice %arg4[%add3A_197, %dma_wait3A_245] : memref<51200x320xf32, #tpu.memory_space<hbm>> -> memref<80x320xf32, #tpu.memory_space<hbm>>
      %dma_wait3A_247 = arith.constant 0 : i32
      %dma_wait3A_248 = tpu.memref_slice %arg4[%add3A_197, %dma_wait3A_247] : memref<51200x320xf32, #tpu.memory_space<hbm>> -> memref<80x320xf32, #tpu.memory_space<hbm>>
      tpu.wait_dma2 semaphore(%run_scoped3A : memref<!tpu.dma_semaphore, #tpu.memory_space<semaphore_mem>>) src(%arg7 : memref<80x320xf32, #tpu.memory_space<vmem>>) dst(%dma_wait3A_248 : memref<80x320xf32, #tpu.memory_space<hbm>>)
      tpu.yield
    }) : () -> ()
    %dma_start3A_198 = arith.constant 1360 : i32
    %dma_start3A_199 = tpu.memref_slice %arg5[%dma_start3A_198] : memref<1600xi32, #tpu.memory_space<vmem>> -> memref<80xi32, #tpu.memory_space<vmem>>
    %dma_start3A_200 = arith.constant 0 : i32
    %dma_start3A_201 = arith.constant 0 : i32
    %dma_start3A_202 = tpu.memref_slice %arg2[%dma_start3A_200, %dma_start3A_201] : memref<100000x320xf32, #tpu.memory_space<hbm>> -> memref<100000x320xf32, #tpu.memory_space<hbm>>
    tpu.enqueue_indirect_dma source(%dma_start3A_202 : memref<100000x320xf32, #tpu.memory_space<hbm>>) target(%arg7 : memref<80x320xf32, #tpu.memory_space<vmem>>) offsets(%dma_start3A_199 : memref<80xi32, #tpu.memory_space<vmem>>) semaphore(%arg9 : memref<!tpu.dma_semaphore, #tpu.memory_space<semaphore_mem>>)
    %dma_wait3A_203 = arith.constant 1280 : i32
    %dma_wait3A_204 = tpu.memref_slice %arg5[%dma_wait3A_203] : memref<1600xi32, #tpu.memory_space<vmem>> -> memref<80xi32, #tpu.memory_space<vmem>>
    %dma_wait3A_205 = arith.constant 0 : i32
    %dma_wait3A_206 = arith.constant 0 : i32
    %dma_wait3A_207 = tpu.memref_slice %arg2[%dma_wait3A_205, %dma_wait3A_206] : memref<100000x320xf32, #tpu.memory_space<hbm>> -> memref<100000x320xf32, #tpu.memory_space<hbm>>
    tpu.wait_indirect_dma semaphore(%arg8 : memref<!tpu.dma_semaphore, #tpu.memory_space<semaphore_mem>>) src(%dma_wait3A_207 : memref<100000x320xf32, #tpu.memory_space<hbm>>) dst(%arg6 : memref<80x320xf32, #tpu.memory_space<vmem>>)
    %add3A_208 = arith.constant 1280 : i32
    %add3A_209 = arith.addi %mul3A_2, %add3A_208 : i32
    "tpu.region"() ({
      %run_scoped3A = tpu.sem_alloc : memref<!tpu.dma_semaphore, #tpu.memory_space<semaphore_mem>>
      %dma_start3A_241 = arith.constant 0 : i32
      %dma_start3A_242 = tpu.memref_slice %arg4[%add3A_209, %dma_start3A_241] : memref<51200x320xf32, #tpu.memory_space<hbm>> -> memref<80x320xf32, #tpu.memory_space<hbm>>
      %dma_start3A_243 = arith.constant 0 : i32
      %dma_start3A_244 = tpu.memref_slice %arg4[%add3A_209, %dma_start3A_243] : memref<51200x320xf32, #tpu.memory_space<hbm>> -> memref<80x320xf32, #tpu.memory_space<hbm>>
      tpu.enqueue_dma source(%arg6 : memref<80x320xf32, #tpu.memory_space<vmem>>) target(%dma_start3A_244 : memref<80x320xf32, #tpu.memory_space<hbm>>) target_semaphore(%run_scoped3A : memref<!tpu.dma_semaphore, #tpu.memory_space<semaphore_mem>>)
      %dma_wait3A_245 = arith.constant 0 : i32
      %dma_wait3A_246 = tpu.memref_slice %arg4[%add3A_209, %dma_wait3A_245] : memref<51200x320xf32, #tpu.memory_space<hbm>> -> memref<80x320xf32, #tpu.memory_space<hbm>>
      %dma_wait3A_247 = arith.constant 0 : i32
      %dma_wait3A_248 = tpu.memref_slice %arg4[%add3A_209, %dma_wait3A_247] : memref<51200x320xf32, #tpu.memory_space<hbm>> -> memref<80x320xf32, #tpu.memory_space<hbm>>
      tpu.wait_dma2 semaphore(%run_scoped3A : memref<!tpu.dma_semaphore, #tpu.memory_space<semaphore_mem>>) src(%arg6 : memref<80x320xf32, #tpu.memory_space<vmem>>) dst(%dma_wait3A_248 : memref<80x320xf32, #tpu.memory_space<hbm>>)
      tpu.yield
    }) : () -> ()
    %dma_start3A_210 = arith.constant 1440 : i32
    %dma_start3A_211 = tpu.memref_slice %arg5[%dma_start3A_210] : memref<1600xi32, #tpu.memory_space<vmem>> -> memref<80xi32, #tpu.memory_space<vmem>>
    %dma_start3A_212 = arith.constant 0 : i32
    %dma_start3A_213 = arith.constant 0 : i32
    %dma_start3A_214 = tpu.memref_slice %arg2[%dma_start3A_212, %dma_start3A_213] : memref<100000x320xf32, #tpu.memory_space<hbm>> -> memref<100000x320xf32, #tpu.memory_space<hbm>>
    tpu.enqueue_indirect_dma source(%dma_start3A_214 : memref<100000x320xf32, #tpu.memory_space<hbm>>) target(%arg6 : memref<80x320xf32, #tpu.memory_space<vmem>>) offsets(%dma_start3A_211 : memref<80xi32, #tpu.memory_space<vmem>>) semaphore(%arg8 : memref<!tpu.dma_semaphore, #tpu.memory_space<semaphore_mem>>)
    %dma_wait3A_215 = arith.constant 1360 : i32
    %dma_wait3A_216 = tpu.memref_slice %arg5[%dma_wait3A_215] : memref<1600xi32, #tpu.memory_space<vmem>> -> memref<80xi32, #tpu.memory_space<vmem>>
    %dma_wait3A_217 = arith.constant 0 : i32
    %dma_wait3A_218 = arith.constant 0 : i32
    %dma_wait3A_219 = tpu.memref_slice %arg2[%dma_wait3A_217, %dma_wait3A_218] : memref<100000x320xf32, #tpu.memory_space<hbm>> -> memref<100000x320xf32, #tpu.memory_space<hbm>>
    tpu.wait_indirect_dma semaphore(%arg9 : memref<!tpu.dma_semaphore, #tpu.memory_space<semaphore_mem>>) src(%dma_wait3A_219 : memref<100000x320xf32, #tpu.memory_space<hbm>>) dst(%arg7 : memref<80x320xf32, #tpu.memory_space<vmem>>)
    %add3A_220 = arith.constant 1360 : i32
    %add3A_221 = arith.addi %mul3A_2, %add3A_220 : i32
    "tpu.region"() ({
      %run_scoped3A = tpu.sem_alloc : memref<!tpu.dma_semaphore, #tpu.memory_space<semaphore_mem>>
      %dma_start3A_241 = arith.constant 0 : i32
      %dma_start3A_242 = tpu.memref_slice %arg4[%add3A_221, %dma_start3A_241] : memref<51200x320xf32, #tpu.memory_space<hbm>> -> memref<80x320xf32, #tpu.memory_space<hbm>>
      %dma_start3A_243 = arith.constant 0 : i32
      %dma_start3A_244 = tpu.memref_slice %arg4[%add3A_221, %dma_start3A_243] : memref<51200x320xf32, #tpu.memory_space<hbm>> -> memref<80x320xf32, #tpu.memory_space<hbm>>
      tpu.enqueue_dma source(%arg7 : memref<80x320xf32, #tpu.memory_space<vmem>>) target(%dma_start3A_244 : memref<80x320xf32, #tpu.memory_space<hbm>>) target_semaphore(%run_scoped3A : memref<!tpu.dma_semaphore, #tpu.memory_space<semaphore_mem>>)
      %dma_wait3A_245 = arith.constant 0 : i32
      %dma_wait3A_246 = tpu.memref_slice %arg4[%add3A_221, %dma_wait3A_245] : memref<51200x320xf32, #tpu.memory_space<hbm>> -> memref<80x320xf32, #tpu.memory_space<hbm>>
      %dma_wait3A_247 = arith.constant 0 : i32
      %dma_wait3A_248 = tpu.memref_slice %arg4[%add3A_221, %dma_wait3A_247] : memref<51200x320xf32, #tpu.memory_space<hbm>> -> memref<80x320xf32, #tpu.memory_space<hbm>>
      tpu.wait_dma2 semaphore(%run_scoped3A : memref<!tpu.dma_semaphore, #tpu.memory_space<semaphore_mem>>) src(%arg7 : memref<80x320xf32, #tpu.memory_space<vmem>>) dst(%dma_wait3A_248 : memref<80x320xf32, #tpu.memory_space<hbm>>)
      tpu.yield
    }) : () -> ()
    %dma_start3A_222 = arith.constant 1520 : i32
    %dma_start3A_223 = tpu.memref_slice %arg5[%dma_start3A_222] : memref<1600xi32, #tpu.memory_space<vmem>> -> memref<80xi32, #tpu.memory_space<vmem>>
    %dma_start3A_224 = arith.constant 0 : i32
    %dma_start3A_225 = arith.constant 0 : i32
    %dma_start3A_226 = tpu.memref_slice %arg2[%dma_start3A_224, %dma_start3A_225] : memref<100000x320xf32, #tpu.memory_space<hbm>> -> memref<100000x320xf32, #tpu.memory_space<hbm>>
    tpu.enqueue_indirect_dma source(%dma_start3A_226 : memref<100000x320xf32, #tpu.memory_space<hbm>>) target(%arg7 : memref<80x320xf32, #tpu.memory_space<vmem>>) offsets(%dma_start3A_223 : memref<80xi32, #tpu.memory_space<vmem>>) semaphore(%arg9 : memref<!tpu.dma_semaphore, #tpu.memory_space<semaphore_mem>>)
    %dma_wait3A_227 = arith.constant 1440 : i32
    %dma_wait3A_228 = tpu.memref_slice %arg5[%dma_wait3A_227] : memref<1600xi32, #tpu.memory_space<vmem>> -> memref<80xi32, #tpu.memory_space<vmem>>
    %dma_wait3A_229 = arith.constant 0 : i32
    %dma_wait3A_230 = arith.constant 0 : i32
    %dma_wait3A_231 = tpu.memref_slice %arg2[%dma_wait3A_229, %dma_wait3A_230] : memref<100000x320xf32, #tpu.memory_space<hbm>> -> memref<100000x320xf32, #tpu.memory_space<hbm>>
    tpu.wait_indirect_dma semaphore(%arg8 : memref<!tpu.dma_semaphore, #tpu.memory_space<semaphore_mem>>) src(%dma_wait3A_231 : memref<100000x320xf32, #tpu.memory_space<hbm>>) dst(%arg6 : memref<80x320xf32, #tpu.memory_space<vmem>>)
    %add3A_232 = arith.constant 1440 : i32
    %add3A_233 = arith.addi %mul3A_2, %add3A_232 : i32
    "tpu.region"() ({
      %run_scoped3A = tpu.sem_alloc : memref<!tpu.dma_semaphore, #tpu.memory_space<semaphore_mem>>
      %dma_start3A_241 = arith.constant 0 : i32
      %dma_start3A_242 = tpu.memref_slice %arg4[%add3A_233, %dma_start3A_241] : memref<51200x320xf32, #tpu.memory_space<hbm>> -> memref<80x320xf32, #tpu.memory_space<hbm>>
      %dma_start3A_243 = arith.constant 0 : i32
      %dma_start3A_244 = tpu.memref_slice %arg4[%add3A_233, %dma_start3A_243] : memref<51200x320xf32, #tpu.memory_space<hbm>> -> memref<80x320xf32, #tpu.memory_space<hbm>>
      tpu.enqueue_dma source(%arg6 : memref<80x320xf32, #tpu.memory_space<vmem>>) target(%dma_start3A_244 : memref<80x320xf32, #tpu.memory_space<hbm>>) target_semaphore(%run_scoped3A : memref<!tpu.dma_semaphore, #tpu.memory_space<semaphore_mem>>)
      %dma_wait3A_245 = arith.constant 0 : i32
      %dma_wait3A_246 = tpu.memref_slice %arg4[%add3A_233, %dma_wait3A_245] : memref<51200x320xf32, #tpu.memory_space<hbm>> -> memref<80x320xf32, #tpu.memory_space<hbm>>
      %dma_wait3A_247 = arith.constant 0 : i32
      %dma_wait3A_248 = tpu.memref_slice %arg4[%add3A_233, %dma_wait3A_247] : memref<51200x320xf32, #tpu.memory_space<hbm>> -> memref<80x320xf32, #tpu.memory_space<hbm>>
      tpu.wait_dma2 semaphore(%run_scoped3A : memref<!tpu.dma_semaphore, #tpu.memory_space<semaphore_mem>>) src(%arg6 : memref<80x320xf32, #tpu.memory_space<vmem>>) dst(%dma_wait3A_248 : memref<80x320xf32, #tpu.memory_space<hbm>>)
      tpu.yield
    }) : () -> ()
    %dma_wait3A_234 = arith.constant 1520 : i32
    %dma_wait3A_235 = tpu.memref_slice %arg5[%dma_wait3A_234] : memref<1600xi32, #tpu.memory_space<vmem>> -> memref<80xi32, #tpu.memory_space<vmem>>
    %dma_wait3A_236 = arith.constant 0 : i32
    %dma_wait3A_237 = arith.constant 0 : i32
    %dma_wait3A_238 = tpu.memref_slice %arg2[%dma_wait3A_236, %dma_wait3A_237] : memref<100000x320xf32, #tpu.memory_space<hbm>> -> memref<100000x320xf32, #tpu.memory_space<hbm>>
    tpu.wait_indirect_dma semaphore(%arg9 : memref<!tpu.dma_semaphore, #tpu.memory_space<semaphore_mem>>) src(%dma_wait3A_238 : memref<100000x320xf32, #tpu.memory_space<hbm>>) dst(%arg7 : memref<80x320xf32, #tpu.memory_space<vmem>>)
    %add3A_239 = arith.constant 1520 : i32
    %add3A_240 = arith.addi %mul3A_2, %add3A_239 : i32
    "tpu.region"() ({
      %run_scoped3A = tpu.sem_alloc : memref<!tpu.dma_semaphore, #tpu.memory_space<semaphore_mem>>
      %dma_start3A_241 = arith.constant 0 : i32
      %dma_start3A_242 = tpu.memref_slice %arg4[%add3A_240, %dma_start3A_241] : memref<51200x320xf32, #tpu.memory_space<hbm>> -> memref<80x320xf32, #tpu.memory_space<hbm>>
      %dma_start3A_243 = arith.constant 0 : i32
      %dma_start3A_244 = tpu.memref_slice %arg4[%add3A_240, %dma_start3A_243] : memref<51200x320xf32, #tpu.memory_space<hbm>> -> memref<80x320xf32, #tpu.memory_space<hbm>>
      tpu.enqueue_dma source(%arg7 : memref<80x320xf32, #tpu.memory_space<vmem>>) target(%dma_start3A_244 : memref<80x320xf32, #tpu.memory_space<hbm>>) target_semaphore(%run_scoped3A : memref<!tpu.dma_semaphore, #tpu.memory_space<semaphore_mem>>)
      %dma_wait3A_245 = arith.constant 0 : i32
      %dma_wait3A_246 = tpu.memref_slice %arg4[%add3A_240, %dma_wait3A_245] : memref<51200x320xf32, #tpu.memory_space<hbm>> -> memref<80x320xf32, #tpu.memory_space<hbm>>
      %dma_wait3A_247 = arith.constant 0 : i32
      %dma_wait3A_248 = tpu.memref_slice %arg4[%add3A_240, %dma_wait3A_247] : memref<51200x320xf32, #tpu.memory_space<hbm>> -> memref<80x320xf32, #tpu.memory_space<hbm>>
      tpu.wait_dma2 semaphore(%run_scoped3A : memref<!tpu.dma_semaphore, #tpu.memory_space<semaphore_mem>>) src(%arg7 : memref<80x320xf32, #tpu.memory_space<vmem>>) dst(%dma_wait3A_248 : memref<80x320xf32, #tpu.memory_space<hbm>>)
      tpu.yield
    }) : () -> ()
    return
  }
}

module attributes {stable_mosaic.version = 14 : i64} {
  func.func @_table_kernel(%arg0: i32, %arg1: memref<1000x64xf32, #tpu.memory_space<vmem>>, %arg2: memref<1000x512xf32, #tpu.memory_space<vmem>>, %arg3: memref<1000x512xf32, #tpu.memory_space<vmem>>, %arg4: memref<512x64xf32, #tpu.memory_space<vmem>>, %arg5: memref<1x64xf32, #tpu.memory_space<vmem>>, %arg6: memref<512x64xf32, #tpu.memory_space<vmem>>, %arg7: memref<1x64xf32, #tpu.memory_space<vmem>>, %arg8: memref<64x64xf32, #tpu.memory_space<vmem>>, %arg9: memref<1x64xf32, #tpu.memory_space<vmem>>, %arg10: memref<64x64xf32, #tpu.memory_space<vmem>>, %arg11: memref<1x64xf32, #tpu.memory_space<vmem>>, %arg12: memref<64x64xf32, #tpu.memory_space<vmem>>, %arg13: memref<1x64xf32, #tpu.memory_space<vmem>>, %arg14: memref<64x64xf32, #tpu.memory_space<vmem>>, %arg15: memref<1x64xf32, #tpu.memory_space<vmem>>, %arg16: memref<1000x320xf32, #tpu.memory_space<vmem>>) attributes {dimension_semantics = [#tpu.dimension_semantics<arbitrary>], iteration_bounds = array<i64: 100>, scalar_prefetch = 0 : i64, scratch_operands = 0 : i64, tpu.core_type = #tpu.core_type<tc>, window_params = [{transform_indices = @transform_0, window_bounds = array<i64: 1000, 64>}, {transform_indices = @transform_1, window_bounds = array<i64: 1000, 512>}, {transform_indices = @transform_2, window_bounds = array<i64: 1000, 512>}, {pipeline_mode = #tpu.pipeline_mode<synchronous>, transform_indices = @transform_3, window_bounds = array<i64: 512, 64>}, {pipeline_mode = #tpu.pipeline_mode<synchronous>, transform_indices = @transform_4, window_bounds = array<i64: 1, 64>}, {pipeline_mode = #tpu.pipeline_mode<synchronous>, transform_indices = @transform_5, window_bounds = array<i64: 512, 64>}, {pipeline_mode = #tpu.pipeline_mode<synchronous>, transform_indices = @transform_6, window_bounds = array<i64: 1, 64>}, {pipeline_mode = #tpu.pipeline_mode<synchronous>, transform_indices = @transform_7, window_bounds = array<i64: 64, 64>}, {pipeline_mode = #tpu.pipeline_mode<synchronous>, transform_indices = @transform_8, window_bounds = array<i64: 1, 64>}, {pipeline_mode = #tpu.pipeline_mode<synchronous>, transform_indices = @transform_9, window_bounds = array<i64: 64, 64>}, {pipeline_mode = #tpu.pipeline_mode<synchronous>, transform_indices = @transform_10, window_bounds = array<i64: 1, 64>}, {pipeline_mode = #tpu.pipeline_mode<synchronous>, transform_indices = @transform_11, window_bounds = array<i64: 64, 64>}, {pipeline_mode = #tpu.pipeline_mode<synchronous>, transform_indices = @transform_12, window_bounds = array<i64: 1, 64>}, {pipeline_mode = #tpu.pipeline_mode<synchronous>, transform_indices = @transform_13, window_bounds = array<i64: 64, 64>}, {pipeline_mode = #tpu.pipeline_mode<synchronous>, transform_indices = @transform_14, window_bounds = array<i64: 1, 64>}, {transform_indices = @transform_15, window_bounds = array<i64: 1000, 320>}]} {
    %get3A = arith.constant 0 : index
    %get3A_0 = arith.constant 0 : index
    %get3A_1 = vector.load %arg2[%get3A, %get3A_0] : memref<1000x512xf32, #tpu.memory_space<vmem>>, vector<1000x512xf32>
    %get3A_2 = arith.constant 0 : index
    %get3A_3 = arith.constant 0 : index
    %get3A_4 = vector.load %arg4[%get3A_2, %get3A_3] : memref<512x64xf32, #tpu.memory_space<vmem>>, vector<512x64xf32>
    %dot_general3A = arith.constant dense<0.000000e+00> : vector<1000x64xf32>
    %dot_general3A_5 = tpu.matmul %get3A_1, %get3A_4, %dot_general3A {dimension_numbers = #tpu.dot_dimension_numbers<[1], [0], [0], [1], [0, 0, 1, 1], [], []>, transpose_lhs_hint = false} : vector<1000x512xf32>, vector<512x64xf32>, vector<1000x64xf32> -> vector<1000x64xf32>
    %get3A_6 = arith.constant 0 : index
    %get3A_7 = arith.constant 0 : index
    %get3A_8 = vector.load %arg5[%get3A_6, %get3A_7] : memref<1x64xf32, #tpu.memory_space<vmem>>, vector<1x64xf32>
    %add3A = vector.broadcast %get3A_8 : vector<1x64xf32> to vector<1000x64xf32>
    %add3A_9 = arith.addf %dot_general3A_5, %add3A : vector<1000x64xf32>
    %mul3A = arith.mulf %add3A_9, %add3A_9 : vector<1000x64xf32>
    %reduce_sum3A = arith.constant dense<0.000000e+00> : vector<1000xf32>
    %reduce_sum3A_10 = vector.multi_reduction <add>, %mul3A, %reduce_sum3A [1] : vector<1000x64xf32> to vector<1000xf32>
    %broadcast_in_dim3A = vector.shape_cast %reduce_sum3A_10 : vector<1000xf32> to vector<1000x1xf32>
    %sqrt3A = math.sqrt %broadcast_in_dim3A : vector<1000x1xf32>
    %max3A = arith.constant 9.99999996E-13 : f32
    %max3A_11 = vector.broadcast %max3A : f32 to vector<1000x1xf32>
    %max3A_12 = arith.maximumf %sqrt3A, %max3A_11 : vector<1000x1xf32>
    %div3A = vector.broadcast %max3A_12 : vector<1000x1xf32> to vector<1000x64xf32>
    %div3A_13 = arith.divf %add3A_9, %div3A : vector<1000x64xf32>
    %get3A_14 = arith.constant 0 : index
    %get3A_15 = arith.constant 0 : index
    %get3A_16 = vector.load %arg3[%get3A_14, %get3A_15] : memref<1000x512xf32, #tpu.memory_space<vmem>>, vector<1000x512xf32>
    %get3A_17 = arith.constant 0 : index
    %get3A_18 = arith.constant 0 : index
    %get3A_19 = vector.load %arg6[%get3A_17, %get3A_18] : memref<512x64xf32, #tpu.memory_space<vmem>>, vector<512x64xf32>
    %dot_general3A_20 = arith.constant dense<0.000000e+00> : vector<1000x64xf32>
    %dot_general3A_21 = tpu.matmul %get3A_16, %get3A_19, %dot_general3A_20 {dimension_numbers = #tpu.dot_dimension_numbers<[1], [0], [0], [1], [0, 0, 1, 1], [], []>, transpose_lhs_hint = false} : vector<1000x512xf32>, vector<512x64xf32>, vector<1000x64xf32> -> vector<1000x64xf32>
    %get3A_22 = arith.constant 0 : index
    %get3A_23 = arith.constant 0 : index
    %get3A_24 = vector.load %arg7[%get3A_22, %get3A_23] : memref<1x64xf32, #tpu.memory_space<vmem>>, vector<1x64xf32>
    %add3A_25 = vector.broadcast %get3A_24 : vector<1x64xf32> to vector<1000x64xf32>
    %add3A_26 = arith.addf %dot_general3A_21, %add3A_25 : vector<1000x64xf32>
    %mul3A_27 = arith.mulf %add3A_26, %add3A_26 : vector<1000x64xf32>
    %reduce_sum3A_28 = arith.constant dense<0.000000e+00> : vector<1000xf32>
    %reduce_sum3A_29 = vector.multi_reduction <add>, %mul3A_27, %reduce_sum3A_28 [1] : vector<1000x64xf32> to vector<1000xf32>
    %broadcast_in_dim3A_30 = vector.shape_cast %reduce_sum3A_29 : vector<1000xf32> to vector<1000x1xf32>
    %sqrt3A_31 = math.sqrt %broadcast_in_dim3A_30 : vector<1000x1xf32>
    %max3A_32 = arith.constant 9.99999996E-13 : f32
    %max3A_33 = vector.broadcast %max3A_32 : f32 to vector<1000x1xf32>
    %max3A_34 = arith.maximumf %sqrt3A_31, %max3A_33 : vector<1000x1xf32>
    %div3A_35 = vector.broadcast %max3A_34 : vector<1000x1xf32> to vector<1000x64xf32>
    %div3A_36 = arith.divf %add3A_26, %div3A_35 : vector<1000x64xf32>
    %get3A_37 = arith.constant 0 : index
    %get3A_38 = arith.constant 0 : index
    %get3A_39 = vector.load %arg8[%get3A_37, %get3A_38] : memref<64x64xf32, #tpu.memory_space<vmem>>, vector<64x64xf32>
    %dot_general3A_40 = arith.constant dense<0.000000e+00> : vector<1000x64xf32>
    %dot_general3A_41 = tpu.matmul %div3A_13, %get3A_39, %dot_general3A_40 {dimension_numbers = #tpu.dot_dimension_numbers<[1], [0], [0], [1], [0, 0, 1, 1], [], []>, transpose_lhs_hint = false} : vector<1000x64xf32>, vector<64x64xf32>, vector<1000x64xf32> -> vector<1000x64xf32>
    %get3A_42 = arith.constant 0 : index
    %get3A_43 = arith.constant 0 : index
    %get3A_44 = vector.load %arg9[%get3A_42, %get3A_43] : memref<1x64xf32, #tpu.memory_space<vmem>>, vector<1x64xf32>
    %add3A_45 = vector.broadcast %get3A_44 : vector<1x64xf32> to vector<1000x64xf32>
    %add3A_46 = arith.addf %dot_general3A_41, %add3A_45 : vector<1000x64xf32>
    %get3A_47 = arith.constant 0 : index
    %get3A_48 = arith.constant 0 : index
    %get3A_49 = vector.load %arg10[%get3A_47, %get3A_48] : memref<64x64xf32, #tpu.memory_space<vmem>>, vector<64x64xf32>
    %dot_general3A_50 = arith.constant dense<0.000000e+00> : vector<1000x64xf32>
    %dot_general3A_51 = tpu.matmul %div3A_13, %get3A_49, %dot_general3A_50 {dimension_numbers = #tpu.dot_dimension_numbers<[1], [0], [0], [1], [0, 0, 1, 1], [], []>, transpose_lhs_hint = false} : vector<1000x64xf32>, vector<64x64xf32>, vector<1000x64xf32> -> vector<1000x64xf32>
    %get3A_52 = arith.constant 0 : index
    %get3A_53 = arith.constant 0 : index
    %get3A_54 = vector.load %arg11[%get3A_52, %get3A_53] : memref<1x64xf32, #tpu.memory_space<vmem>>, vector<1x64xf32>
    %add3A_55 = vector.broadcast %get3A_54 : vector<1x64xf32> to vector<1000x64xf32>
    %add3A_56 = arith.addf %dot_general3A_51, %add3A_55 : vector<1000x64xf32>
    %exp3A = math.exp %add3A_56 : vector<1000x64xf32>
    %get3A_57 = arith.constant 0 : index
    %get3A_58 = arith.constant 0 : index
    %get3A_59 = vector.load %arg12[%get3A_57, %get3A_58] : memref<64x64xf32, #tpu.memory_space<vmem>>, vector<64x64xf32>
    %dot_general3A_60 = arith.constant dense<0.000000e+00> : vector<1000x64xf32>
    %dot_general3A_61 = tpu.matmul %div3A_36, %get3A_59, %dot_general3A_60 {dimension_numbers = #tpu.dot_dimension_numbers<[1], [0], [0], [1], [0, 0, 1, 1], [], []>, transpose_lhs_hint = false} : vector<1000x64xf32>, vector<64x64xf32>, vector<1000x64xf32> -> vector<1000x64xf32>
    %get3A_62 = arith.constant 0 : index
    %get3A_63 = arith.constant 0 : index
    %get3A_64 = vector.load %arg13[%get3A_62, %get3A_63] : memref<1x64xf32, #tpu.memory_space<vmem>>, vector<1x64xf32>
    %add3A_65 = vector.broadcast %get3A_64 : vector<1x64xf32> to vector<1000x64xf32>
    %add3A_66 = arith.addf %dot_general3A_61, %add3A_65 : vector<1000x64xf32>
    %get3A_67 = arith.constant 0 : index
    %get3A_68 = arith.constant 0 : index
    %get3A_69 = vector.load %arg14[%get3A_67, %get3A_68] : memref<64x64xf32, #tpu.memory_space<vmem>>, vector<64x64xf32>
    %dot_general3A_70 = arith.constant dense<0.000000e+00> : vector<1000x64xf32>
    %dot_general3A_71 = tpu.matmul %div3A_36, %get3A_69, %dot_general3A_70 {dimension_numbers = #tpu.dot_dimension_numbers<[1], [0], [0], [1], [0, 0, 1, 1], [], []>, transpose_lhs_hint = false} : vector<1000x64xf32>, vector<64x64xf32>, vector<1000x64xf32> -> vector<1000x64xf32>
    %get3A_72 = arith.constant 0 : index
    %get3A_73 = arith.constant 0 : index
    %get3A_74 = vector.load %arg15[%get3A_72, %get3A_73] : memref<1x64xf32, #tpu.memory_space<vmem>>, vector<1x64xf32>
    %add3A_75 = vector.broadcast %get3A_74 : vector<1x64xf32> to vector<1000x64xf32>
    %add3A_76 = arith.addf %dot_general3A_71, %add3A_75 : vector<1000x64xf32>
    %exp3A_77 = math.exp %add3A_76 : vector<1000x64xf32>
    %get3A_78 = arith.constant 0 : index
    %get3A_79 = arith.constant 0 : index
    %get3A_80 = vector.load %arg1[%get3A_78, %get3A_79] : memref<1000x64xf32, #tpu.memory_space<vmem>>, vector<1000x64xf32>
    %concatenate3A = tpu.concatenate %get3A_80, %add3A_46, %exp3A, %add3A_66, %exp3A_77 in 1 : vector<1000x64xf32>, vector<1000x64xf32>, vector<1000x64xf32>, vector<1000x64xf32>, vector<1000x64xf32> -> vector<1000x320xf32>
    %swap3A = arith.constant 0 : index
    %swap3A_81 = arith.constant 0 : index
    %swap3A_82 = vector.load %arg16[%swap3A, %swap3A_81] : memref<1000x320xf32, #tpu.memory_space<vmem>>, vector<1000x320xf32>
    tpu.vector_store %arg16[%swap3A, %swap3A_81], %concatenate3A {strides = array<i32>} : memref<1000x320xf32, #tpu.memory_space<vmem>>, vector<1000x320xf32>,
    return
  }
  func.func @transform_0(%arg0: i32) -> (i32, i32) {
    %c0_i32 = arith.constant 0 : i32
    %c0_i32_0 = arith.constant 0 : i32
    return %arg0, %c0_i32 : i32, i32
  }
  func.func @transform_1(%arg0: i32) -> (i32, i32) {
    %c0_i32 = arith.constant 0 : i32
    %c0_i32_0 = arith.constant 0 : i32
    return %arg0, %c0_i32 : i32, i32
  }
  func.func @transform_2(%arg0: i32) -> (i32, i32) {
    %c0_i32 = arith.constant 0 : i32
    %c0_i32_0 = arith.constant 0 : i32
    return %arg0, %c0_i32 : i32, i32
  }
  func.func @transform_3(%arg0: i32) -> (i32, i32) {
    %c0_i32 = arith.constant 0 : i32
    %c0_i32_0 = arith.constant 0 : i32
    %c0_i32_1 = arith.constant 0 : i32
    return %c0_i32, %c0_i32_0 : i32, i32
  }
  func.func @transform_4(%arg0: i32) -> (i32, i32) {
    %c0_i32 = arith.constant 0 : i32
    %c0_i32_0 = arith.constant 0 : i32
    %c0_i32_1 = arith.constant 0 : i32
    return %c0_i32, %c0_i32_0 : i32, i32
  }
  func.func @transform_5(%arg0: i32) -> (i32, i32) {
    %c0_i32 = arith.constant 0 : i32
    %c0_i32_0 = arith.constant 0 : i32
    %c0_i32_1 = arith.constant 0 : i32
    return %c0_i32, %c0_i32_0 : i32, i32
  }
  func.func @transform_6(%arg0: i32) -> (i32, i32) {
    %c0_i32 = arith.constant 0 : i32
    %c0_i32_0 = arith.constant 0 : i32
    %c0_i32_1 = arith.constant 0 : i32
    return %c0_i32, %c0_i32_0 : i32, i32
  }
  func.func @transform_7(%arg0: i32) -> (i32, i32) {
    %c0_i32 = arith.constant 0 : i32
    %c0_i32_0 = arith.constant 0 : i32
    %c0_i32_1 = arith.constant 0 : i32
    return %c0_i32, %c0_i32_0 : i32, i32
  }
  func.func @transform_8(%arg0: i32) -> (i32, i32) {
    %c0_i32 = arith.constant 0 : i32
    %c0_i32_0 = arith.constant 0 : i32
    %c0_i32_1 = arith.constant 0 : i32
    return %c0_i32, %c0_i32_0 : i32, i32
  }
  func.func @transform_9(%arg0: i32) -> (i32, i32) {
    %c0_i32 = arith.constant 0 : i32
    %c0_i32_0 = arith.constant 0 : i32
    %c0_i32_1 = arith.constant 0 : i32
    return %c0_i32, %c0_i32_0 : i32, i32
  }
  func.func @transform_10(%arg0: i32) -> (i32, i32) {
    %c0_i32 = arith.constant 0 : i32
    %c0_i32_0 = arith.constant 0 : i32
    %c0_i32_1 = arith.constant 0 : i32
    return %c0_i32, %c0_i32_0 : i32, i32
  }
  func.func @transform_11(%arg0: i32) -> (i32, i32) {
    %c0_i32 = arith.constant 0 : i32
    %c0_i32_0 = arith.constant 0 : i32
    %c0_i32_1 = arith.constant 0 : i32
    return %c0_i32, %c0_i32_0 : i32, i32
  }
  func.func @transform_12(%arg0: i32) -> (i32, i32) {
    %c0_i32 = arith.constant 0 : i32
    %c0_i32_0 = arith.constant 0 : i32
    %c0_i32_1 = arith.constant 0 : i32
    return %c0_i32, %c0_i32_0 : i32, i32
  }
  func.func @transform_13(%arg0: i32) -> (i32, i32) {
    %c0_i32 = arith.constant 0 : i32
    %c0_i32_0 = arith.constant 0 : i32
    %c0_i32_1 = arith.constant 0 : i32
    return %c0_i32, %c0_i32_0 : i32, i32
  }
  func.func @transform_14(%arg0: i32) -> (i32, i32) {
    %c0_i32 = arith.constant 0 : i32
    %c0_i32_0 = arith.constant 0 : i32
    %c0_i32_1 = arith.constant 0 : i32
    return %c0_i32, %c0_i32_0 : i32, i32
  }
  func.func @transform_15(%arg0: i32) -> (i32, i32) {
    %c0_i32 = arith.constant 0 : i32
    %c0_i32_0 = arith.constant 0 : i32
    return %arg0, %c0_i32 : i32, i32
  }
}

module attributes {stable_mosaic.version = 14 : i64} {
  func.func @_model_kernel(%arg0: i32, %arg1: memref<400x320xf32, #tpu.memory_space<vmem>>, %arg2: memref<1x1x400xf32, #tpu.memory_space<vmem>>, %arg3: memref<400x64xf32, #tpu.memory_space<vmem>>, %arg4: memref<400x64xf32, #tpu.memory_space<vmem>>, %arg5: memref<400x64xf32, #tpu.memory_space<vmem>>, %arg6: memref<64x8xf32, #tpu.memory_space<vmem>>, %arg7: memref<1x8xf32, #tpu.memory_space<vmem>>, %arg8: memref<64x512xf32, #tpu.memory_space<vmem>>, %arg9: memref<1x512xf32, #tpu.memory_space<vmem>>, %arg10: memref<64x512xf32, #tpu.memory_space<vmem>>, %arg11: memref<1x512xf32, #tpu.memory_space<vmem>>, %arg12: memref<128x64xf32, #tpu.memory_space<vmem>>, %arg13: memref<1x64xf32, #tpu.memory_space<vmem>>, %arg14: memref<1x64xf32, #tpu.memory_space<vmem>>, %arg15: memref<1x64xf32, #tpu.memory_space<vmem>>, %arg16: memref<1x64xf32, #tpu.memory_space<vmem>>, %arg17: memref<1x64xf32, #tpu.memory_space<vmem>>, %arg18: memref<2x64x192xf32, #tpu.memory_space<vmem>>, %arg19: memref<2x1x192xf32, #tpu.memory_space<vmem>>, %arg20: memref<2x64x64xf32, #tpu.memory_space<vmem>>, %arg21: memref<2x1x64xf32, #tpu.memory_space<vmem>>, %arg22: memref<2x1x64xf32, #tpu.memory_space<vmem>>, %arg23: memref<2x1x64xf32, #tpu.memory_space<vmem>>, %arg24: memref<2x64x256xf32, #tpu.memory_space<vmem>>, %arg25: memref<2x1x256xf32, #tpu.memory_space<vmem>>, %arg26: memref<2x256x64xf32, #tpu.memory_space<vmem>>, %arg27: memref<2x1x64xf32, #tpu.memory_space<vmem>>, %arg28: memref<2x1x64xf32, #tpu.memory_space<vmem>>, %arg29: memref<2x1x64xf32, #tpu.memory_space<vmem>>, %arg30: memref<400x64xf32, #tpu.memory_space<vmem>>) attributes {dimension_semantics = [#tpu.dimension_semantics<arbitrary>], iteration_bounds = array<i64: 128>, scalar_prefetch = 0 : i64, scratch_operands = 0 : i64, tpu.core_type = #tpu.core_type<tc>, window_params = [{transform_indices = @transform_0, window_bounds = array<i64: 400, 320>}, {transform_indices = @transform_1, window_bounds = array<i64: 1, 1, 400>}, {transform_indices = @transform_2, window_bounds = array<i64: 400, 64>}, {transform_indices = @transform_3, window_bounds = array<i64: 400, 64>}, {pipeline_mode = #tpu.pipeline_mode<synchronous>, transform_indices = @transform_4, window_bounds = array<i64: 400, 64>}, {pipeline_mode = #tpu.pipeline_mode<synchronous>, transform_indices = @transform_5, window_bounds = array<i64: 64, 8>}, {pipeline_mode = #tpu.pipeline_mode<synchronous>, transform_indices = @transform_6, window_bounds = array<i64: 1, 8>}, {pipeline_mode = #tpu.pipeline_mode<synchronous>, transform_indices = @transform_7, window_bounds = array<i64: 64, 512>}, {pipeline_mode = #tpu.pipeline_mode<synchronous>, transform_indices = @transform_8, window_bounds = array<i64: 1, 512>}, {pipeline_mode = #tpu.pipeline_mode<synchronous>, transform_indices = @transform_9, window_bounds = array<i64: 64, 512>}, {pipeline_mode = #tpu.pipeline_mode<synchronous>, transform_indices = @transform_10, window_bounds = array<i64: 1, 512>}, {pipeline_mode = #tpu.pipeline_mode<synchronous>, transform_indices = @transform_11, window_bounds = array<i64: 128, 64>}, {pipeline_mode = #tpu.pipeline_mode<synchronous>, transform_indices = @transform_12, window_bounds = array<i64: 1, 64>}, {pipeline_mode = #tpu.pipeline_mode<synchronous>, transform_indices = @transform_13, window_bounds = array<i64: 1, 64>}, {pipeline_mode = #tpu.pipeline_mode<synchronous>, transform_indices = @transform_14, window_bounds = array<i64: 1, 64>}, {pipeline_mode = #tpu.pipeline_mode<synchronous>, transform_indices = @transform_15, window_bounds = array<i64: 1, 64>}, {pipeline_mode = #tpu.pipeline_mode<synchronous>, transform_indices = @transform_16, window_bounds = array<i64: 1, 64>}, {pipeline_mode = #tpu.pipeline_mode<synchronous>, transform_indices = @transform_17, window_bounds = array<i64: 2, 64, 192>}, {pipeline_mode = #tpu.pipeline_mode<synchronous>, transform_indices = @transform_18, window_bounds = array<i64: 2, 1, 192>}, {pipeline_mode = #tpu.pipeline_mode<synchronous>, transform_indices = @transform_19, window_bounds = array<i64: 2, 64, 64>}, {pipeline_mode = #tpu.pipeline_mode<synchronous>, transform_indices = @transform_20, window_bounds = array<i64: 2, 1, 64>}, {pipeline_mode = #tpu.pipeline_mode<synchronous>, transform_indices = @transform_21, window_bounds = array<i64: 2, 1, 64>}, {pipeline_mode = #tpu.pipeline_mode<synchronous>, transform_indices = @transform_22, window_bounds = array<i64: 2, 1, 64>}, {pipeline_mode = #tpu.pipeline_mode<synchronous>, transform_indices = @transform_23, window_bounds = array<i64: 2, 64, 256>}, {pipeline_mode = #tpu.pipeline_mode<synchronous>, transform_indices = @transform_24, window_bounds = array<i64: 2, 1, 256>}, {pipeline_mode = #tpu.pipeline_mode<synchronous>, transform_indices = @transform_25, window_bounds = array<i64: 2, 256, 64>}, {pipeline_mode = #tpu.pipeline_mode<synchronous>, transform_indices = @transform_26, window_bounds = array<i64: 2, 1, 64>}, {pipeline_mode = #tpu.pipeline_mode<synchronous>, transform_indices = @transform_27, window_bounds = array<i64: 2, 1, 64>}, {pipeline_mode = #tpu.pipeline_mode<synchronous>, transform_indices = @transform_28, window_bounds = array<i64: 2, 1, 64>}, {transform_indices = @transform_29, window_bounds = array<i64: 400, 64>}]} {
    %get3A = arith.constant 0 : index
    %get3A_0 = arith.constant 0 : index
    %get3A_1 = vector.load %arg1[%get3A, %get3A_0] : memref<400x320xf32, #tpu.memory_space<vmem>>, vector<400x320xf32>
    %slice3A = vector.extract_strided_slice %get3A_1 {offsets = [0, 0], sizes = [400, 64], strides = [1, 1]} : vector<400x320xf32> to vector<400x64xf32>
    %slice3A_2 = vector.extract_strided_slice %get3A_1 {offsets = [0, 64], sizes = [400, 64], strides = [1, 1]} : vector<400x320xf32> to vector<400x64xf32>
    %slice3A_3 = vector.extract_strided_slice %get3A_1 {offsets = [0, 128], sizes = [400, 64], strides = [1, 1]} : vector<400x320xf32> to vector<400x64xf32>
    %get3A_4 = arith.constant 0 : index
    %get3A_5 = arith.constant 0 : index
    %get3A_6 = vector.load %arg3[%get3A_4, %get3A_5] : memref<400x64xf32, #tpu.memory_space<vmem>>, vector<400x64xf32>
    %mul3A = arith.mulf %slice3A_3, %get3A_6 : vector<400x64xf32>
    %add3A = arith.addf %slice3A_2, %mul3A : vector<400x64xf32>
    %slice3A_7 = vector.extract_strided_slice %get3A_1 {offsets = [0, 192], sizes = [400, 64], strides = [1, 1]} : vector<400x320xf32> to vector<400x64xf32>
    %slice3A_8 = vector.extract_strided_slice %get3A_1 {offsets = [0, 256], sizes = [400, 64], strides = [1, 1]} : vector<400x320xf32> to vector<400x64xf32>
    %get3A_9 = arith.constant 0 : index
    %get3A_10 = arith.constant 0 : index
    %get3A_11 = vector.load %arg4[%get3A_9, %get3A_10] : memref<400x64xf32, #tpu.memory_space<vmem>>, vector<400x64xf32>
    %mul3A_12 = arith.mulf %slice3A_8, %get3A_11 : vector<400x64xf32>
    %add3A_13 = arith.addf %slice3A_7, %mul3A_12 : vector<400x64xf32>
    %get3A_14 = arith.constant 0 : index
    %get3A_15 = arith.constant 0 : index
    %get3A_16 = vector.load %arg6[%get3A_14, %get3A_15] : memref<64x8xf32, #tpu.memory_space<vmem>>, vector<64x8xf32>
    %dot_general3A = arith.constant dense<0.000000e+00> : vector<400x8xf32>
    %dot_general3A_17 = tpu.matmul %add3A, %get3A_16, %dot_general3A {dimension_numbers = #tpu.dot_dimension_numbers<[1], [0], [0], [1], [0, 0, 1, 1], [], []>, transpose_lhs_hint = false} : vector<400x64xf32>, vector<64x8xf32>, vector<400x8xf32> -> vector<400x8xf32>
    %get3A_18 = arith.constant 0 : index
    %get3A_19 = arith.constant 0 : index
    %get3A_20 = vector.load %arg7[%get3A_18, %get3A_19] : memref<1x8xf32, #tpu.memory_space<vmem>>, vector<1x8xf32>
    %add3A_21 = vector.broadcast %get3A_20 : vector<1x8xf32> to vector<400x8xf32>
    %add3A_22 = arith.addf %dot_general3A_17, %add3A_21 : vector<400x8xf32>
    %reduce_max3A = arith.constant dense<0xFF800000> : vector<400xf32>
    %reduce_max3A_23 = vector.multi_reduction <maximumf>, %add3A_22, %reduce_max3A [1] : vector<400x8xf32> to vector<400xf32>
    %broadcast_in_dim3A = vector.shape_cast %reduce_max3A_23 : vector<400xf32> to vector<400x1xf32>
    %sub3A = vector.broadcast %broadcast_in_dim3A : vector<400x1xf32> to vector<400x8xf32>
    %sub3A_24 = arith.subf %add3A_22, %sub3A : vector<400x8xf32>
    %exp3A = math.exp %sub3A_24 : vector<400x8xf32>
    %reduce_sum3A = arith.constant dense<0.000000e+00> : vector<400xf32>
    %reduce_sum3A_25 = vector.multi_reduction <add>, %exp3A, %reduce_sum3A [1] : vector<400x8xf32> to vector<400xf32>
    %broadcast_in_dim3A_26 = vector.shape_cast %reduce_sum3A_25 : vector<400xf32> to vector<400x1xf32>
    %div3A = vector.broadcast %broadcast_in_dim3A_26 : vector<400x1xf32> to vector<400x8xf32>
    %div3A_27 = arith.divf %exp3A, %div3A : vector<400x8xf32>
    %iota3A = tpu.iota {dimensions = array<i32: 1>} : vector<400x8xi32>
    %reduce_max3A_28 = arith.constant dense<0xFF800000> : vector<400xf32>
    %reduce_max3A_29 = vector.multi_reduction <maximumf>, %div3A_27, %reduce_max3A_28 [1] : vector<400x8xf32> to vector<400xf32>
    %broadcast_in_dim3A_30 = vector.shape_cast %reduce_max3A_29 : vector<400xf32> to vector<400x1xf32>
    %eq3A = vector.broadcast %broadcast_in_dim3A_30 : vector<400x1xf32> to vector<400x8xf32>
    %eq3A_31 = arith.cmpf oeq, %div3A_27, %eq3A : vector<400x8xf32>
    %jit3A = arith.constant 8 : i32
    %broadcast_in_dim3A_32 = vector.broadcast %jit3A : i32 to vector<400x8xi32>
    %select_n3A = arith.select %eq3A_31, %iota3A, %broadcast_in_dim3A_32 : vector<400x8xi1>, vector<400x8xi32>
    %reduce_min3A = arith.constant dense<2147483647> : vector<400xi32>
    %reduce_min3A_33 = vector.multi_reduction <minsi>, %select_n3A, %reduce_min3A [1] : vector<400x8xi32> to vector<400xi32>
    %broadcast_in_dim3A_34 = vector.shape_cast %reduce_min3A_33 : vector<400xi32> to vector<400x1xi32>
    %eq3A_35 = vector.broadcast %broadcast_in_dim3A_34 : vector<400x1xi32> to vector<400x8xi32>
    %eq3A_36 = arith.cmpi eq, %iota3A, %eq3A_35 : vector<400x8xi32>
    %jit3A_37 = arith.constant -1.000000e+00 : f32
    %broadcast_in_dim3A_38 = vector.broadcast %jit3A_37 : f32 to vector<400x8xf32>
    %select_n3A_39 = arith.select %eq3A_36, %broadcast_in_dim3A_38, %div3A_27 : vector<400x8xi1>, vector<400x8xf32>
    %reduce_max3A_40 = arith.constant dense<0xFF800000> : vector<400xf32>
    %reduce_max3A_41 = vector.multi_reduction <maximumf>, %select_n3A_39, %reduce_max3A_40 [1] : vector<400x8xf32> to vector<400xf32>
    %broadcast_in_dim3A_42 = vector.shape_cast %reduce_max3A_41 : vector<400xf32> to vector<400x1xf32>
    %eq3A_43 = vector.broadcast %broadcast_in_dim3A_42 : vector<400x1xf32> to vector<400x8xf32>
    %eq3A_44 = arith.cmpf oeq, %select_n3A_39, %eq3A_43 : vector<400x8xf32>
    %jit3A_45 = arith.constant 8 : i32
    %broadcast_in_dim3A_46 = vector.broadcast %jit3A_45 : i32 to vector<400x8xi32>
    %select_n3A_47 = arith.select %eq3A_44, %iota3A, %broadcast_in_dim3A_46 : vector<400x8xi1>, vector<400x8xi32>
    %reduce_min3A_48 = arith.constant dense<2147483647> : vector<400xi32>
    %reduce_min3A_49 = vector.multi_reduction <minsi>, %select_n3A_47, %reduce_min3A_48 [1] : vector<400x8xi32> to vector<400xi32>
    %broadcast_in_dim3A_50 = vector.shape_cast %reduce_min3A_49 : vector<400xi32> to vector<400x1xi32>
    %eq3A_51 = vector.broadcast %broadcast_in_dim3A_34 : vector<400x1xi32> to vector<400x8xi32>
    %eq3A_52 = arith.cmpi eq, %iota3A, %eq3A_51 : vector<400x8xi32>
    %eq3A_53 = vector.broadcast %broadcast_in_dim3A_50 : vector<400x1xi32> to vector<400x8xi32>
    %eq3A_54 = arith.cmpi eq, %iota3A, %eq3A_53 : vector<400x8xi32>
    %or3A = arith.ori %eq3A_52, %eq3A_54 : vector<400x8xi1>
    %jit3A_55 = arith.constant 0.000000e+00 : f32
    %broadcast_in_dim3A_56 = vector.broadcast %jit3A_55 : f32 to vector<400x8xf32>
    %select_n3A_57 = arith.select %or3A, %div3A_27, %broadcast_in_dim3A_56 : vector<400x8xi1>, vector<400x8xf32>
    %reduce_sum3A_58 = arith.constant dense<0.000000e+00> : vector<400xf32>
    %reduce_sum3A_59 = vector.multi_reduction <add>, %select_n3A_57, %reduce_sum3A_58 [1] : vector<400x8xf32> to vector<400xf32>
    %broadcast_in_dim3A_60 = vector.shape_cast %reduce_sum3A_59 : vector<400xf32> to vector<400x1xf32>
    %add3A_61 = arith.constant 9.99999993E-9 : f32
    %add3A_62 = vector.broadcast %add3A_61 : f32 to vector<400x1xf32>
    %add3A_63 = arith.addf %broadcast_in_dim3A_60, %add3A_62 : vector<400x1xf32>
    %div3A_64 = vector.broadcast %add3A_63 : vector<400x1xf32> to vector<400x8xf32>
    %div3A_65 = arith.divf %select_n3A_57, %div3A_64 : vector<400x8xf32>
    %get3A_66 = arith.constant 0 : index
    %get3A_67 = arith.constant 0 : index
    %get3A_68 = vector.load %arg8[%get3A_66, %get3A_67] : memref<64x512xf32, #tpu.memory_space<vmem>>, vector<64x512xf32>
    %dot_general3A_69 = arith.constant dense<0.000000e+00> : vector<400x512xf32>
    %dot_general3A_70 = tpu.matmul %add3A, %get3A_68, %dot_general3A_69 {dimension_numbers = #tpu.dot_dimension_numbers<[1], [0], [0], [1], [0, 0, 1, 1], [], []>, transpose_lhs_hint = false} : vector<400x64xf32>, vector<64x512xf32>, vector<400x512xf32> -> vector<400x512xf32>
    %get3A_71 = arith.constant 0 : index
    %get3A_72 = arith.constant 0 : index
    %get3A_73 = vector.load %arg9[%get3A_71, %get3A_72] : memref<1x512xf32, #tpu.memory_space<vmem>>, vector<1x512xf32>
    %add3A_74 = vector.broadcast %get3A_73 : vector<1x512xf32> to vector<400x512xf32>
    %add3A_75 = arith.addf %dot_general3A_70, %add3A_74 : vector<400x512xf32>
    %slice3A_76 = vector.extract_strided_slice %div3A_65 {offsets = [0, 0], sizes = [400, 1], strides = [1, 1]} : vector<400x8xf32> to vector<400x1xf32>
    %slice3A_77 = vector.extract_strided_slice %add3A_75 {offsets = [0, 0], sizes = [400, 64], strides = [1, 1]} : vector<400x512xf32> to vector<400x64xf32>
    %mul3A_78 = vector.broadcast %slice3A_76 : vector<400x1xf32> to vector<400x64xf32>
    %mul3A_79 = arith.mulf %mul3A_78, %slice3A_77 : vector<400x64xf32>
    %slice3A_80 = vector.extract_strided_slice %div3A_65 {offsets = [0, 1], sizes = [400, 1], strides = [1, 1]} : vector<400x8xf32> to vector<400x1xf32>
    %slice3A_81 = vector.extract_strided_slice %add3A_75 {offsets = [0, 64], sizes = [400, 64], strides = [1, 1]} : vector<400x512xf32> to vector<400x64xf32>
    %mul3A_82 = vector.broadcast %slice3A_80 : vector<400x1xf32> to vector<400x64xf32>
    %mul3A_83 = arith.mulf %mul3A_82, %slice3A_81 : vector<400x64xf32>
    %add3A_84 = arith.addf %mul3A_79, %mul3A_83 : vector<400x64xf32>
    %slice3A_85 = vector.extract_strided_slice %div3A_65 {offsets = [0, 2], sizes = [400, 1], strides = [1, 1]} : vector<400x8xf32> to vector<400x1xf32>
    %slice3A_86 = vector.extract_strided_slice %add3A_75 {offsets = [0, 128], sizes = [400, 64], strides = [1, 1]} : vector<400x512xf32> to vector<400x64xf32>
    %mul3A_87 = vector.broadcast %slice3A_85 : vector<400x1xf32> to vector<400x64xf32>
    %mul3A_88 = arith.mulf %mul3A_87, %slice3A_86 : vector<400x64xf32>
    %add3A_89 = arith.addf %add3A_84, %mul3A_88 : vector<400x64xf32>
    %slice3A_90 = vector.extract_strided_slice %div3A_65 {offsets = [0, 3], sizes = [400, 1], strides = [1, 1]} : vector<400x8xf32> to vector<400x1xf32>
    %slice3A_91 = vector.extract_strided_slice %add3A_75 {offsets = [0, 192], sizes = [400, 64], strides = [1, 1]} : vector<400x512xf32> to vector<400x64xf32>
    %mul3A_92 = vector.broadcast %slice3A_90 : vector<400x1xf32> to vector<400x64xf32>
    %mul3A_93 = arith.mulf %mul3A_92, %slice3A_91 : vector<400x64xf32>
    %add3A_94 = arith.addf %add3A_89, %mul3A_93 : vector<400x64xf32>
    %slice3A_95 = vector.extract_strided_slice %div3A_65 {offsets = [0, 4], sizes = [400, 1], strides = [1, 1]} : vector<400x8xf32> to vector<400x1xf32>
    %slice3A_96 = vector.extract_strided_slice %add3A_75 {offsets = [0, 256], sizes = [400, 64], strides = [1, 1]} : vector<400x512xf32> to vector<400x64xf32>
    %mul3A_97 = vector.broadcast %slice3A_95 : vector<400x1xf32> to vector<400x64xf32>
    %mul3A_98 = arith.mulf %mul3A_97, %slice3A_96 : vector<400x64xf32>
    %add3A_99 = arith.addf %add3A_94, %mul3A_98 : vector<400x64xf32>
    %slice3A_100 = vector.extract_strided_slice %div3A_65 {offsets = [0, 5], sizes = [400, 1], strides = [1, 1]} : vector<400x8xf32> to vector<400x1xf32>
    %slice3A_101 = vector.extract_strided_slice %add3A_75 {offsets = [0, 320], sizes = [400, 64], strides = [1, 1]} : vector<400x512xf32> to vector<400x64xf32>
    %mul3A_102 = vector.broadcast %slice3A_100 : vector<400x1xf32> to vector<400x64xf32>
    %mul3A_103 = arith.mulf %mul3A_102, %slice3A_101 : vector<400x64xf32>
    %add3A_104 = arith.addf %add3A_99, %mul3A_103 : vector<400x64xf32>
    %slice3A_105 = vector.extract_strided_slice %div3A_65 {offsets = [0, 6], sizes = [400, 1], strides = [1, 1]} : vector<400x8xf32> to vector<400x1xf32>
    %slice3A_106 = vector.extract_strided_slice %add3A_75 {offsets = [0, 384], sizes = [400, 64], strides = [1, 1]} : vector<400x512xf32> to vector<400x64xf32>
    %mul3A_107 = vector.broadcast %slice3A_105 : vector<400x1xf32> to vector<400x64xf32>
    %mul3A_108 = arith.mulf %mul3A_107, %slice3A_106 : vector<400x64xf32>
    %add3A_109 = arith.addf %add3A_104, %mul3A_108 : vector<400x64xf32>
    %slice3A_110 = vector.extract_strided_slice %div3A_65 {offsets = [0, 7], sizes = [400, 1], strides = [1, 1]} : vector<400x8xf32> to vector<400x1xf32>
    %slice3A_111 = vector.extract_strided_slice %add3A_75 {offsets = [0, 448], sizes = [400, 64], strides = [1, 1]} : vector<400x512xf32> to vector<400x64xf32>
    %mul3A_112 = vector.broadcast %slice3A_110 : vector<400x1xf32> to vector<400x64xf32>
    %mul3A_113 = arith.mulf %mul3A_112, %slice3A_111 : vector<400x64xf32>
    %add3A_114 = arith.addf %add3A_109, %mul3A_113 : vector<400x64xf32>
    %get3A_115 = arith.constant 0 : index
    %get3A_116 = arith.constant 0 : index
    %get3A_117 = vector.load %arg6[%get3A_115, %get3A_116] : memref<64x8xf32, #tpu.memory_space<vmem>>, vector<64x8xf32>
    %dot_general3A_118 = arith.constant dense<0.000000e+00> : vector<400x8xf32>
    %dot_general3A_119 = tpu.matmul %add3A_13, %get3A_117, %dot_general3A_118 {dimension_numbers = #tpu.dot_dimension_numbers<[1], [0], [0], [1], [0, 0, 1, 1], [], []>, transpose_lhs_hint = false} : vector<400x64xf32>, vector<64x8xf32>, vector<400x8xf32> -> vector<400x8xf32>
    %get3A_120 = arith.constant 0 : index
    %get3A_121 = arith.constant 0 : index
    %get3A_122 = vector.load %arg7[%get3A_120, %get3A_121] : memref<1x8xf32, #tpu.memory_space<vmem>>, vector<1x8xf32>
    %add3A_123 = vector.broadcast %get3A_122 : vector<1x8xf32> to vector<400x8xf32>
    %add3A_124 = arith.addf %dot_general3A_119, %add3A_123 : vector<400x8xf32>
    %reduce_max3A_125 = arith.constant dense<0xFF800000> : vector<400xf32>
    %reduce_max3A_126 = vector.multi_reduction <maximumf>, %add3A_124, %reduce_max3A_125 [1] : vector<400x8xf32> to vector<400xf32>
    %broadcast_in_dim3A_127 = vector.shape_cast %reduce_max3A_126 : vector<400xf32> to vector<400x1xf32>
    %sub3A_128 = vector.broadcast %broadcast_in_dim3A_127 : vector<400x1xf32> to vector<400x8xf32>
    %sub3A_129 = arith.subf %add3A_124, %sub3A_128 : vector<400x8xf32>
    %exp3A_130 = math.exp %sub3A_129 : vector<400x8xf32>
    %reduce_sum3A_131 = arith.constant dense<0.000000e+00> : vector<400xf32>
    %reduce_sum3A_132 = vector.multi_reduction <add>, %exp3A_130, %reduce_sum3A_131 [1] : vector<400x8xf32> to vector<400xf32>
    %broadcast_in_dim3A_133 = vector.shape_cast %reduce_sum3A_132 : vector<400xf32> to vector<400x1xf32>
    %div3A_134 = vector.broadcast %broadcast_in_dim3A_133 : vector<400x1xf32> to vector<400x8xf32>
    %div3A_135 = arith.divf %exp3A_130, %div3A_134 : vector<400x8xf32>
    %iota3A_136 = tpu.iota {dimensions = array<i32: 1>} : vector<400x8xi32>
    %reduce_max3A_137 = arith.constant dense<0xFF800000> : vector<400xf32>
    %reduce_max3A_138 = vector.multi_reduction <maximumf>, %div3A_135, %reduce_max3A_137 [1] : vector<400x8xf32> to vector<400xf32>
    %broadcast_in_dim3A_139 = vector.shape_cast %reduce_max3A_138 : vector<400xf32> to vector<400x1xf32>
    %eq3A_140 = vector.broadcast %broadcast_in_dim3A_139 : vector<400x1xf32> to vector<400x8xf32>
    %eq3A_141 = arith.cmpf oeq, %div3A_135, %eq3A_140 : vector<400x8xf32>
    %jit3A_142 = arith.constant 8 : i32
    %broadcast_in_dim3A_143 = vector.broadcast %jit3A_142 : i32 to vector<400x8xi32>
    %select_n3A_144 = arith.select %eq3A_141, %iota3A_136, %broadcast_in_dim3A_143 : vector<400x8xi1>, vector<400x8xi32>
    %reduce_min3A_145 = arith.constant dense<2147483647> : vector<400xi32>
    %reduce_min3A_146 = vector.multi_reduction <minsi>, %select_n3A_144, %reduce_min3A_145 [1] : vector<400x8xi32> to vector<400xi32>
    %broadcast_in_dim3A_147 = vector.shape_cast %reduce_min3A_146 : vector<400xi32> to vector<400x1xi32>
    %eq3A_148 = vector.broadcast %broadcast_in_dim3A_147 : vector<400x1xi32> to vector<400x8xi32>
    %eq3A_149 = arith.cmpi eq, %iota3A_136, %eq3A_148 : vector<400x8xi32>
    %jit3A_150 = arith.constant -1.000000e+00 : f32
    %broadcast_in_dim3A_151 = vector.broadcast %jit3A_150 : f32 to vector<400x8xf32>
    %select_n3A_152 = arith.select %eq3A_149, %broadcast_in_dim3A_151, %div3A_135 : vector<400x8xi1>, vector<400x8xf32>
    %reduce_max3A_153 = arith.constant dense<0xFF800000> : vector<400xf32>
    %reduce_max3A_154 = vector.multi_reduction <maximumf>, %select_n3A_152, %reduce_max3A_153 [1] : vector<400x8xf32> to vector<400xf32>
    %broadcast_in_dim3A_155 = vector.shape_cast %reduce_max3A_154 : vector<400xf32> to vector<400x1xf32>
    %eq3A_156 = vector.broadcast %broadcast_in_dim3A_155 : vector<400x1xf32> to vector<400x8xf32>
    %eq3A_157 = arith.cmpf oeq, %select_n3A_152, %eq3A_156 : vector<400x8xf32>
    %jit3A_158 = arith.constant 8 : i32
    %broadcast_in_dim3A_159 = vector.broadcast %jit3A_158 : i32 to vector<400x8xi32>
    %select_n3A_160 = arith.select %eq3A_157, %iota3A_136, %broadcast_in_dim3A_159 : vector<400x8xi1>, vector<400x8xi32>
    %reduce_min3A_161 = arith.constant dense<2147483647> : vector<400xi32>
    %reduce_min3A_162 = vector.multi_reduction <minsi>, %select_n3A_160, %reduce_min3A_161 [1] : vector<400x8xi32> to vector<400xi32>
    %broadcast_in_dim3A_163 = vector.shape_cast %reduce_min3A_162 : vector<400xi32> to vector<400x1xi32>
    %eq3A_164 = vector.broadcast %broadcast_in_dim3A_147 : vector<400x1xi32> to vector<400x8xi32>
    %eq3A_165 = arith.cmpi eq, %iota3A_136, %eq3A_164 : vector<400x8xi32>
    %eq3A_166 = vector.broadcast %broadcast_in_dim3A_163 : vector<400x1xi32> to vector<400x8xi32>
    %eq3A_167 = arith.cmpi eq, %iota3A_136, %eq3A_166 : vector<400x8xi32>
    %or3A_168 = arith.ori %eq3A_165, %eq3A_167 : vector<400x8xi1>
    %jit3A_169 = arith.constant 0.000000e+00 : f32
    %broadcast_in_dim3A_170 = vector.broadcast %jit3A_169 : f32 to vector<400x8xf32>
    %select_n3A_171 = arith.select %or3A_168, %div3A_135, %broadcast_in_dim3A_170 : vector<400x8xi1>, vector<400x8xf32>
    %reduce_sum3A_172 = arith.constant dense<0.000000e+00> : vector<400xf32>
    %reduce_sum3A_173 = vector.multi_reduction <add>, %select_n3A_171, %reduce_sum3A_172 [1] : vector<400x8xf32> to vector<400xf32>
    %broadcast_in_dim3A_174 = vector.shape_cast %reduce_sum3A_173 : vector<400xf32> to vector<400x1xf32>
    %add3A_175 = arith.constant 9.99999993E-9 : f32
    %add3A_176 = vector.broadcast %add3A_175 : f32 to vector<400x1xf32>
    %add3A_177 = arith.addf %broadcast_in_dim3A_174, %add3A_176 : vector<400x1xf32>
    %div3A_178 = vector.broadcast %add3A_177 : vector<400x1xf32> to vector<400x8xf32>
    %div3A_179 = arith.divf %select_n3A_171, %div3A_178 : vector<400x8xf32>
    %get3A_180 = arith.constant 0 : index
    %get3A_181 = arith.constant 0 : index
    %get3A_182 = vector.load %arg10[%get3A_180, %get3A_181] : memref<64x512xf32, #tpu.memory_space<vmem>>, vector<64x512xf32>
    %dot_general3A_183 = arith.constant dense<0.000000e+00> : vector<400x512xf32>
    %dot_general3A_184 = tpu.matmul %add3A_13, %get3A_182, %dot_general3A_183 {dimension_numbers = #tpu.dot_dimension_numbers<[1], [0], [0], [1], [0, 0, 1, 1], [], []>, transpose_lhs_hint = false} : vector<400x64xf32>, vector<64x512xf32>, vector<400x512xf32> -> vector<400x512xf32>
    %get3A_185 = arith.constant 0 : index
    %get3A_186 = arith.constant 0 : index
    %get3A_187 = vector.load %arg11[%get3A_185, %get3A_186] : memref<1x512xf32, #tpu.memory_space<vmem>>, vector<1x512xf32>
    %add3A_188 = vector.broadcast %get3A_187 : vector<1x512xf32> to vector<400x512xf32>
    %add3A_189 = arith.addf %dot_general3A_184, %add3A_188 : vector<400x512xf32>
    %slice3A_190 = vector.extract_strided_slice %div3A_179 {offsets = [0, 0], sizes = [400, 1], strides = [1, 1]} : vector<400x8xf32> to vector<400x1xf32>
    %slice3A_191 = vector.extract_strided_slice %add3A_189 {offsets = [0, 0], sizes = [400, 64], strides = [1, 1]} : vector<400x512xf32> to vector<400x64xf32>
    %mul3A_192 = vector.broadcast %slice3A_190 : vector<400x1xf32> to vector<400x64xf32>
    %mul3A_193 = arith.mulf %mul3A_192, %slice3A_191 : vector<400x64xf32>
    %slice3A_194 = vector.extract_strided_slice %div3A_179 {offsets = [0, 1], sizes = [400, 1], strides = [1, 1]} : vector<400x8xf32> to vector<400x1xf32>
    %slice3A_195 = vector.extract_strided_slice %add3A_189 {offsets = [0, 64], sizes = [400, 64], strides = [1, 1]} : vector<400x512xf32> to vector<400x64xf32>
    %mul3A_196 = vector.broadcast %slice3A_194 : vector<400x1xf32> to vector<400x64xf32>
    %mul3A_197 = arith.mulf %mul3A_196, %slice3A_195 : vector<400x64xf32>
    %add3A_198 = arith.addf %mul3A_193, %mul3A_197 : vector<400x64xf32>
    %slice3A_199 = vector.extract_strided_slice %div3A_179 {offsets = [0, 2], sizes = [400, 1], strides = [1, 1]} : vector<400x8xf32> to vector<400x1xf32>
    %slice3A_200 = vector.extract_strided_slice %add3A_189 {offsets = [0, 128], sizes = [400, 64], strides = [1, 1]} : vector<400x512xf32> to vector<400x64xf32>
    %mul3A_201 = vector.broadcast %slice3A_199 : vector<400x1xf32> to vector<400x64xf32>
    %mul3A_202 = arith.mulf %mul3A_201, %slice3A_200 : vector<400x64xf32>
    %add3A_203 = arith.addf %add3A_198, %mul3A_202 : vector<400x64xf32>
    %slice3A_204 = vector.extract_strided_slice %div3A_179 {offsets = [0, 3], sizes = [400, 1], strides = [1, 1]} : vector<400x8xf32> to vector<400x1xf32>
    %slice3A_205 = vector.extract_strided_slice %add3A_189 {offsets = [0, 192], sizes = [400, 64], strides = [1, 1]} : vector<400x512xf32> to vector<400x64xf32>
    %mul3A_206 = vector.broadcast %slice3A_204 : vector<400x1xf32> to vector<400x64xf32>
    %mul3A_207 = arith.mulf %mul3A_206, %slice3A_205 : vector<400x64xf32>
    %add3A_208 = arith.addf %add3A_203, %mul3A_207 : vector<400x64xf32>
    %slice3A_209 = vector.extract_strided_slice %div3A_179 {offsets = [0, 4], sizes = [400, 1], strides = [1, 1]} : vector<400x8xf32> to vector<400x1xf32>
    %slice3A_210 = vector.extract_strided_slice %add3A_189 {offsets = [0, 256], sizes = [400, 64], strides = [1, 1]} : vector<400x512xf32> to vector<400x64xf32>
    %mul3A_211 = vector.broadcast %slice3A_209 : vector<400x1xf32> to vector<400x64xf32>
    %mul3A_212 = arith.mulf %mul3A_211, %slice3A_210 : vector<400x64xf32>
    %add3A_213 = arith.addf %add3A_208, %mul3A_212 : vector<400x64xf32>
    %slice3A_214 = vector.extract_strided_slice %div3A_179 {offsets = [0, 5], sizes = [400, 1], strides = [1, 1]} : vector<400x8xf32> to vector<400x1xf32>
    %slice3A_215 = vector.extract_strided_slice %add3A_189 {offsets = [0, 320], sizes = [400, 64], strides = [1, 1]} : vector<400x512xf32> to vector<400x64xf32>
    %mul3A_216 = vector.broadcast %slice3A_214 : vector<400x1xf32> to vector<400x64xf32>
    %mul3A_217 = arith.mulf %mul3A_216, %slice3A_215 : vector<400x64xf32>
    %add3A_218 = arith.addf %add3A_213, %mul3A_217 : vector<400x64xf32>
    %slice3A_219 = vector.extract_strided_slice %div3A_179 {offsets = [0, 6], sizes = [400, 1], strides = [1, 1]} : vector<400x8xf32> to vector<400x1xf32>
    %slice3A_220 = vector.extract_strided_slice %add3A_189 {offsets = [0, 384], sizes = [400, 64], strides = [1, 1]} : vector<400x512xf32> to vector<400x64xf32>
    %mul3A_221 = vector.broadcast %slice3A_219 : vector<400x1xf32> to vector<400x64xf32>
    %mul3A_222 = arith.mulf %mul3A_221, %slice3A_220 : vector<400x64xf32>
    %add3A_223 = arith.addf %add3A_218, %mul3A_222 : vector<400x64xf32>
    %slice3A_224 = vector.extract_strided_slice %div3A_179 {offsets = [0, 7], sizes = [400, 1], strides = [1, 1]} : vector<400x8xf32> to vector<400x1xf32>
    %slice3A_225 = vector.extract_strided_slice %add3A_189 {offsets = [0, 448], sizes = [400, 64], strides = [1, 1]} : vector<400x512xf32> to vector<400x64xf32>
    %mul3A_226 = vector.broadcast %slice3A_224 : vector<400x1xf32> to vector<400x64xf32>
    %mul3A_227 = arith.mulf %mul3A_226, %slice3A_225 : vector<400x64xf32>
    %add3A_228 = arith.addf %add3A_223, %mul3A_227 : vector<400x64xf32>
    %concatenate3A = tpu.concatenate %add3A_114, %add3A_228 in 1 : vector<400x64xf32>, vector<400x64xf32> -> vector<400x128xf32>
    %get3A_229 = arith.constant 0 : index
    %get3A_230 = arith.constant 0 : index
    %get3A_231 = vector.load %arg12[%get3A_229, %get3A_230] : memref<128x64xf32, #tpu.memory_space<vmem>>, vector<128x64xf32>
    %dot_general3A_232 = arith.constant dense<0.000000e+00> : vector<400x64xf32>
    %dot_general3A_233 = tpu.matmul %concatenate3A, %get3A_231, %dot_general3A_232 {dimension_numbers = #tpu.dot_dimension_numbers<[1], [0], [0], [1], [0, 0, 1, 1], [], []>, transpose_lhs_hint = false} : vector<400x128xf32>, vector<128x64xf32>, vector<400x64xf32> -> vector<400x64xf32>
    %get3A_234 = arith.constant 0 : index
    %get3A_235 = arith.constant 0 : index
    %get3A_236 = vector.load %arg13[%get3A_234, %get3A_235] : memref<1x64xf32, #tpu.memory_space<vmem>>, vector<1x64xf32>
    %add3A_237 = vector.broadcast %get3A_236 : vector<1x64xf32> to vector<400x64xf32>
    %add3A_238 = arith.addf %dot_general3A_233, %add3A_237 : vector<400x64xf32>
    %get3A_239 = arith.constant 0 : index
    %get3A_240 = arith.constant 0 : index
    %get3A_241 = vector.load %arg14[%get3A_239, %get3A_240] : memref<1x64xf32, #tpu.memory_space<vmem>>, vector<1x64xf32>
    %get3A_242 = arith.constant 0 : index
    %get3A_243 = arith.constant 0 : index
    %get3A_244 = vector.load %arg15[%get3A_242, %get3A_243] : memref<1x64xf32, #tpu.memory_space<vmem>>, vector<1x64xf32>
    %reduce_sum3A_245 = arith.constant dense<0.000000e+00> : vector<400xf32>
    %reduce_sum3A_246 = vector.multi_reduction <add>, %add3A_238, %reduce_sum3A_245 [1] : vector<400x64xf32> to vector<400xf32>
    %broadcast_in_dim3A_247 = vector.shape_cast %reduce_sum3A_246 : vector<400xf32> to vector<400x1xf32>
    %div3A_248 = arith.constant 6.400000e+01 : f32
    %div3A_249 = vector.broadcast %div3A_248 : f32 to vector<400x1xf32>
    %div3A_250 = arith.divf %broadcast_in_dim3A_247, %div3A_249 : vector<400x1xf32>
    %jit3A_251 = arith.constant 0 : i32
    %reduce_sum3A_252 = arith.constant dense<0.000000e+00> : vector<400xf32>
    %reduce_sum3A_253 = vector.multi_reduction <add>, %add3A_238, %reduce_sum3A_252 [1] : vector<400x64xf32> to vector<400xf32>
    %broadcast_in_dim3A_254 = vector.shape_cast %reduce_sum3A_253 : vector<400xf32> to vector<400x1xf32>
    %div3A_255 = arith.constant 6.400000e+01 : f32
    %div3A_256 = vector.broadcast %div3A_255 : f32 to vector<400x1xf32>
    %div3A_257 = arith.divf %broadcast_in_dim3A_254, %div3A_256 : vector<400x1xf32>
    %sub3A_258 = vector.broadcast %div3A_257 : vector<400x1xf32> to vector<400x64xf32>
    %sub3A_259 = arith.subf %add3A_238, %sub3A_258 : vector<400x64xf32>
    %square3A = arith.mulf %sub3A_259, %sub3A_259 : vector<400x64xf32>
    %convert_element_type3A = arith.sitofp %jit3A_251 : i32 to f32
    %sub3A_260 = arith.constant 6.400000e+01 : f32
    %sub3A_261 = arith.subf %sub3A_260, %convert_element_type3A : f32
    %reduce_sum3A_262 = arith.constant dense<0.000000e+00> : vector<400xf32>
    %reduce_sum3A_263 = vector.multi_reduction <add>, %square3A, %reduce_sum3A_262 [1] : vector<400x64xf32> to vector<400xf32>
    %broadcast_in_dim3A_264 = vector.shape_cast %reduce_sum3A_263 : vector<400xf32> to vector<400x1xf32>
    %div3A_265 = vector.broadcast %sub3A_261 : f32 to vector<400x1xf32>
    %div3A_266 = arith.divf %broadcast_in_dim3A_264, %div3A_265 : vector<400x1xf32>
    %gt3A = arith.constant 0.000000e+00 : f32
    %gt3A_267 = arith.cmpf ogt, %sub3A_261, %gt3A : f32
    %jit3A_268 = arith.constant 0x7FC00000 : f32
    %broadcast_in_dim3A_269 = vector.broadcast %jit3A_268 : f32 to vector<400x1xf32>
    %select_n3A_270 = arith.select %gt3A_267, %div3A_266, %broadcast_in_dim3A_269 : vector<400x1xf32>
    %sub3A_271 = vector.broadcast %div3A_250 : vector<400x1xf32> to vector<400x64xf32>
    %sub3A_272 = arith.subf %add3A_238, %sub3A_271 : vector<400x64xf32>
    %add3A_273 = arith.constant 9.99999996E-13 : f32
    %add3A_274 = vector.broadcast %add3A_273 : f32 to vector<400x1xf32>
    %add3A_275 = arith.addf %select_n3A_270, %add3A_274 : vector<400x1xf32>
    %sqrt3A = math.sqrt %add3A_275 : vector<400x1xf32>
    %div3A_276 = vector.broadcast %sqrt3A : vector<400x1xf32> to vector<400x64xf32>
    %div3A_277 = arith.divf %sub3A_272, %div3A_276 : vector<400x64xf32>
    %mul3A_278 = vector.broadcast %get3A_241 : vector<1x64xf32> to vector<400x64xf32>
    %mul3A_279 = arith.mulf %div3A_277, %mul3A_278 : vector<400x64xf32>
    %add3A_280 = vector.broadcast %get3A_244 : vector<1x64xf32> to vector<400x64xf32>
    %add3A_281 = arith.addf %mul3A_279, %add3A_280 : vector<400x64xf32>
    %max3A = arith.constant 0.000000e+00 : f32
    %max3A_282 = vector.broadcast %max3A : f32 to vector<400x64xf32>
    %max3A_283 = arith.maximumf %add3A_281, %max3A_282 : vector<400x64xf32>
    %add3A_284 = arith.addf %slice3A, %max3A_283 : vector<400x64xf32>
    %get3A_285 = arith.constant 0 : index
    %get3A_286 = arith.constant 0 : index
    %get3A_287 = vector.load %arg5[%get3A_285, %get3A_286] : memref<400x64xf32, #tpu.memory_space<vmem>>, vector<400x64xf32>
    %add3A_288 = arith.addf %add3A_284, %get3A_287 : vector<400x64xf32>
    %get3A_289 = arith.constant 0 : index
    %get3A_290 = arith.constant 0 : index
    %get3A_291 = vector.load %arg16[%get3A_289, %get3A_290] : memref<1x64xf32, #tpu.memory_space<vmem>>, vector<1x64xf32>
    %get3A_292 = arith.constant 0 : index
    %get3A_293 = arith.constant 0 : index
    %get3A_294 = vector.load %arg17[%get3A_292, %get3A_293] : memref<1x64xf32, #tpu.memory_space<vmem>>, vector<1x64xf32>
    %reduce_sum3A_295 = arith.constant dense<0.000000e+00> : vector<400xf32>
    %reduce_sum3A_296 = vector.multi_reduction <add>, %add3A_288, %reduce_sum3A_295 [1] : vector<400x64xf32> to vector<400xf32>
    %broadcast_in_dim3A_297 = vector.shape_cast %reduce_sum3A_296 : vector<400xf32> to vector<400x1xf32>
    %div3A_298 = arith.constant 6.400000e+01 : f32
    %div3A_299 = vector.broadcast %div3A_298 : f32 to vector<400x1xf32>
    %div3A_300 = arith.divf %broadcast_in_dim3A_297, %div3A_299 : vector<400x1xf32>
    %jit3A_301 = arith.constant 0 : i32
    %reduce_sum3A_302 = arith.constant dense<0.000000e+00> : vector<400xf32>
    %reduce_sum3A_303 = vector.multi_reduction <add>, %add3A_288, %reduce_sum3A_302 [1] : vector<400x64xf32> to vector<400xf32>
    %broadcast_in_dim3A_304 = vector.shape_cast %reduce_sum3A_303 : vector<400xf32> to vector<400x1xf32>
    %div3A_305 = arith.constant 6.400000e+01 : f32
    %div3A_306 = vector.broadcast %div3A_305 : f32 to vector<400x1xf32>
    %div3A_307 = arith.divf %broadcast_in_dim3A_304, %div3A_306 : vector<400x1xf32>
    %sub3A_308 = vector.broadcast %div3A_307 : vector<400x1xf32> to vector<400x64xf32>
    %sub3A_309 = arith.subf %add3A_288, %sub3A_308 : vector<400x64xf32>
    %square3A_310 = arith.mulf %sub3A_309, %sub3A_309 : vector<400x64xf32>
    %convert_element_type3A_311 = arith.sitofp %jit3A_301 : i32 to f32
    %sub3A_312 = arith.constant 6.400000e+01 : f32
    %sub3A_313 = arith.subf %sub3A_312, %convert_element_type3A_311 : f32
    %reduce_sum3A_314 = arith.constant dense<0.000000e+00> : vector<400xf32>
    %reduce_sum3A_315 = vector.multi_reduction <add>, %square3A_310, %reduce_sum3A_314 [1] : vector<400x64xf32> to vector<400xf32>
    %broadcast_in_dim3A_316 = vector.shape_cast %reduce_sum3A_315 : vector<400xf32> to vector<400x1xf32>
    %div3A_317 = vector.broadcast %sub3A_313 : f32 to vector<400x1xf32>
    %div3A_318 = arith.divf %broadcast_in_dim3A_316, %div3A_317 : vector<400x1xf32>
    %gt3A_319 = arith.constant 0.000000e+00 : f32
    %gt3A_320 = arith.cmpf ogt, %sub3A_313, %gt3A_319 : f32
    %jit3A_321 = arith.constant 0x7FC00000 : f32
    %broadcast_in_dim3A_322 = vector.broadcast %jit3A_321 : f32 to vector<400x1xf32>
    %select_n3A_323 = arith.select %gt3A_320, %div3A_318, %broadcast_in_dim3A_322 : vector<400x1xf32>
    %sub3A_324 = vector.broadcast %div3A_300 : vector<400x1xf32> to vector<400x64xf32>
    %sub3A_325 = arith.subf %add3A_288, %sub3A_324 : vector<400x64xf32>
    %add3A_326 = arith.constant 9.99999996E-13 : f32
    %add3A_327 = vector.broadcast %add3A_326 : f32 to vector<400x1xf32>
    %add3A_328 = arith.addf %select_n3A_323, %add3A_327 : vector<400x1xf32>
    %sqrt3A_329 = math.sqrt %add3A_328 : vector<400x1xf32>
    %div3A_330 = vector.broadcast %sqrt3A_329 : vector<400x1xf32> to vector<400x64xf32>
    %div3A_331 = arith.divf %sub3A_325, %div3A_330 : vector<400x64xf32>
    %mul3A_332 = vector.broadcast %get3A_291 : vector<1x64xf32> to vector<400x64xf32>
    %mul3A_333 = arith.mulf %div3A_331, %mul3A_332 : vector<400x64xf32>
    %add3A_334 = vector.broadcast %get3A_294 : vector<1x64xf32> to vector<400x64xf32>
    %add3A_335 = arith.addf %mul3A_333, %add3A_334 : vector<400x64xf32>
    %iota3A_336 = tpu.iota {dimensions = array<i32: 0>} : vector<400x400xi32>
    %iota3A_337 = tpu.iota {dimensions = array<i32: 1>} : vector<400x400xi32>
    %jit3A_338 = arith.constant 50 : i32
    %div3A_339 = vector.broadcast %jit3A_338 : i32 to vector<400x400xi32>
    %div3A_340 = arith.divsi %iota3A_336, %div3A_339 : vector<400x400xi32>
    %sign3A = arith.constant 0 : i32
    %sign3A_341 = vector.broadcast %sign3A : i32 to vector<400x400xi32>
    %sign3A_342 = arith.cmpi sgt, %iota3A_336, %sign3A_341 : vector<400x400xi32>
    %sign3A_343 = arith.extui %sign3A_342 : vector<400x400xi1> to vector<400x400xi32>
    %sign3A_344 = arith.constant 0 : i32
    %sign3A_345 = vector.broadcast %sign3A_344 : i32 to vector<400x400xi32>
    %sign3A_346 = arith.cmpi slt, %iota3A_336, %sign3A_345 : vector<400x400xi32>
    %sign3A_347 = arith.extui %sign3A_346 : vector<400x400xi1> to vector<400x400xi32>
    %sign3A_348 = arith.subi %sign3A_343, %sign3A_347 : vector<400x400xi32>
    %sign3A_349 = arith.constant 0 : i32
    %sign3A_350 = arith.cmpi sgt, %jit3A_338, %sign3A_349 : i32
    %sign3A_351 = arith.extui %sign3A_350 : i1 to i32
    %sign3A_352 = arith.constant 0 : i32
    %sign3A_353 = arith.cmpi slt, %jit3A_338, %sign3A_352 : i32
    %sign3A_354 = arith.extui %sign3A_353 : i1 to i32
    %sign3A_355 = arith.subi %sign3A_351, %sign3A_354 : i32
    %ne3A = vector.broadcast %sign3A_355 : i32 to vector<400x400xi32>
    %ne3A_356 = arith.cmpi ne, %sign3A_348, %ne3A : vector<400x400xi32>
    %rem3A = vector.broadcast %jit3A_338 : i32 to vector<400x400xi32>
    %rem3A_357 = arith.remsi %iota3A_336, %rem3A : vector<400x400xi32>
    %ne3A_358 = arith.constant 0 : i32
    %ne3A_359 = vector.broadcast %ne3A_358 : i32 to vector<400x400xi32>
    %ne3A_360 = arith.cmpi ne, %rem3A_357, %ne3A_359 : vector<400x400xi32>
    %and3A = arith.andi %ne3A_356, %ne3A_360 : vector<400x400xi1>
    %sub3A_361 = arith.constant 1 : i32
    %sub3A_362 = vector.broadcast %sub3A_361 : i32 to vector<400x400xi32>
    %sub3A_363 = arith.subi %div3A_340, %sub3A_362 : vector<400x400xi32>
    %select_n3A_364 = arith.select %and3A, %sub3A_363, %div3A_340 : vector<400x400xi1>, vector<400x400xi32>
    %jit3A_365 = arith.constant 50 : i32
    %div3A_366 = vector.broadcast %jit3A_365 : i32 to vector<400x400xi32>
    %div3A_367 = arith.divsi %iota3A_337, %div3A_366 : vector<400x400xi32>
    %sign3A_368 = arith.constant 0 : i32
    %sign3A_369 = vector.broadcast %sign3A_368 : i32 to vector<400x400xi32>
    %sign3A_370 = arith.cmpi sgt, %iota3A_337, %sign3A_369 : vector<400x400xi32>
    %sign3A_371 = arith.extui %sign3A_370 : vector<400x400xi1> to vector<400x400xi32>
    %sign3A_372 = arith.constant 0 : i32
    %sign3A_373 = vector.broadcast %sign3A_372 : i32 to vector<400x400xi32>
    %sign3A_374 = arith.cmpi slt, %iota3A_337, %sign3A_373 : vector<400x400xi32>
    %sign3A_375 = arith.extui %sign3A_374 : vector<400x400xi1> to vector<400x400xi32>
    %sign3A_376 = arith.subi %sign3A_371, %sign3A_375 : vector<400x400xi32>
    %sign3A_377 = arith.constant 0 : i32
    %sign3A_378 = arith.cmpi sgt, %jit3A_365, %sign3A_377 : i32
    %sign3A_379 = arith.extui %sign3A_378 : i1 to i32
    %sign3A_380 = arith.constant 0 : i32
    %sign3A_381 = arith.cmpi slt, %jit3A_365, %sign3A_380 : i32
    %sign3A_382 = arith.extui %sign3A_381 : i1 to i32
    %sign3A_383 = arith.subi %sign3A_379, %sign3A_382 : i32
    %ne3A_384 = vector.broadcast %sign3A_383 : i32 to vector<400x400xi32>
    %ne3A_385 = arith.cmpi ne, %sign3A_376, %ne3A_384 : vector<400x400xi32>
    %rem3A_386 = vector.broadcast %jit3A_365 : i32 to vector<400x400xi32>
    %rem3A_387 = arith.remsi %iota3A_337, %rem3A_386 : vector<400x400xi32>
    %ne3A_388 = arith.constant 0 : i32
    %ne3A_389 = vector.broadcast %ne3A_388 : i32 to vector<400x400xi32>
    %ne3A_390 = arith.cmpi ne, %rem3A_387, %ne3A_389 : vector<400x400xi32>
    %and3A_391 = arith.andi %ne3A_385, %ne3A_390 : vector<400x400xi1>
    %sub3A_392 = arith.constant 1 : i32
    %sub3A_393 = vector.broadcast %sub3A_392 : i32 to vector<400x400xi32>
    %sub3A_394 = arith.subi %div3A_367, %sub3A_393 : vector<400x400xi32>
    %select_n3A_395 = arith.select %and3A_391, %sub3A_394, %div3A_367 : vector<400x400xi1>, vector<400x400xi32>
    %eq3A_396 = arith.cmpi eq, %select_n3A_364, %select_n3A_395 : vector<400x400xi32>
    %jit3A_397 = arith.constant 50 : i32
    %eq3A_398 = arith.constant 0 : i32
    %eq3A_399 = arith.cmpi eq, %jit3A_397, %eq3A_398 : i32
    %jit3A_400 = arith.constant 1 : i32
    %select_n3A_401 = arith.select %eq3A_399, %jit3A_400, %jit3A_397 : i32
    %rem3A_402 = vector.broadcast %select_n3A_401 : i32 to vector<400x400xi32>
    %rem3A_403 = arith.remsi %iota3A_337, %rem3A_402 : vector<400x400xi32>
    %ne3A_404 = arith.constant 0 : i32
    %ne3A_405 = vector.broadcast %ne3A_404 : i32 to vector<400x400xi32>
    %ne3A_406 = arith.cmpi ne, %rem3A_403, %ne3A_405 : vector<400x400xi32>
    %lt3A = arith.constant 0 : i32
    %lt3A_407 = vector.broadcast %lt3A : i32 to vector<400x400xi32>
    %lt3A_408 = arith.cmpi slt, %rem3A_403, %lt3A_407 : vector<400x400xi32>
    %lt3A_409 = arith.constant 0 : i32
    %lt3A_410 = arith.cmpi slt, %select_n3A_401, %lt3A_409 : i32
    %ne3A_411 = vector.broadcast %lt3A_410 : i1 to vector<400x400xi1>
    %ne3A_412 = vector.broadcast %ne3A_411 : vector<400x400xi1> to vector<400x400xi1>
    %ne3A_413 = arith.xori %lt3A_408, %ne3A_412 : vector<400x400xi1>
    %and3A_414 = arith.andi %ne3A_413, %ne3A_406 : vector<400x400xi1>
    %add3A_415 = vector.broadcast %select_n3A_401 : i32 to vector<400x400xi32>
    %add3A_416 = arith.addi %rem3A_403, %add3A_415 : vector<400x400xi32>
    %select_n3A_417 = arith.select %and3A_414, %add3A_416, %rem3A_403 : vector<400x400xi1>, vector<400x400xi32>
    %jit3A_418 = arith.constant 50 : i32
    %eq3A_419 = arith.constant 0 : i32
    %eq3A_420 = arith.cmpi eq, %jit3A_418, %eq3A_419 : i32
    %jit3A_421 = arith.constant 1 : i32
    %select_n3A_422 = arith.select %eq3A_420, %jit3A_421, %jit3A_418 : i32
    %rem3A_423 = vector.broadcast %select_n3A_422 : i32 to vector<400x400xi32>
    %rem3A_424 = arith.remsi %iota3A_336, %rem3A_423 : vector<400x400xi32>
    %ne3A_425 = arith.constant 0 : i32
    %ne3A_426 = vector.broadcast %ne3A_425 : i32 to vector<400x400xi32>
    %ne3A_427 = arith.cmpi ne, %rem3A_424, %ne3A_426 : vector<400x400xi32>
    %lt3A_428 = arith.constant 0 : i32
    %lt3A_429 = vector.broadcast %lt3A_428 : i32 to vector<400x400xi32>
    %lt3A_430 = arith.cmpi slt, %rem3A_424, %lt3A_429 : vector<400x400xi32>
    %lt3A_431 = arith.constant 0 : i32
    %lt3A_432 = arith.cmpi slt, %select_n3A_422, %lt3A_431 : i32
    %ne3A_433 = vector.broadcast %lt3A_432 : i1 to vector<400x400xi1>
    %ne3A_434 = vector.broadcast %ne3A_433 : vector<400x400xi1> to vector<400x400xi1>
    %ne3A_435 = arith.xori %lt3A_430, %ne3A_434 : vector<400x400xi1>
    %and3A_436 = arith.andi %ne3A_435, %ne3A_427 : vector<400x400xi1>
    %add3A_437 = vector.broadcast %select_n3A_422 : i32 to vector<400x400xi32>
    %add3A_438 = arith.addi %rem3A_424, %add3A_437 : vector<400x400xi32>
    %select_n3A_439 = arith.select %and3A_436, %add3A_438, %rem3A_424 : vector<400x400xi1>, vector<400x400xi32>
    %le3A = arith.cmpi sle, %select_n3A_417, %select_n3A_439 : vector<400x400xi32>
    %jit3A_440 = arith.constant 1.000000e+00 : f32
    %jit3A_441 = arith.constant 0.000000e+00 : f32
    %broadcast_in_dim3A_442 = vector.broadcast %jit3A_440 : f32 to vector<400x400xf32>
    %broadcast_in_dim3A_443 = vector.broadcast %jit3A_441 : f32 to vector<400x400xf32>
    %select_n3A_444 = arith.select %le3A, %broadcast_in_dim3A_442, %broadcast_in_dim3A_443 : vector<400x400xi1>, vector<400x400xf32>
    %get3A_445 = arith.constant 0 : index
    %get3A_446 = arith.constant 0 : index
    %get3A_447 = arith.constant 0 : index
    %get3A_448 = vector.load %arg2[%get3A_445, %get3A_446, %get3A_447] : memref<1x1x400xf32, #tpu.memory_space<vmem>>, vector<1x1x400xf32>
    %get3A_449 = vector.shape_cast %get3A_448 : vector<1x1x400xf32> to vector<1x400xf32>
    %mul3A_450 = vector.broadcast %get3A_449 : vector<1x400xf32> to vector<400x400xf32>
    %mul3A_451 = arith.mulf %mul3A_450, %select_n3A_444 : vector<400x400xf32>
    %sub3A_452 = arith.constant 1.000000e+00 : f32
    %sub3A_453 = vector.broadcast %sub3A_452 : f32 to vector<400x400xf32>
    %sub3A_454 = arith.subf %sub3A_453, %mul3A_451 : vector<400x400xf32>
    %mul3A_455 = arith.constant -1.000000e+04 : f32
    %mul3A_456 = vector.broadcast %mul3A_455 : f32 to vector<400x400xf32>
    %mul3A_457 = arith.mulf %sub3A_454, %mul3A_456 : vector<400x400xf32>
    %jit3A_458 = arith.constant -1.000000e+30 : f32
    %broadcast_in_dim3A_459 = vector.broadcast %jit3A_458 : f32 to vector<400x400xf32>
    %select_n3A_460 = arith.select %eq3A_396, %mul3A_457, %broadcast_in_dim3A_459 : vector<400x400xi1>, vector<400x400xf32>
    %get3A_461 = arith.constant 0 : index
    %get3A_462 = arith.constant 0 : index
    %get3A_463 = arith.constant 0 : index
    %get3A_464 = vector.load %arg18[%get3A_461, %get3A_462, %get3A_463] : memref<2x64x192xf32, #tpu.memory_space<vmem>>, vector<1x64x192xf32>
    %get3A_465 = vector.shape_cast %get3A_464 : vector<1x64x192xf32> to vector<64x192xf32>
    %dot_general3A_466 = arith.constant dense<0.000000e+00> : vector<400x192xf32>
    %dot_general3A_467 = tpu.matmul %add3A_335, %get3A_465, %dot_general3A_466 {dimension_numbers = #tpu.dot_dimension_numbers<[1], [0], [0], [1], [0, 0, 1, 1], [], []>, transpose_lhs_hint = false} : vector<400x64xf32>, vector<64x192xf32>, vector<400x192xf32> -> vector<400x192xf32>
    %get3A_468 = arith.constant 0 : index
    %get3A_469 = arith.constant 0 : index
    %get3A_470 = arith.constant 0 : index
    %get3A_471 = vector.load %arg19[%get3A_468, %get3A_469, %get3A_470] : memref<2x1x192xf32, #tpu.memory_space<vmem>>, vector<1x1x192xf32>
    %get3A_472 = vector.shape_cast %get3A_471 : vector<1x1x192xf32> to vector<1x192xf32>
    %add3A_473 = vector.broadcast %get3A_472 : vector<1x192xf32> to vector<400x192xf32>
    %add3A_474 = arith.addf %dot_general3A_467, %add3A_473 : vector<400x192xf32>
    %slice3A_475 = vector.extract_strided_slice %add3A_474 {offsets = [0, 0], sizes = [400, 32], strides = [1, 1]} : vector<400x192xf32> to vector<400x32xf32>
    %slice3A_476 = vector.extract_strided_slice %add3A_474 {offsets = [0, 64], sizes = [400, 32], strides = [1, 1]} : vector<400x192xf32> to vector<400x32xf32>
    %slice3A_477 = vector.extract_strided_slice %add3A_474 {offsets = [0, 128], sizes = [400, 32], strides = [1, 1]} : vector<400x192xf32> to vector<400x32xf32>
    %dot_general3A_478 = arith.constant dense<0.000000e+00> : vector<400x400xf32>
    %dot_general3A_479 = tpu.matmul %slice3A_475, %slice3A_476, %dot_general3A_478 {dimension_numbers = #tpu.dot_dimension_numbers<[1], [1], [0], [0], [0, 0, 1, 0], [], []>, transpose_lhs_hint = false} : vector<400x32xf32>, vector<400x32xf32>, vector<400x400xf32> -> vector<400x400xf32>
    %mul3A_480 = arith.constant 0.176776692 : f32
    %mul3A_481 = vector.broadcast %mul3A_480 : f32 to vector<400x400xf32>
    %mul3A_482 = arith.mulf %dot_general3A_479, %mul3A_481 : vector<400x400xf32>
    %add3A_483 = arith.addf %mul3A_482, %select_n3A_460 : vector<400x400xf32>
    %reduce_max3A_484 = arith.constant dense<0xFF800000> : vector<400xf32>
    %reduce_max3A_485 = vector.multi_reduction <maximumf>, %add3A_483, %reduce_max3A_484 [1] : vector<400x400xf32> to vector<400xf32>
    %broadcast_in_dim3A_486 = vector.shape_cast %reduce_max3A_485 : vector<400xf32> to vector<400x1xf32>
    %sub3A_487 = vector.broadcast %broadcast_in_dim3A_486 : vector<400x1xf32> to vector<400x400xf32>
    %sub3A_488 = arith.subf %add3A_483, %sub3A_487 : vector<400x400xf32>
    %exp3A_489 = math.exp %sub3A_488 : vector<400x400xf32>
    %reduce_sum3A_490 = arith.constant dense<0.000000e+00> : vector<400xf32>
    %reduce_sum3A_491 = vector.multi_reduction <add>, %exp3A_489, %reduce_sum3A_490 [1] : vector<400x400xf32> to vector<400xf32>
    %broadcast_in_dim3A_492 = vector.shape_cast %reduce_sum3A_491 : vector<400xf32> to vector<400x1xf32>
    %div3A_493 = vector.broadcast %broadcast_in_dim3A_492 : vector<400x1xf32> to vector<400x400xf32>
    %div3A_494 = arith.divf %exp3A_489, %div3A_493 : vector<400x400xf32>
    %dot_general3A_495 = arith.constant dense<0.000000e+00> : vector<400x32xf32>
    %dot_general3A_496 = tpu.matmul %div3A_494, %slice3A_477, %dot_general3A_495 {dimension_numbers = #tpu.dot_dimension_numbers<[1], [0], [0], [1], [0, 0, 1, 1], [], []>, transpose_lhs_hint = false} : vector<400x400xf32>, vector<400x32xf32>, vector<400x32xf32> -> vector<400x32xf32>
    %get3A_497 = arith.constant 0 : index
    %get3A_498 = arith.constant 0 : index
    %get3A_499 = arith.constant 0 : index
    %get3A_500 = vector.load %arg20[%get3A_497, %get3A_498, %get3A_499] : memref<2x64x64xf32, #tpu.memory_space<vmem>>, vector<1x64x64xf32>
    %get3A_501 = vector.shape_cast %get3A_500 : vector<1x64x64xf32> to vector<64x64xf32>
    %slice3A_502 = vector.extract_strided_slice %get3A_501 {offsets = [0, 0], sizes = [32, 64], strides = [1, 1]} : vector<64x64xf32> to vector<32x64xf32>
    %dot_general3A_503 = arith.constant dense<0.000000e+00> : vector<400x64xf32>
    %dot_general3A_504 = tpu.matmul %dot_general3A_496, %slice3A_502, %dot_general3A_503 {dimension_numbers = #tpu.dot_dimension_numbers<[1], [0], [0], [1], [0, 0, 1, 1], [], []>, transpose_lhs_hint = false} : vector<400x32xf32>, vector<32x64xf32>, vector<400x64xf32> -> vector<400x64xf32>
    %slice3A_505 = vector.extract_strided_slice %add3A_474 {offsets = [0, 32], sizes = [400, 32], strides = [1, 1]} : vector<400x192xf32> to vector<400x32xf32>
    %slice3A_506 = vector.extract_strided_slice %add3A_474 {offsets = [0, 96], sizes = [400, 32], strides = [1, 1]} : vector<400x192xf32> to vector<400x32xf32>
    %slice3A_507 = vector.extract_strided_slice %add3A_474 {offsets = [0, 160], sizes = [400, 32], strides = [1, 1]} : vector<400x192xf32> to vector<400x32xf32>
    %dot_general3A_508 = arith.constant dense<0.000000e+00> : vector<400x400xf32>
    %dot_general3A_509 = tpu.matmul %slice3A_505, %slice3A_506, %dot_general3A_508 {dimension_numbers = #tpu.dot_dimension_numbers<[1], [1], [0], [0], [0, 0, 1, 0], [], []>, transpose_lhs_hint = false} : vector<400x32xf32>, vector<400x32xf32>, vector<400x400xf32> -> vector<400x400xf32>
    %mul3A_510 = arith.constant 0.176776692 : f32
    %mul3A_511 = vector.broadcast %mul3A_510 : f32 to vector<400x400xf32>
    %mul3A_512 = arith.mulf %dot_general3A_509, %mul3A_511 : vector<400x400xf32>
    %add3A_513 = arith.addf %mul3A_512, %select_n3A_460 : vector<400x400xf32>
    %reduce_max3A_514 = arith.constant dense<0xFF800000> : vector<400xf32>
    %reduce_max3A_515 = vector.multi_reduction <maximumf>, %add3A_513, %reduce_max3A_514 [1] : vector<400x400xf32> to vector<400xf32>
    %broadcast_in_dim3A_516 = vector.shape_cast %reduce_max3A_515 : vector<400xf32> to vector<400x1xf32>
    %sub3A_517 = vector.broadcast %broadcast_in_dim3A_516 : vector<400x1xf32> to vector<400x400xf32>
    %sub3A_518 = arith.subf %add3A_513, %sub3A_517 : vector<400x400xf32>
    %exp3A_519 = math.exp %sub3A_518 : vector<400x400xf32>
    %reduce_sum3A_520 = arith.constant dense<0.000000e+00> : vector<400xf32>
    %reduce_sum3A_521 = vector.multi_reduction <add>, %exp3A_519, %reduce_sum3A_520 [1] : vector<400x400xf32> to vector<400xf32>
    %broadcast_in_dim3A_522 = vector.shape_cast %reduce_sum3A_521 : vector<400xf32> to vector<400x1xf32>
    %div3A_523 = vector.broadcast %broadcast_in_dim3A_522 : vector<400x1xf32> to vector<400x400xf32>
    %div3A_524 = arith.divf %exp3A_519, %div3A_523 : vector<400x400xf32>
    %dot_general3A_525 = arith.constant dense<0.000000e+00> : vector<400x32xf32>
    %dot_general3A_526 = tpu.matmul %div3A_524, %slice3A_507, %dot_general3A_525 {dimension_numbers = #tpu.dot_dimension_numbers<[1], [0], [0], [1], [0, 0, 1, 1], [], []>, transpose_lhs_hint = false} : vector<400x400xf32>, vector<400x32xf32>, vector<400x32xf32> -> vector<400x32xf32>
    %get3A_527 = arith.constant 0 : index
    %get3A_528 = arith.constant 0 : index
    %get3A_529 = arith.constant 0 : index
    %get3A_530 = vector.load %arg20[%get3A_527, %get3A_528, %get3A_529] : memref<2x64x64xf32, #tpu.memory_space<vmem>>, vector<1x64x64xf32>
    %get3A_531 = vector.shape_cast %get3A_530 : vector<1x64x64xf32> to vector<64x64xf32>
    %slice3A_532 = vector.extract_strided_slice %get3A_531 {offsets = [32, 0], sizes = [32, 64], strides = [1, 1]} : vector<64x64xf32> to vector<32x64xf32>
    %dot_general3A_533 = arith.constant dense<0.000000e+00> : vector<400x64xf32>
    %dot_general3A_534 = tpu.matmul %dot_general3A_526, %slice3A_532, %dot_general3A_533 {dimension_numbers = #tpu.dot_dimension_numbers<[1], [0], [0], [1], [0, 0, 1, 1], [], []>, transpose_lhs_hint = false} : vector<400x32xf32>, vector<32x64xf32>, vector<400x64xf32> -> vector<400x64xf32>
    %add3A_535 = arith.addf %dot_general3A_504, %dot_general3A_534 : vector<400x64xf32>
    %add3A_536 = arith.addf %add3A_335, %add3A_535 : vector<400x64xf32>
    %get3A_537 = arith.constant 0 : index
    %get3A_538 = arith.constant 0 : index
    %get3A_539 = arith.constant 0 : index
    %get3A_540 = vector.load %arg21[%get3A_537, %get3A_538, %get3A_539] : memref<2x1x64xf32, #tpu.memory_space<vmem>>, vector<1x1x64xf32>
    %get3A_541 = vector.shape_cast %get3A_540 : vector<1x1x64xf32> to vector<1x64xf32>
    %add3A_542 = vector.broadcast %get3A_541 : vector<1x64xf32> to vector<400x64xf32>
    %add3A_543 = arith.addf %add3A_536, %add3A_542 : vector<400x64xf32>
    %get3A_544 = arith.constant 0 : index
    %get3A_545 = arith.constant 0 : index
    %get3A_546 = arith.constant 0 : index
    %get3A_547 = vector.load %arg22[%get3A_544, %get3A_545, %get3A_546] : memref<2x1x64xf32, #tpu.memory_space<vmem>>, vector<1x1x64xf32>
    %get3A_548 = vector.shape_cast %get3A_547 : vector<1x1x64xf32> to vector<1x64xf32>
    %get3A_549 = arith.constant 0 : index
    %get3A_550 = arith.constant 0 : index
    %get3A_551 = arith.constant 0 : index
    %get3A_552 = vector.load %arg23[%get3A_549, %get3A_550, %get3A_551] : memref<2x1x64xf32, #tpu.memory_space<vmem>>, vector<1x1x64xf32>
    %get3A_553 = vector.shape_cast %get3A_552 : vector<1x1x64xf32> to vector<1x64xf32>
    %reduce_sum3A_554 = arith.constant dense<0.000000e+00> : vector<400xf32>
    %reduce_sum3A_555 = vector.multi_reduction <add>, %add3A_543, %reduce_sum3A_554 [1] : vector<400x64xf32> to vector<400xf32>
    %broadcast_in_dim3A_556 = vector.shape_cast %reduce_sum3A_555 : vector<400xf32> to vector<400x1xf32>
    %div3A_557 = arith.constant 6.400000e+01 : f32
    %div3A_558 = vector.broadcast %div3A_557 : f32 to vector<400x1xf32>
    %div3A_559 = arith.divf %broadcast_in_dim3A_556, %div3A_558 : vector<400x1xf32>
    %jit3A_560 = arith.constant 0 : i32
    %reduce_sum3A_561 = arith.constant dense<0.000000e+00> : vector<400xf32>
    %reduce_sum3A_562 = vector.multi_reduction <add>, %add3A_543, %reduce_sum3A_561 [1] : vector<400x64xf32> to vector<400xf32>
    %broadcast_in_dim3A_563 = vector.shape_cast %reduce_sum3A_562 : vector<400xf32> to vector<400x1xf32>
    %div3A_564 = arith.constant 6.400000e+01 : f32
    %div3A_565 = vector.broadcast %div3A_564 : f32 to vector<400x1xf32>
    %div3A_566 = arith.divf %broadcast_in_dim3A_563, %div3A_565 : vector<400x1xf32>
    %sub3A_567 = vector.broadcast %div3A_566 : vector<400x1xf32> to vector<400x64xf32>
    %sub3A_568 = arith.subf %add3A_543, %sub3A_567 : vector<400x64xf32>
    %square3A_569 = arith.mulf %sub3A_568, %sub3A_568 : vector<400x64xf32>
    %convert_element_type3A_570 = arith.sitofp %jit3A_560 : i32 to f32
    %sub3A_571 = arith.constant 6.400000e+01 : f32
    %sub3A_572 = arith.subf %sub3A_571, %convert_element_type3A_570 : f32
    %reduce_sum3A_573 = arith.constant dense<0.000000e+00> : vector<400xf32>
    %reduce_sum3A_574 = vector.multi_reduction <add>, %square3A_569, %reduce_sum3A_573 [1] : vector<400x64xf32> to vector<400xf32>
    %broadcast_in_dim3A_575 = vector.shape_cast %reduce_sum3A_574 : vector<400xf32> to vector<400x1xf32>
    %div3A_576 = vector.broadcast %sub3A_572 : f32 to vector<400x1xf32>
    %div3A_577 = arith.divf %broadcast_in_dim3A_575, %div3A_576 : vector<400x1xf32>
    %gt3A_578 = arith.constant 0.000000e+00 : f32
    %gt3A_579 = arith.cmpf ogt, %sub3A_572, %gt3A_578 : f32
    %jit3A_580 = arith.constant 0x7FC00000 : f32
    %broadcast_in_dim3A_581 = vector.broadcast %jit3A_580 : f32 to vector<400x1xf32>
    %select_n3A_582 = arith.select %gt3A_579, %div3A_577, %broadcast_in_dim3A_581 : vector<400x1xf32>
    %sub3A_583 = vector.broadcast %div3A_559 : vector<400x1xf32> to vector<400x64xf32>
    %sub3A_584 = arith.subf %add3A_543, %sub3A_583 : vector<400x64xf32>
    %add3A_585 = arith.constant 9.99999996E-13 : f32
    %add3A_586 = vector.broadcast %add3A_585 : f32 to vector<400x1xf32>
    %add3A_587 = arith.addf %select_n3A_582, %add3A_586 : vector<400x1xf32>
    %sqrt3A_588 = math.sqrt %add3A_587 : vector<400x1xf32>
    %div3A_589 = vector.broadcast %sqrt3A_588 : vector<400x1xf32> to vector<400x64xf32>
    %div3A_590 = arith.divf %sub3A_584, %div3A_589 : vector<400x64xf32>
    %mul3A_591 = vector.broadcast %get3A_548 : vector<1x64xf32> to vector<400x64xf32>
    %mul3A_592 = arith.mulf %div3A_590, %mul3A_591 : vector<400x64xf32>
    %add3A_593 = vector.broadcast %get3A_553 : vector<1x64xf32> to vector<400x64xf32>
    %add3A_594 = arith.addf %mul3A_592, %add3A_593 : vector<400x64xf32>
    %get3A_595 = arith.constant 0 : index
    %get3A_596 = arith.constant 0 : index
    %get3A_597 = arith.constant 0 : index
    %get3A_598 = vector.load %arg24[%get3A_595, %get3A_596, %get3A_597] : memref<2x64x256xf32, #tpu.memory_space<vmem>>, vector<1x64x256xf32>
    %get3A_599 = vector.shape_cast %get3A_598 : vector<1x64x256xf32> to vector<64x256xf32>
    %dot_general3A_600 = arith.constant dense<0.000000e+00> : vector<400x256xf32>
    %dot_general3A_601 = tpu.matmul %add3A_594, %get3A_599, %dot_general3A_600 {dimension_numbers = #tpu.dot_dimension_numbers<[1], [0], [0], [1], [0, 0, 1, 1], [], []>, transpose_lhs_hint = false} : vector<400x64xf32>, vector<64x256xf32>, vector<400x256xf32> -> vector<400x256xf32>
    %get3A_602 = arith.constant 0 : index
    %get3A_603 = arith.constant 0 : index
    %get3A_604 = arith.constant 0 : index
    %get3A_605 = vector.load %arg25[%get3A_602, %get3A_603, %get3A_604] : memref<2x1x256xf32, #tpu.memory_space<vmem>>, vector<1x1x256xf32>
    %get3A_606 = vector.shape_cast %get3A_605 : vector<1x1x256xf32> to vector<1x256xf32>
    %add3A_607 = vector.broadcast %get3A_606 : vector<1x256xf32> to vector<400x256xf32>
    %add3A_608 = arith.addf %dot_general3A_601, %add3A_607 : vector<400x256xf32>
    %integer_pow3A = arith.mulf %add3A_608, %add3A_608 : vector<400x256xf32>
    %integer_pow3A_609 = arith.mulf %add3A_608, %integer_pow3A : vector<400x256xf32>
    %mul3A_610 = arith.constant 4.471500e-02 : f32
    %mul3A_611 = vector.broadcast %mul3A_610 : f32 to vector<400x256xf32>
    %mul3A_612 = arith.mulf %mul3A_611, %integer_pow3A_609 : vector<400x256xf32>
    %add3A_613 = arith.addf %add3A_608, %mul3A_612 : vector<400x256xf32>
    %mul3A_614 = arith.constant 0.797884583 : f32
    %mul3A_615 = vector.broadcast %mul3A_614 : f32 to vector<400x256xf32>
    %mul3A_616 = arith.mulf %mul3A_615, %add3A_613 : vector<400x256xf32>
    %tanh3A = math.tanh %mul3A_616 : vector<400x256xf32>
    %add3A_617 = arith.constant 1.000000e+00 : f32
    %add3A_618 = vector.broadcast %add3A_617 : f32 to vector<400x256xf32>
    %add3A_619 = arith.addf %add3A_618, %tanh3A : vector<400x256xf32>
    %mul3A_620 = arith.constant 5.000000e-01 : f32
    %mul3A_621 = vector.broadcast %mul3A_620 : f32 to vector<400x256xf32>
    %mul3A_622 = arith.mulf %mul3A_621, %add3A_619 : vector<400x256xf32>
    %mul3A_623 = arith.mulf %add3A_608, %mul3A_622 : vector<400x256xf32>
    %get3A_624 = arith.constant 0 : index
    %get3A_625 = arith.constant 0 : index
    %get3A_626 = arith.constant 0 : index
    %get3A_627 = vector.load %arg26[%get3A_624, %get3A_625, %get3A_626] : memref<2x256x64xf32, #tpu.memory_space<vmem>>, vector<1x256x64xf32>
    %get3A_628 = vector.shape_cast %get3A_627 : vector<1x256x64xf32> to vector<256x64xf32>
    %dot_general3A_629 = arith.constant dense<0.000000e+00> : vector<400x64xf32>
    %dot_general3A_630 = tpu.matmul %mul3A_623, %get3A_628, %dot_general3A_629 {dimension_numbers = #tpu.dot_dimension_numbers<[1], [0], [0], [1], [0, 0, 1, 1], [], []>, transpose_lhs_hint = false} : vector<400x256xf32>, vector<256x64xf32>, vector<400x64xf32> -> vector<400x64xf32>
    %get3A_631 = arith.constant 0 : index
    %get3A_632 = arith.constant 0 : index
    %get3A_633 = arith.constant 0 : index
    %get3A_634 = vector.load %arg27[%get3A_631, %get3A_632, %get3A_633] : memref<2x1x64xf32, #tpu.memory_space<vmem>>, vector<1x1x64xf32>
    %get3A_635 = vector.shape_cast %get3A_634 : vector<1x1x64xf32> to vector<1x64xf32>
    %add3A_636 = vector.broadcast %get3A_635 : vector<1x64xf32> to vector<400x64xf32>
    %add3A_637 = arith.addf %dot_general3A_630, %add3A_636 : vector<400x64xf32>
    %add3A_638 = arith.addf %add3A_594, %add3A_637 : vector<400x64xf32>
    %get3A_639 = arith.constant 0 : index
    %get3A_640 = arith.constant 0 : index
    %get3A_641 = arith.constant 0 : index
    %get3A_642 = vector.load %arg28[%get3A_639, %get3A_640, %get3A_641] : memref<2x1x64xf32, #tpu.memory_space<vmem>>, vector<1x1x64xf32>
    %get3A_643 = vector.shape_cast %get3A_642 : vector<1x1x64xf32> to vector<1x64xf32>
    %get3A_644 = arith.constant 0 : index
    %get3A_645 = arith.constant 0 : index
    %get3A_646 = arith.constant 0 : index
    %get3A_647 = vector.load %arg29[%get3A_644, %get3A_645, %get3A_646] : memref<2x1x64xf32, #tpu.memory_space<vmem>>, vector<1x1x64xf32>
    %get3A_648 = vector.shape_cast %get3A_647 : vector<1x1x64xf32> to vector<1x64xf32>
    %reduce_sum3A_649 = arith.constant dense<0.000000e+00> : vector<400xf32>
    %reduce_sum3A_650 = vector.multi_reduction <add>, %add3A_638, %reduce_sum3A_649 [1] : vector<400x64xf32> to vector<400xf32>
    %broadcast_in_dim3A_651 = vector.shape_cast %reduce_sum3A_650 : vector<400xf32> to vector<400x1xf32>
    %div3A_652 = arith.constant 6.400000e+01 : f32
    %div3A_653 = vector.broadcast %div3A_652 : f32 to vector<400x1xf32>
    %div3A_654 = arith.divf %broadcast_in_dim3A_651, %div3A_653 : vector<400x1xf32>
    %jit3A_655 = arith.constant 0 : i32
    %reduce_sum3A_656 = arith.constant dense<0.000000e+00> : vector<400xf32>
    %reduce_sum3A_657 = vector.multi_reduction <add>, %add3A_638, %reduce_sum3A_656 [1] : vector<400x64xf32> to vector<400xf32>
    %broadcast_in_dim3A_658 = vector.shape_cast %reduce_sum3A_657 : vector<400xf32> to vector<400x1xf32>
    %div3A_659 = arith.constant 6.400000e+01 : f32
    %div3A_660 = vector.broadcast %div3A_659 : f32 to vector<400x1xf32>
    %div3A_661 = arith.divf %broadcast_in_dim3A_658, %div3A_660 : vector<400x1xf32>
    %sub3A_662 = vector.broadcast %div3A_661 : vector<400x1xf32> to vector<400x64xf32>
    %sub3A_663 = arith.subf %add3A_638, %sub3A_662 : vector<400x64xf32>
    %square3A_664 = arith.mulf %sub3A_663, %sub3A_663 : vector<400x64xf32>
    %convert_element_type3A_665 = arith.sitofp %jit3A_655 : i32 to f32
    %sub3A_666 = arith.constant 6.400000e+01 : f32
    %sub3A_667 = arith.subf %sub3A_666, %convert_element_type3A_665 : f32
    %reduce_sum3A_668 = arith.constant dense<0.000000e+00> : vector<400xf32>
    %reduce_sum3A_669 = vector.multi_reduction <add>, %square3A_664, %reduce_sum3A_668 [1] : vector<400x64xf32> to vector<400xf32>
    %broadcast_in_dim3A_670 = vector.shape_cast %reduce_sum3A_669 : vector<400xf32> to vector<400x1xf32>
    %div3A_671 = vector.broadcast %sub3A_667 : f32 to vector<400x1xf32>
    %div3A_672 = arith.divf %broadcast_in_dim3A_670, %div3A_671 : vector<400x1xf32>
    %gt3A_673 = arith.constant 0.000000e+00 : f32
    %gt3A_674 = arith.cmpf ogt, %sub3A_667, %gt3A_673 : f32
    %jit3A_675 = arith.constant 0x7FC00000 : f32
    %broadcast_in_dim3A_676 = vector.broadcast %jit3A_675 : f32 to vector<400x1xf32>
    %select_n3A_677 = arith.select %gt3A_674, %div3A_672, %broadcast_in_dim3A_676 : vector<400x1xf32>
    %sub3A_678 = vector.broadcast %div3A_654 : vector<400x1xf32> to vector<400x64xf32>
    %sub3A_679 = arith.subf %add3A_638, %sub3A_678 : vector<400x64xf32>
    %add3A_680 = arith.constant 9.99999996E-13 : f32
    %add3A_681 = vector.broadcast %add3A_680 : f32 to vector<400x1xf32>
    %add3A_682 = arith.addf %select_n3A_677, %add3A_681 : vector<400x1xf32>
    %sqrt3A_683 = math.sqrt %add3A_682 : vector<400x1xf32>
    %div3A_684 = vector.broadcast %sqrt3A_683 : vector<400x1xf32> to vector<400x64xf32>
    %div3A_685 = arith.divf %sub3A_679, %div3A_684 : vector<400x64xf32>
    %mul3A_686 = vector.broadcast %get3A_643 : vector<1x64xf32> to vector<400x64xf32>
    %mul3A_687 = arith.mulf %div3A_685, %mul3A_686 : vector<400x64xf32>
    %add3A_688 = vector.broadcast %get3A_648 : vector<1x64xf32> to vector<400x64xf32>
    %add3A_689 = arith.addf %mul3A_687, %add3A_688 : vector<400x64xf32>
    %get3A_690 = arith.constant 1 : index
    %get3A_691 = arith.constant 0 : index
    %get3A_692 = arith.constant 0 : index
    %get3A_693 = vector.load %arg18[%get3A_690, %get3A_691, %get3A_692] : memref<2x64x192xf32, #tpu.memory_space<vmem>>, vector<1x64x192xf32>
    %get3A_694 = vector.shape_cast %get3A_693 : vector<1x64x192xf32> to vector<64x192xf32>
    %dot_general3A_695 = arith.constant dense<0.000000e+00> : vector<400x192xf32>
    %dot_general3A_696 = tpu.matmul %add3A_689, %get3A_694, %dot_general3A_695 {dimension_numbers = #tpu.dot_dimension_numbers<[1], [0], [0], [1], [0, 0, 1, 1], [], []>, transpose_lhs_hint = false} : vector<400x64xf32>, vector<64x192xf32>, vector<400x192xf32> -> vector<400x192xf32>
    %get3A_697 = arith.constant 1 : index
    %get3A_698 = arith.constant 0 : index
    %get3A_699 = arith.constant 0 : index
    %get3A_700 = vector.load %arg19[%get3A_697, %get3A_698, %get3A_699] : memref<2x1x192xf32, #tpu.memory_space<vmem>>, vector<1x1x192xf32>
    %get3A_701 = vector.shape_cast %get3A_700 : vector<1x1x192xf32> to vector<1x192xf32>
    %add3A_702 = vector.broadcast %get3A_701 : vector<1x192xf32> to vector<400x192xf32>
    %add3A_703 = arith.addf %dot_general3A_696, %add3A_702 : vector<400x192xf32>
    %slice3A_704 = vector.extract_strided_slice %add3A_703 {offsets = [0, 0], sizes = [400, 32], strides = [1, 1]} : vector<400x192xf32> to vector<400x32xf32>
    %slice3A_705 = vector.extract_strided_slice %add3A_703 {offsets = [0, 64], sizes = [400, 32], strides = [1, 1]} : vector<400x192xf32> to vector<400x32xf32>
    %slice3A_706 = vector.extract_strided_slice %add3A_703 {offsets = [0, 128], sizes = [400, 32], strides = [1, 1]} : vector<400x192xf32> to vector<400x32xf32>
    %dot_general3A_707 = arith.constant dense<0.000000e+00> : vector<400x400xf32>
    %dot_general3A_708 = tpu.matmul %slice3A_704, %slice3A_705, %dot_general3A_707 {dimension_numbers = #tpu.dot_dimension_numbers<[1], [1], [0], [0], [0, 0, 1, 0], [], []>, transpose_lhs_hint = false} : vector<400x32xf32>, vector<400x32xf32>, vector<400x400xf32> -> vector<400x400xf32>
    %mul3A_709 = arith.constant 0.176776692 : f32
    %mul3A_710 = vector.broadcast %mul3A_709 : f32 to vector<400x400xf32>
    %mul3A_711 = arith.mulf %dot_general3A_708, %mul3A_710 : vector<400x400xf32>
    %add3A_712 = arith.addf %mul3A_711, %select_n3A_460 : vector<400x400xf32>
    %reduce_max3A_713 = arith.constant dense<0xFF800000> : vector<400xf32>
    %reduce_max3A_714 = vector.multi_reduction <maximumf>, %add3A_712, %reduce_max3A_713 [1] : vector<400x400xf32> to vector<400xf32>
    %broadcast_in_dim3A_715 = vector.shape_cast %reduce_max3A_714 : vector<400xf32> to vector<400x1xf32>
    %sub3A_716 = vector.broadcast %broadcast_in_dim3A_715 : vector<400x1xf32> to vector<400x400xf32>
    %sub3A_717 = arith.subf %add3A_712, %sub3A_716 : vector<400x400xf32>
    %exp3A_718 = math.exp %sub3A_717 : vector<400x400xf32>
    %reduce_sum3A_719 = arith.constant dense<0.000000e+00> : vector<400xf32>
    %reduce_sum3A_720 = vector.multi_reduction <add>, %exp3A_718, %reduce_sum3A_719 [1] : vector<400x400xf32> to vector<400xf32>
    %broadcast_in_dim3A_721 = vector.shape_cast %reduce_sum3A_720 : vector<400xf32> to vector<400x1xf32>
    %div3A_722 = vector.broadcast %broadcast_in_dim3A_721 : vector<400x1xf32> to vector<400x400xf32>
    %div3A_723 = arith.divf %exp3A_718, %div3A_722 : vector<400x400xf32>
    %dot_general3A_724 = arith.constant dense<0.000000e+00> : vector<400x32xf32>
    %dot_general3A_725 = tpu.matmul %div3A_723, %slice3A_706, %dot_general3A_724 {dimension_numbers = #tpu.dot_dimension_numbers<[1], [0], [0], [1], [0, 0, 1, 1], [], []>, transpose_lhs_hint = false} : vector<400x400xf32>, vector<400x32xf32>, vector<400x32xf32> -> vector<400x32xf32>
    %get3A_726 = arith.constant 1 : index
    %get3A_727 = arith.constant 0 : index
    %get3A_728 = arith.constant 0 : index
    %get3A_729 = vector.load %arg20[%get3A_726, %get3A_727, %get3A_728] : memref<2x64x64xf32, #tpu.memory_space<vmem>>, vector<1x64x64xf32>
    %get3A_730 = vector.shape_cast %get3A_729 : vector<1x64x64xf32> to vector<64x64xf32>
    %slice3A_731 = vector.extract_strided_slice %get3A_730 {offsets = [0, 0], sizes = [32, 64], strides = [1, 1]} : vector<64x64xf32> to vector<32x64xf32>
    %dot_general3A_732 = arith.constant dense<0.000000e+00> : vector<400x64xf32>
    %dot_general3A_733 = tpu.matmul %dot_general3A_725, %slice3A_731, %dot_general3A_732 {dimension_numbers = #tpu.dot_dimension_numbers<[1], [0], [0], [1], [0, 0, 1, 1], [], []>, transpose_lhs_hint = false} : vector<400x32xf32>, vector<32x64xf32>, vector<400x64xf32> -> vector<400x64xf32>
    %slice3A_734 = vector.extract_strided_slice %add3A_703 {offsets = [0, 32], sizes = [400, 32], strides = [1, 1]} : vector<400x192xf32> to vector<400x32xf32>
    %slice3A_735 = vector.extract_strided_slice %add3A_703 {offsets = [0, 96], sizes = [400, 32], strides = [1, 1]} : vector<400x192xf32> to vector<400x32xf32>
    %slice3A_736 = vector.extract_strided_slice %add3A_703 {offsets = [0, 160], sizes = [400, 32], strides = [1, 1]} : vector<400x192xf32> to vector<400x32xf32>
    %dot_general3A_737 = arith.constant dense<0.000000e+00> : vector<400x400xf32>
    %dot_general3A_738 = tpu.matmul %slice3A_734, %slice3A_735, %dot_general3A_737 {dimension_numbers = #tpu.dot_dimension_numbers<[1], [1], [0], [0], [0, 0, 1, 0], [], []>, transpose_lhs_hint = false} : vector<400x32xf32>, vector<400x32xf32>, vector<400x400xf32> -> vector<400x400xf32>
    %mul3A_739 = arith.constant 0.176776692 : f32
    %mul3A_740 = vector.broadcast %mul3A_739 : f32 to vector<400x400xf32>
    %mul3A_741 = arith.mulf %dot_general3A_738, %mul3A_740 : vector<400x400xf32>
    %add3A_742 = arith.addf %mul3A_741, %select_n3A_460 : vector<400x400xf32>
    %reduce_max3A_743 = arith.constant dense<0xFF800000> : vector<400xf32>
    %reduce_max3A_744 = vector.multi_reduction <maximumf>, %add3A_742, %reduce_max3A_743 [1] : vector<400x400xf32> to vector<400xf32>
    %broadcast_in_dim3A_745 = vector.shape_cast %reduce_max3A_744 : vector<400xf32> to vector<400x1xf32>
    %sub3A_746 = vector.broadcast %broadcast_in_dim3A_745 : vector<400x1xf32> to vector<400x400xf32>
    %sub3A_747 = arith.subf %add3A_742, %sub3A_746 : vector<400x400xf32>
    %exp3A_748 = math.exp %sub3A_747 : vector<400x400xf32>
    %reduce_sum3A_749 = arith.constant dense<0.000000e+00> : vector<400xf32>
    %reduce_sum3A_750 = vector.multi_reduction <add>, %exp3A_748, %reduce_sum3A_749 [1] : vector<400x400xf32> to vector<400xf32>
    %broadcast_in_dim3A_751 = vector.shape_cast %reduce_sum3A_750 : vector<400xf32> to vector<400x1xf32>
    %div3A_752 = vector.broadcast %broadcast_in_dim3A_751 : vector<400x1xf32> to vector<400x400xf32>
    %div3A_753 = arith.divf %exp3A_748, %div3A_752 : vector<400x400xf32>
    %dot_general3A_754 = arith.constant dense<0.000000e+00> : vector<400x32xf32>
    %dot_general3A_755 = tpu.matmul %div3A_753, %slice3A_736, %dot_general3A_754 {dimension_numbers = #tpu.dot_dimension_numbers<[1], [0], [0], [1], [0, 0, 1, 1], [], []>, transpose_lhs_hint = false} : vector<400x400xf32>, vector<400x32xf32>, vector<400x32xf32> -> vector<400x32xf32>
    %get3A_756 = arith.constant 1 : index
    %get3A_757 = arith.constant 0 : index
    %get3A_758 = arith.constant 0 : index
    %get3A_759 = vector.load %arg20[%get3A_756, %get3A_757, %get3A_758] : memref<2x64x64xf32, #tpu.memory_space<vmem>>, vector<1x64x64xf32>
    %get3A_760 = vector.shape_cast %get3A_759 : vector<1x64x64xf32> to vector<64x64xf32>
    %slice3A_761 = vector.extract_strided_slice %get3A_760 {offsets = [32, 0], sizes = [32, 64], strides = [1, 1]} : vector<64x64xf32> to vector<32x64xf32>
    %dot_general3A_762 = arith.constant dense<0.000000e+00> : vector<400x64xf32>
    %dot_general3A_763 = tpu.matmul %dot_general3A_755, %slice3A_761, %dot_general3A_762 {dimension_numbers = #tpu.dot_dimension_numbers<[1], [0], [0], [1], [0, 0, 1, 1], [], []>, transpose_lhs_hint = false} : vector<400x32xf32>, vector<32x64xf32>, vector<400x64xf32> -> vector<400x64xf32>
    %add3A_764 = arith.addf %dot_general3A_733, %dot_general3A_763 : vector<400x64xf32>
    %add3A_765 = arith.addf %add3A_689, %add3A_764 : vector<400x64xf32>
    %get3A_766 = arith.constant 1 : index
    %get3A_767 = arith.constant 0 : index
    %get3A_768 = arith.constant 0 : index
    %get3A_769 = vector.load %arg21[%get3A_766, %get3A_767, %get3A_768] : memref<2x1x64xf32, #tpu.memory_space<vmem>>, vector<1x1x64xf32>
    %get3A_770 = vector.shape_cast %get3A_769 : vector<1x1x64xf32> to vector<1x64xf32>
    %add3A_771 = vector.broadcast %get3A_770 : vector<1x64xf32> to vector<400x64xf32>
    %add3A_772 = arith.addf %add3A_765, %add3A_771 : vector<400x64xf32>
    %get3A_773 = arith.constant 1 : index
    %get3A_774 = arith.constant 0 : index
    %get3A_775 = arith.constant 0 : index
    %get3A_776 = vector.load %arg22[%get3A_773, %get3A_774, %get3A_775] : memref<2x1x64xf32, #tpu.memory_space<vmem>>, vector<1x1x64xf32>
    %get3A_777 = vector.shape_cast %get3A_776 : vector<1x1x64xf32> to vector<1x64xf32>
    %get3A_778 = arith.constant 1 : index
    %get3A_779 = arith.constant 0 : index
    %get3A_780 = arith.constant 0 : index
    %get3A_781 = vector.load %arg23[%get3A_778, %get3A_779, %get3A_780] : memref<2x1x64xf32, #tpu.memory_space<vmem>>, vector<1x1x64xf32>
    %get3A_782 = vector.shape_cast %get3A_781 : vector<1x1x64xf32> to vector<1x64xf32>
    %reduce_sum3A_783 = arith.constant dense<0.000000e+00> : vector<400xf32>
    %reduce_sum3A_784 = vector.multi_reduction <add>, %add3A_772, %reduce_sum3A_783 [1] : vector<400x64xf32> to vector<400xf32>
    %broadcast_in_dim3A_785 = vector.shape_cast %reduce_sum3A_784 : vector<400xf32> to vector<400x1xf32>
    %div3A_786 = arith.constant 6.400000e+01 : f32
    %div3A_787 = vector.broadcast %div3A_786 : f32 to vector<400x1xf32>
    %div3A_788 = arith.divf %broadcast_in_dim3A_785, %div3A_787 : vector<400x1xf32>
    %jit3A_789 = arith.constant 0 : i32
    %reduce_sum3A_790 = arith.constant dense<0.000000e+00> : vector<400xf32>
    %reduce_sum3A_791 = vector.multi_reduction <add>, %add3A_772, %reduce_sum3A_790 [1] : vector<400x64xf32> to vector<400xf32>
    %broadcast_in_dim3A_792 = vector.shape_cast %reduce_sum3A_791 : vector<400xf32> to vector<400x1xf32>
    %div3A_793 = arith.constant 6.400000e+01 : f32
    %div3A_794 = vector.broadcast %div3A_793 : f32 to vector<400x1xf32>
    %div3A_795 = arith.divf %broadcast_in_dim3A_792, %div3A_794 : vector<400x1xf32>
    %sub3A_796 = vector.broadcast %div3A_795 : vector<400x1xf32> to vector<400x64xf32>
    %sub3A_797 = arith.subf %add3A_772, %sub3A_796 : vector<400x64xf32>
    %square3A_798 = arith.mulf %sub3A_797, %sub3A_797 : vector<400x64xf32>
    %convert_element_type3A_799 = arith.sitofp %jit3A_789 : i32 to f32
    %sub3A_800 = arith.constant 6.400000e+01 : f32
    %sub3A_801 = arith.subf %sub3A_800, %convert_element_type3A_799 : f32
    %reduce_sum3A_802 = arith.constant dense<0.000000e+00> : vector<400xf32>
    %reduce_sum3A_803 = vector.multi_reduction <add>, %square3A_798, %reduce_sum3A_802 [1] : vector<400x64xf32> to vector<400xf32>
    %broadcast_in_dim3A_804 = vector.shape_cast %reduce_sum3A_803 : vector<400xf32> to vector<400x1xf32>
    %div3A_805 = vector.broadcast %sub3A_801 : f32 to vector<400x1xf32>
    %div3A_806 = arith.divf %broadcast_in_dim3A_804, %div3A_805 : vector<400x1xf32>
    %gt3A_807 = arith.constant 0.000000e+00 : f32
    %gt3A_808 = arith.cmpf ogt, %sub3A_801, %gt3A_807 : f32
    %jit3A_809 = arith.constant 0x7FC00000 : f32
    %broadcast_in_dim3A_810 = vector.broadcast %jit3A_809 : f32 to vector<400x1xf32>
    %select_n3A_811 = arith.select %gt3A_808, %div3A_806, %broadcast_in_dim3A_810 : vector<400x1xf32>
    %sub3A_812 = vector.broadcast %div3A_788 : vector<400x1xf32> to vector<400x64xf32>
    %sub3A_813 = arith.subf %add3A_772, %sub3A_812 : vector<400x64xf32>
    %add3A_814 = arith.constant 9.99999996E-13 : f32
    %add3A_815 = vector.broadcast %add3A_814 : f32 to vector<400x1xf32>
    %add3A_816 = arith.addf %select_n3A_811, %add3A_815 : vector<400x1xf32>
    %sqrt3A_817 = math.sqrt %add3A_816 : vector<400x1xf32>
    %div3A_818 = vector.broadcast %sqrt3A_817 : vector<400x1xf32> to vector<400x64xf32>
    %div3A_819 = arith.divf %sub3A_813, %div3A_818 : vector<400x64xf32>
    %mul3A_820 = vector.broadcast %get3A_777 : vector<1x64xf32> to vector<400x64xf32>
    %mul3A_821 = arith.mulf %div3A_819, %mul3A_820 : vector<400x64xf32>
    %add3A_822 = vector.broadcast %get3A_782 : vector<1x64xf32> to vector<400x64xf32>
    %add3A_823 = arith.addf %mul3A_821, %add3A_822 : vector<400x64xf32>
    %get3A_824 = arith.constant 1 : index
    %get3A_825 = arith.constant 0 : index
    %get3A_826 = arith.constant 0 : index
    %get3A_827 = vector.load %arg24[%get3A_824, %get3A_825, %get3A_826] : memref<2x64x256xf32, #tpu.memory_space<vmem>>, vector<1x64x256xf32>
    %get3A_828 = vector.shape_cast %get3A_827 : vector<1x64x256xf32> to vector<64x256xf32>
    %dot_general3A_829 = arith.constant dense<0.000000e+00> : vector<400x256xf32>
    %dot_general3A_830 = tpu.matmul %add3A_823, %get3A_828, %dot_general3A_829 {dimension_numbers = #tpu.dot_dimension_numbers<[1], [0], [0], [1], [0, 0, 1, 1], [], []>, transpose_lhs_hint = false} : vector<400x64xf32>, vector<64x256xf32>, vector<400x256xf32> -> vector<400x256xf32>
    %get3A_831 = arith.constant 1 : index
    %get3A_832 = arith.constant 0 : index
    %get3A_833 = arith.constant 0 : index
    %get3A_834 = vector.load %arg25[%get3A_831, %get3A_832, %get3A_833] : memref<2x1x256xf32, #tpu.memory_space<vmem>>, vector<1x1x256xf32>
    %get3A_835 = vector.shape_cast %get3A_834 : vector<1x1x256xf32> to vector<1x256xf32>
    %add3A_836 = vector.broadcast %get3A_835 : vector<1x256xf32> to vector<400x256xf32>
    %add3A_837 = arith.addf %dot_general3A_830, %add3A_836 : vector<400x256xf32>
    %integer_pow3A_838 = arith.mulf %add3A_837, %add3A_837 : vector<400x256xf32>
    %integer_pow3A_839 = arith.mulf %add3A_837, %integer_pow3A_838 : vector<400x256xf32>
    %mul3A_840 = arith.constant 4.471500e-02 : f32
    %mul3A_841 = vector.broadcast %mul3A_840 : f32 to vector<400x256xf32>
    %mul3A_842 = arith.mulf %mul3A_841, %integer_pow3A_839 : vector<400x256xf32>
    %add3A_843 = arith.addf %add3A_837, %mul3A_842 : vector<400x256xf32>
    %mul3A_844 = arith.constant 0.797884583 : f32
    %mul3A_845 = vector.broadcast %mul3A_844 : f32 to vector<400x256xf32>
    %mul3A_846 = arith.mulf %mul3A_845, %add3A_843 : vector<400x256xf32>
    %tanh3A_847 = math.tanh %mul3A_846 : vector<400x256xf32>
    %add3A_848 = arith.constant 1.000000e+00 : f32
    %add3A_849 = vector.broadcast %add3A_848 : f32 to vector<400x256xf32>
    %add3A_850 = arith.addf %add3A_849, %tanh3A_847 : vector<400x256xf32>
    %mul3A_851 = arith.constant 5.000000e-01 : f32
    %mul3A_852 = vector.broadcast %mul3A_851 : f32 to vector<400x256xf32>
    %mul3A_853 = arith.mulf %mul3A_852, %add3A_850 : vector<400x256xf32>
    %mul3A_854 = arith.mulf %add3A_837, %mul3A_853 : vector<400x256xf32>
    %get3A_855 = arith.constant 1 : index
    %get3A_856 = arith.constant 0 : index
    %get3A_857 = arith.constant 0 : index
    %get3A_858 = vector.load %arg26[%get3A_855, %get3A_856, %get3A_857] : memref<2x256x64xf32, #tpu.memory_space<vmem>>, vector<1x256x64xf32>
    %get3A_859 = vector.shape_cast %get3A_858 : vector<1x256x64xf32> to vector<256x64xf32>
    %dot_general3A_860 = arith.constant dense<0.000000e+00> : vector<400x64xf32>
    %dot_general3A_861 = tpu.matmul %mul3A_854, %get3A_859, %dot_general3A_860 {dimension_numbers = #tpu.dot_dimension_numbers<[1], [0], [0], [1], [0, 0, 1, 1], [], []>, transpose_lhs_hint = false} : vector<400x256xf32>, vector<256x64xf32>, vector<400x64xf32> -> vector<400x64xf32>
    %get3A_862 = arith.constant 1 : index
    %get3A_863 = arith.constant 0 : index
    %get3A_864 = arith.constant 0 : index
    %get3A_865 = vector.load %arg27[%get3A_862, %get3A_863, %get3A_864] : memref<2x1x64xf32, #tpu.memory_space<vmem>>, vector<1x1x64xf32>
    %get3A_866 = vector.shape_cast %get3A_865 : vector<1x1x64xf32> to vector<1x64xf32>
    %add3A_867 = vector.broadcast %get3A_866 : vector<1x64xf32> to vector<400x64xf32>
    %add3A_868 = arith.addf %dot_general3A_861, %add3A_867 : vector<400x64xf32>
    %add3A_869 = arith.addf %add3A_823, %add3A_868 : vector<400x64xf32>
    %get3A_870 = arith.constant 1 : index
    %get3A_871 = arith.constant 0 : index
    %get3A_872 = arith.constant 0 : index
    %get3A_873 = vector.load %arg28[%get3A_870, %get3A_871, %get3A_872] : memref<2x1x64xf32, #tpu.memory_space<vmem>>, vector<1x1x64xf32>
    %get3A_874 = vector.shape_cast %get3A_873 : vector<1x1x64xf32> to vector<1x64xf32>
    %get3A_875 = arith.constant 1 : index
    %get3A_876 = arith.constant 0 : index
    %get3A_877 = arith.constant 0 : index
    %get3A_878 = vector.load %arg29[%get3A_875, %get3A_876, %get3A_877] : memref<2x1x64xf32, #tpu.memory_space<vmem>>, vector<1x1x64xf32>
    %get3A_879 = vector.shape_cast %get3A_878 : vector<1x1x64xf32> to vector<1x64xf32>
    %reduce_sum3A_880 = arith.constant dense<0.000000e+00> : vector<400xf32>
    %reduce_sum3A_881 = vector.multi_reduction <add>, %add3A_869, %reduce_sum3A_880 [1] : vector<400x64xf32> to vector<400xf32>
    %broadcast_in_dim3A_882 = vector.shape_cast %reduce_sum3A_881 : vector<400xf32> to vector<400x1xf32>
    %div3A_883 = arith.constant 6.400000e+01 : f32
    %div3A_884 = vector.broadcast %div3A_883 : f32 to vector<400x1xf32>
    %div3A_885 = arith.divf %broadcast_in_dim3A_882, %div3A_884 : vector<400x1xf32>
    %jit3A_886 = arith.constant 0 : i32
    %reduce_sum3A_887 = arith.constant dense<0.000000e+00> : vector<400xf32>
    %reduce_sum3A_888 = vector.multi_reduction <add>, %add3A_869, %reduce_sum3A_887 [1] : vector<400x64xf32> to vector<400xf32>
    %broadcast_in_dim3A_889 = vector.shape_cast %reduce_sum3A_888 : vector<400xf32> to vector<400x1xf32>
    %div3A_890 = arith.constant 6.400000e+01 : f32
    %div3A_891 = vector.broadcast %div3A_890 : f32 to vector<400x1xf32>
    %div3A_892 = arith.divf %broadcast_in_dim3A_889, %div3A_891 : vector<400x1xf32>
    %sub3A_893 = vector.broadcast %div3A_892 : vector<400x1xf32> to vector<400x64xf32>
    %sub3A_894 = arith.subf %add3A_869, %sub3A_893 : vector<400x64xf32>
    %square3A_895 = arith.mulf %sub3A_894, %sub3A_894 : vector<400x64xf32>
    %convert_element_type3A_896 = arith.sitofp %jit3A_886 : i32 to f32
    %sub3A_897 = arith.constant 6.400000e+01 : f32
    %sub3A_898 = arith.subf %sub3A_897, %convert_element_type3A_896 : f32
    %reduce_sum3A_899 = arith.constant dense<0.000000e+00> : vector<400xf32>
    %reduce_sum3A_900 = vector.multi_reduction <add>, %square3A_895, %reduce_sum3A_899 [1] : vector<400x64xf32> to vector<400xf32>
    %broadcast_in_dim3A_901 = vector.shape_cast %reduce_sum3A_900 : vector<400xf32> to vector<400x1xf32>
    %div3A_902 = vector.broadcast %sub3A_898 : f32 to vector<400x1xf32>
    %div3A_903 = arith.divf %broadcast_in_dim3A_901, %div3A_902 : vector<400x1xf32>
    %gt3A_904 = arith.constant 0.000000e+00 : f32
    %gt3A_905 = arith.cmpf ogt, %sub3A_898, %gt3A_904 : f32
    %jit3A_906 = arith.constant 0x7FC00000 : f32
    %broadcast_in_dim3A_907 = vector.broadcast %jit3A_906 : f32 to vector<400x1xf32>
    %select_n3A_908 = arith.select %gt3A_905, %div3A_903, %broadcast_in_dim3A_907 : vector<400x1xf32>
    %sub3A_909 = vector.broadcast %div3A_885 : vector<400x1xf32> to vector<400x64xf32>
    %sub3A_910 = arith.subf %add3A_869, %sub3A_909 : vector<400x64xf32>
    %add3A_911 = arith.constant 9.99999996E-13 : f32
    %add3A_912 = vector.broadcast %add3A_911 : f32 to vector<400x1xf32>
    %add3A_913 = arith.addf %select_n3A_908, %add3A_912 : vector<400x1xf32>
    %sqrt3A_914 = math.sqrt %add3A_913 : vector<400x1xf32>
    %div3A_915 = vector.broadcast %sqrt3A_914 : vector<400x1xf32> to vector<400x64xf32>
    %div3A_916 = arith.divf %sub3A_910, %div3A_915 : vector<400x64xf32>
    %mul3A_917 = vector.broadcast %get3A_874 : vector<1x64xf32> to vector<400x64xf32>
    %mul3A_918 = arith.mulf %div3A_916, %mul3A_917 : vector<400x64xf32>
    %add3A_919 = vector.broadcast %get3A_879 : vector<1x64xf32> to vector<400x64xf32>
    %add3A_920 = arith.addf %mul3A_918, %add3A_919 : vector<400x64xf32>
    %swap3A = arith.constant 0 : index
    %swap3A_921 = arith.constant 0 : index
    %swap3A_922 = vector.load %arg30[%swap3A, %swap3A_921] : memref<400x64xf32, #tpu.memory_space<vmem>>, vector<400x64xf32>
    tpu.vector_store %arg30[%swap3A, %swap3A_921], %add3A_920 {strides = array<i32>} : memref<400x64xf32, #tpu.memory_space<vmem>>, vector<400x64xf32>,
    return
  }
  func.func @transform_0(%arg0: i32) -> (i32, i32) {
    %c0_i32 = arith.constant 0 : i32
    %c0_i32_0 = arith.constant 0 : i32
    return %arg0, %c0_i32 : i32, i32
  }
  func.func @transform_1(%arg0: i32) -> (i32, i32, i32) {
    %c0_i32 = arith.constant 0 : i32
    %c0_i32_0 = arith.constant 0 : i32
    %c0_i32_1 = arith.constant 0 : i32
    return %arg0, %c0_i32, %c0_i32_0 : i32, i32, i32
  }
  func.func @transform_2(%arg0: i32) -> (i32, i32) {
    %c0_i32 = arith.constant 0 : i32
    %c0_i32_0 = arith.constant 0 : i32
    return %arg0, %c0_i32 : i32, i32
  }
  func.func @transform_3(%arg0: i32) -> (i32, i32) {
    %c0_i32 = arith.constant 0 : i32
    %c0_i32_0 = arith.constant 0 : i32
    return %arg0, %c0_i32 : i32, i32
  }
  func.func @transform_4(%arg0: i32) -> (i32, i32) {
    %c0_i32 = arith.constant 0 : i32
    %c0_i32_0 = arith.constant 0 : i32
    %c0_i32_1 = arith.constant 0 : i32
    return %c0_i32, %c0_i32_0 : i32, i32
  }
  func.func @transform_5(%arg0: i32) -> (i32, i32) {
    %c0_i32 = arith.constant 0 : i32
    %c0_i32_0 = arith.constant 0 : i32
    %c0_i32_1 = arith.constant 0 : i32
    return %c0_i32, %c0_i32_0 : i32, i32
  }
  func.func @transform_6(%arg0: i32) -> (i32, i32) {
    %c0_i32 = arith.constant 0 : i32
    %c0_i32_0 = arith.constant 0 : i32
    %c0_i32_1 = arith.constant 0 : i32
    return %c0_i32, %c0_i32_0 : i32, i32
  }
  func.func @transform_7(%arg0: i32) -> (i32, i32) {
    %c0_i32 = arith.constant 0 : i32
    %c0_i32_0 = arith.constant 0 : i32
    %c0_i32_1 = arith.constant 0 : i32
    return %c0_i32, %c0_i32_0 : i32, i32
  }
  func.func @transform_8(%arg0: i32) -> (i32, i32) {
    %c0_i32 = arith.constant 0 : i32
    %c0_i32_0 = arith.constant 0 : i32
    %c0_i32_1 = arith.constant 0 : i32
    return %c0_i32, %c0_i32_0 : i32, i32
  }
  func.func @transform_9(%arg0: i32) -> (i32, i32) {
    %c0_i32 = arith.constant 0 : i32
    %c0_i32_0 = arith.constant 0 : i32
    %c0_i32_1 = arith.constant 0 : i32
    return %c0_i32, %c0_i32_0 : i32, i32
  }
  func.func @transform_10(%arg0: i32) -> (i32, i32) {
    %c0_i32 = arith.constant 0 : i32
    %c0_i32_0 = arith.constant 0 : i32
    %c0_i32_1 = arith.constant 0 : i32
    return %c0_i32, %c0_i32_0 : i32, i32
  }
  func.func @transform_11(%arg0: i32) -> (i32, i32) {
    %c0_i32 = arith.constant 0 : i32
    %c0_i32_0 = arith.constant 0 : i32
    %c0_i32_1 = arith.constant 0 : i32
    return %c0_i32, %c0_i32_0 : i32, i32
  }
  func.func @transform_12(%arg0: i32) -> (i32, i32) {
    %c0_i32 = arith.constant 0 : i32
    %c0_i32_0 = arith.constant 0 : i32
    %c0_i32_1 = arith.constant 0 : i32
    return %c0_i32, %c0_i32_0 : i32, i32
  }
  func.func @transform_13(%arg0: i32) -> (i32, i32) {
    %c0_i32 = arith.constant 0 : i32
    %c0_i32_0 = arith.constant 0 : i32
    %c0_i32_1 = arith.constant 0 : i32
    return %c0_i32, %c0_i32_0 : i32, i32
  }
  func.func @transform_14(%arg0: i32) -> (i32, i32) {
    %c0_i32 = arith.constant 0 : i32
    %c0_i32_0 = arith.constant 0 : i32
    %c0_i32_1 = arith.constant 0 : i32
    return %c0_i32, %c0_i32_0 : i32, i32
  }
  func.func @transform_15(%arg0: i32) -> (i32, i32) {
    %c0_i32 = arith.constant 0 : i32
    %c0_i32_0 = arith.constant 0 : i32
    %c0_i32_1 = arith.constant 0 : i32
    return %c0_i32, %c0_i32_0 : i32, i32
  }
  func.func @transform_16(%arg0: i32) -> (i32, i32) {
    %c0_i32 = arith.constant 0 : i32
    %c0_i32_0 = arith.constant 0 : i32
    %c0_i32_1 = arith.constant 0 : i32
    return %c0_i32, %c0_i32_0 : i32, i32
  }
  func.func @transform_17(%arg0: i32) -> (i32, i32, i32) {
    %c0_i32 = arith.constant 0 : i32
    %c0_i32_0 = arith.constant 0 : i32
    %c0_i32_1 = arith.constant 0 : i32
    %c0_i32_2 = arith.constant 0 : i32
    return %c0_i32, %c0_i32_0, %c0_i32_1 : i32, i32, i32
  }
  func.func @transform_18(%arg0: i32) -> (i32, i32, i32) {
    %c0_i32 = arith.constant 0 : i32
    %c0_i32_0 = arith.constant 0 : i32
    %c0_i32_1 = arith.constant 0 : i32
    %c0_i32_2 = arith.constant 0 : i32
    return %c0_i32, %c0_i32_0, %c0_i32_1 : i32, i32, i32
  }
  func.func @transform_19(%arg0: i32) -> (i32, i32, i32) {
    %c0_i32 = arith.constant 0 : i32
    %c0_i32_0 = arith.constant 0 : i32
    %c0_i32_1 = arith.constant 0 : i32
    %c0_i32_2 = arith.constant 0 : i32
    return %c0_i32, %c0_i32_0, %c0_i32_1 : i32, i32, i32
  }
  func.func @transform_20(%arg0: i32) -> (i32, i32, i32) {
    %c0_i32 = arith.constant 0 : i32
    %c0_i32_0 = arith.constant 0 : i32
    %c0_i32_1 = arith.constant 0 : i32
    %c0_i32_2 = arith.constant 0 : i32
    return %c0_i32, %c0_i32_0, %c0_i32_1 : i32, i32, i32
  }
  func.func @transform_21(%arg0: i32) -> (i32, i32, i32) {
    %c0_i32 = arith.constant 0 : i32
    %c0_i32_0 = arith.constant 0 : i32
    %c0_i32_1 = arith.constant 0 : i32
    %c0_i32_2 = arith.constant 0 : i32
    return %c0_i32, %c0_i32_0, %c0_i32_1 : i32, i32, i32
  }
  func.func @transform_22(%arg0: i32) -> (i32, i32, i32) {
    %c0_i32 = arith.constant 0 : i32
    %c0_i32_0 = arith.constant 0 : i32
    %c0_i32_1 = arith.constant 0 : i32
    %c0_i32_2 = arith.constant 0 : i32
    return %c0_i32, %c0_i32_0, %c0_i32_1 : i32, i32, i32
  }
  func.func @transform_23(%arg0: i32) -> (i32, i32, i32) {
    %c0_i32 = arith.constant 0 : i32
    %c0_i32_0 = arith.constant 0 : i32
    %c0_i32_1 = arith.constant 0 : i32
    %c0_i32_2 = arith.constant 0 : i32
    return %c0_i32, %c0_i32_0, %c0_i32_1 : i32, i32, i32
  }
  func.func @transform_24(%arg0: i32) -> (i32, i32, i32) {
    %c0_i32 = arith.constant 0 : i32
    %c0_i32_0 = arith.constant 0 : i32
    %c0_i32_1 = arith.constant 0 : i32
    %c0_i32_2 = arith.constant 0 : i32
    return %c0_i32, %c0_i32_0, %c0_i32_1 : i32, i32, i32
  }
  func.func @transform_25(%arg0: i32) -> (i32, i32, i32) {
    %c0_i32 = arith.constant 0 : i32
    %c0_i32_0 = arith.constant 0 : i32
    %c0_i32_1 = arith.constant 0 : i32
    %c0_i32_2 = arith.constant 0 : i32
    return %c0_i32, %c0_i32_0, %c0_i32_1 : i32, i32, i32
  }
  func.func @transform_26(%arg0: i32) -> (i32, i32, i32) {
    %c0_i32 = arith.constant 0 : i32
    %c0_i32_0 = arith.constant 0 : i32
    %c0_i32_1 = arith.constant 0 : i32
    %c0_i32_2 = arith.constant 0 : i32
    return %c0_i32, %c0_i32_0, %c0_i32_1 : i32, i32, i32
  }
  func.func @transform_27(%arg0: i32) -> (i32, i32, i32) {
    %c0_i32 = arith.constant 0 : i32
    %c0_i32_0 = arith.constant 0 : i32
    %c0_i32_1 = arith.constant 0 : i32
    %c0_i32_2 = arith.constant 0 : i32
    return %c0_i32, %c0_i32_0, %c0_i32_1 : i32, i32, i32
  }
  func.func @transform_28(%arg0: i32) -> (i32, i32, i32) {
    %c0_i32 = arith.constant 0 : i32
    %c0_i32_0 = arith.constant 0 : i32
    %c0_i32_1 = arith.constant 0 : i32
    %c0_i32_2 = arith.constant 0 : i32
    return %c0_i32, %c0_i32_0, %c0_i32_1 : i32, i32, i32
  }
  func.func @transform_29(%arg0: i32) -> (i32, i32) {
    %c0_i32 = arith.constant 0 : i32
    %c0_i32_0 = arith.constant 0 : i32
    return %arg0, %c0_i32 : i32, i32
  }
}

</mosaic_0001>

<sc_bundles>
// kernel: kernel.5.cloned.1.call-start
scs
__scs_entry_jumppad:
0x0: {  	(pc) =	sbr.rel $0x88, $3  }
0x1: {  	(tag) =	ssettag $0x0;
	lr =	simm.s32 $0x1  }
0x2: {  	[smem:$0x3F74] =	sst lr;
	_ =	strace $0xD0000000  }
0x3: {  	_ = 	snop  }
0x4: {  	_ = 	snop  }
0x5: {  	_ = 	snop  }
0x6: {  	_ = 	snop  }
0x7: {  	_ = 	snop  }
__scs_overlays_trampoline_lowered:
0x8: {  	[smem:$0x3F83] =	sst s0  }
0x9: {  	[smem:$0x3F84] =	sst s1  }
0xa: {  	[smem:$0x3F85] =	sst s2  }
0xb: {  	[smem:$0x3F86] =	sst s3  }
0xc: {  	[smem:$0x3F87] =	sst s4  }
0xd: {  	[smem:$0x3F88] =	sst s5  }
0xe: {  	[smem:$0x3F89] =	sst s6  }
0xf: {  	[smem:$0x3F8A] =	sst s7  }
0x10: {  	[smem:$0x3F8B] =	sst s8  }
0x11: {  	[smem:$0x3F8C] =	sst s9;
	s0 =	simm.s32 @!p0 $0x0  }
0x12: {  	s1 =	sld [smem:$0x3F72];
	s0 =	simm.s32 @p0 $0x1  }
0x13: {  	[smem:$0x3F8D] =	sst s0;
	s0 =	simm.s32 @!p1 $0x0  }
0x14: {  	s2 =	sld [smem:$0x3F71];
	s0 =	simm.s32 @p1 $0x1  }
0x15: {  	[smem:$0x3F8E] =	sst s0;
	s0 =	simm.s32 @!p2 $0x0  }
0x16: {  	s3 =	sld [smem:$0x3FDB];
	s0 =	simm.s32 @p2 $0x1  }
0x17: {  	s4 =	simm.s32 $0x1BF5;
	[smem:$0x3F90] =	sst s0  }
0x18: {  	s0 =	sld [smem:$0x3F73];
	_ =	swait.ge [sflag:s4], $0x0  }
0x19: {  	s7 =	sld [smem:$0x3F74]  }
0x1a: {  	s8 =	sadd.s32 $0xFFFFE003, lr  }
0x1b: {  	s9 =	sadd.s32 $0xFFFFFEF7, lr;
	s5 =	simm.s32 $0xFFFFFFFF;
	p2 =	slt.u32 s8, $0xFFFFF086  }
0x1c: {  	p1 =	slt.u32 s9, $0xF7A;
	s5 =	simm.s32 @!p2 $0x0  }
0x1d: {  	s5 =	simm.s32 @p1 $0x1;
	p0 =	seq.s32 s7, s2  }
0x1e: {  	s7 =	smul.u32 @!p0 $0xF7A, s2;
	p2 =	seq.s32 @!p0 s5, $0x0  }
0x1f: {  	s9 =	smul.u32 $0xF7A, s1;
	s8 =	simm.s32 @!p0 $0x1BF5;
	p2 =	por !p2, p0  }
0x20: {  	[sflag:s8] =	ssyncset.s32 @!p0 $0xFFFFF086;
	s6 =	sadd.s32 @!p0 s3, s7;
	s7 =	simm.s32 @!p0 $0x108  }
0x21: {  	s3 =	sadd.s32 s3, s9;
	s6 =	sadd.s32 @!p0 $0x88, s6;
	s7 =	simm.s32 @p2 $0x1082  }
0x22: {  	[simem:s7], [sflag:s8] =	dma.local @!p0 [hbm:s6], $0xF7A  }
0x23: {  	s9 =	sor.u32 $0xD0000000, s2;
	s6 =	simm.s32 $0x108;
	_ =	swait.ge @!p0 [sflag:s8], $0x0  }
0x24: {  	s3 =	sadd.s32 $0x88, s3;
	s6 =	simm.s32 @!p1 $0x1082;
	[sflag:s4] =	ssyncset.s32 $0xFFFFF086  }
0x25: {  	[simem:s6], [sflag:s4] =	dma.local [hbm:s3], $0xF7A  }
0x26: {  	[smem:$0x3F74] =	sst s1;
	(tag) =	ssettag s2;
	_ =	strace s9  }
0x27: {  	s1 =	sld [smem:$0x3F84]  }
0x28: {  	s2 =	sld [smem:$0x3F85]  }
0x29: {  	s4 =	sld [smem:$0x3F87]  }
0x2a: {  	p0 =	seq.s32 s5, $0x0;
	s5 =	sld [smem:$0x3F88]  }
0x2b: {  	s6 =	sld [smem:$0x3F89]  }
0x2c: {  	s7 =	sld [smem:$0x3F8A]  }
0x2d: {  	s3 =	simm.s32 $0x108;
	s8 =	sld [smem:$0x3F8B]  }
0x2e: {  	s3 =	simm.s32 @!p0 $0x1082;
	s9 =	sld [smem:$0x3F8C]  }
0x2f: {  	lr =	sadd.s32 s0, s3;
	s0 =	sld [smem:$0x3F83]  }
0x30: {  	s3 =	sld [smem:$0x3F86]  }
0x31: {  	[smem:$0x3F8F] =	sst s10  }
0x32: {  	s10 =	sld [smem:$0x3F8D];
	_ =	sdelay $0x3  }
0x33: {  	p0 =	seq.s32 s10, $0x1;
	s10 =	sld [smem:$0x3F8F];
	_ =	sdelay $0x3  }
0x34: {  	[smem:$0x3F8F] =	sst s10  }
0x35: {  	s10 =	sld [smem:$0x3F8E];
	_ =	sdelay $0x3  }
0x36: {  	p1 =	seq.s32 s10, $0x1;
	s10 =	sld [smem:$0x3F8F];
	_ =	sdelay $0x3  }
0x37: {  	[smem:$0x3F8F] =	sst s10  }
0x38: {  	s10 =	sld [smem:$0x3F90]  }
0x39: {  	_ = 	snop;
	(pc) =	sbr.ind lr, $3  }
0x3a: {  	_ = 	snop  }
0x3b: {  	_ = 	snop  }
0x3c: {  	p2 =	seq.s32 s10, $0x1;
	s10 =	sld [smem:$0x3F8F]  }
0x3d: {  	_ =	shalt  }
0x3e: {  	_ =	shalt  }
0x3f: {  	_ =	shalt  }
0x40: {  	_ =	shalt  }
0x41: {  	_ =	shalt  }
0x42: {  	_ =	shalt  }
0x43: {  	_ =	shalt  }
0x44: {  	_ =	shalt  }
0x45: {  	_ =	shalt  }
0x46: {  	_ =	shalt  }
0x47: {  	_ =	shalt  }
0x48: {  	_ =	shalt  }
0x49: {  	_ =	shalt  }
0x4a: {  	_ =	shalt  }
0x4b: {  	_ =	shalt  }
0x4c: {  	_ =	shalt  }
0x4d: {  	_ =	shalt  }
0x4e: {  	_ =	shalt  }
0x4f: {  	_ =	shalt  }
0x50: {  	_ =	shalt  }
0x51: {  	_ =	shalt  }
0x52: {  	_ =	shalt  }
0x53: {  	_ =	shalt  }
0x54: {  	_ =	shalt  }
0x55: {  	_ =	shalt  }
0x56: {  	_ =	shalt  }
0x57: {  	_ =	shalt  }
0x58: {  	_ =	shalt  }
0x59: {  	_ =	shalt  }
0x5a: {  	_ =	shalt  }
0x5b: {  	_ =	shalt  }
0x5c: {  	_ =	shalt  }
0x5d: {  	_ =	shalt  }
0x5e: {  	_ =	shalt  }
0x5f: {  	_ =	shalt  }
0x60: {  	_ =	shalt  }
0x61: {  	_ =	shalt  }
0x62: {  	_ =	shalt  }
0x63: {  	_ =	shalt  }
0x64: {  	_ =	shalt  }
0x65: {  	_ =	shalt  }
0x66: {  	_ =	shalt  }
0x67: {  	_ =	shalt  }
0x68: {  	_ =	shalt  }
0x69: {  	_ =	shalt  }
0x6a: {  	_ =	shalt  }
0x6b: {  	_ =	shalt  }
0x6c: {  	_ =	shalt  }
0x6d: {  	_ =	shalt  }
0x6e: {  	_ =	shalt  }
0x6f: {  	_ =	shalt  }
0x70: {  	_ =	shalt  }
0x71: {  	_ =	shalt  }
0x72: {  	_ =	shalt  }
0x73: {  	_ =	shalt  }
0x74: {  	_ =	shalt  }
0x75: {  	_ =	shalt  }
0x76: {  	_ =	shalt  }
0x77: {  	_ =	shalt  }
0x78: {  	_ =	shalt  }
0x79: {  	_ =	shalt  }
0x7a: {  	_ =	shalt  }
0x7b: {  	_ =	shalt  }
0x7c: {  	_ =	shalt  }
0x7d: {  	_ =	shalt  }
0x7e: {  	_ =	shalt  }
0x7f: {  	_ =	shalt  }
0x80: {  	_ =	shalt  }
0x81: {  	_ =	shalt  }
0x82: {  	_ =	shalt  }
0x83: {  	_ =	shalt  }
0x84: {  	_ =	shalt  }
0x85: {  	_ =	shalt  }
0x86: {  	_ =	shalt  }
0x87: {  	_ =	shalt  }
.Lfunc_end0:
.L_simem_size_0:
called_computation_lowered:
.L_overlay_start_0:
0x88: {  	s2 =	sld [smem:$0x3FD9]  }
0x89: {  	s3 =	sld [smem:$0x3FFE];
	_ =	sdelay $0x1  }
0x8a: {  	s1 =	srdreg.scid  }
0x8b: {  	s0 =	sand.u32 $0x1, s1  }
0x8c: {  	s17 =	sshll.u32 s0, $0xA;
	s2 =	sadd.s32 s3, s2  }
0x8d: {  	s2 =	sadd.s32 s2, s17  }
0x8e: {  	[smem:$0x3F9B] =	sst s2  }
0x8f: {  	_ = 	snop  }
0x90: {  	s2 =	sld [smem:$0x3FD0];
	(tm) =	ssettm $0x1  }
0x91: {  	s18 =	sld [smem:$0x3FFB];
	_ =	sdelay $0x3  }
0x92: {  	_ =	strace s18  }
0x93: {  	s3 =	sld [smem:$0x3FFC];
	_ =	sdelay $0x3  }
0x94: {  	_ =	strace s3  }
0x95: {  	s3 =	sld [smem:$0x3FFD];
	_ =	sdelay $0x3  }
0x96: {  	_ =	strace s3  }
0x97: {  	_ =	strace $0x8FFFFFFF  }
0x98: {  	s19 =	sld [smem:$0x3FDB];
	_ =	sdelay $0x1  }
0x99: {  	s4 =	simm.s32 $_scs_section_size  }
0x9a: {  	s5 =	simm.s32 $_size__tile_overlayer_lowered;
	s6 =	simm.s32 $_tile_overlayer_lowered  }
0x9b: {  	s22 =	simm.s32 $0x1BFF;
	s21 =	sshll.u32 s6, $0x1;
	s3 =	sadd.s32 s4, s19  }
0x9c: {  	s7 =	simm.s32 $0x0;
	s20 =	sshll.u32 s5, $0x1;
	s5 =	sadd.s32 s21, s3  }
0x9d: {  	[timem:s7], [sflag:s22] =	dma.local [hbm:s5], s20  }
0x9e: {  	_ =	swait.ge [sflag:s22], s20  }
0x9f: {  	s4 =	ssub.s32 $0x0, s20;
	[sflag:s22] =	ssyncset.done $0x0  }
0xa0: {  	[sflag:s22] =	ssyncadd.s32 s4;
	_ =	sdelay $0x1  }
0xa1: {  	s23 =	simm.s32 $0x1B8B  }
0xa2: {  	_ =	swait.ge [sflag:s23], $0x1  }
0xa3: {  	[sflag:s23] =	ssyncset.done $0x0  }
0xa4: {  	s25 =	simm.s32 $0x1B8E;
	s24 =	sld [smem:$0x3FFE];
	[sflag:s23] =	ssyncadd.s32 $0xFFFFFFFF  }
0xa5: {  	s26 =	simm.s32 $execute0_lowered;
	[smem:$0x3FD2] =	sst s25  }
0xa6: {  	s5 =	sshll.u32 s26, $0x1;
	_ =	strace $0x80000046;
	[dreg:$0x1] =	wrdreg $0xFFFFFFFF  }
0xa7: {  	s28 =	simm.s32 $_size_execute0_lowered;
	s3 =	sadd.s32 s3, s5;
	[dreg:$0x0] =	wrdreg $0x0  }
0xa8: {  	s5 =	sshll.u32 s28, $0x1;
	[dreg:$0x2] =	wrdreg s3  }
0xa9: {  	[dreg:$0x3] =	wrdreg s5  }
0xaa: {  	[dreg:$0x4] =	wrdreg $0xC0  }
0xab: {  	_ =	task [dreg:s7], $0x5FFFF  }
0xac: {  	[dreg:$0x1] =	wrdreg $0xFFFFFFFF  }
0xad: {  	[dreg:$0x0] =	wrdreg $0x60  }
0xae: {  	[dreg:$0x2] =	wrdreg s24  }
0xaf: {  	[dreg:$0x3] =	wrdreg s2  }
0xb0: {  	[dreg:$0x4] =	wrdreg $0x9  }
0xb1: {  	_ =	task.clear_ibuf [dreg:s7], $0x5FFFF;
	_ =	strace $0x90000046  }
0xb2: {  	s29 =	simm.s32 $0x9;
	_ =	strace $0x80000048  }
0xb3: {  	_ =	swait.ge [sflag:s29], $0x1  }
0xb4: {  	[sflag:s29] =	ssyncadd.s32 $0xFFFFFFFF  }
0xb5: {  	_ =	strace $0x90000048  }
0xb6: {  	_ =	sfence  }
0xb7: {  	s30 =	sld [smem:$0x0];
	_ =	sdelay $0x2  }
0xb8: {  	s31 =	sshll.u32 s1, $0xD;
	s1 =	sshrl.u32 s1, $0x2  }
0xb9: {  	s3 =	sand.u32 $0x4000, s31;
	s1 =	sadd.s32 s1, s30  }
0xba: {  	s0 =	sor.u32 s3, s0;
	s1 =	sshll.u32 s1, $0x11  }
0xbb: {  	s0 =	sor.u32 s1, s0  }
0xbc: {  	s0 =	sadd.s32 $0x8F2B, s0  }
0xbd: {  	[sflag:s0] =	ssyncadd.remote.s32 $0x1  }
0xbe: {  	_ =	sfence.sel $0xFFFF  }
0xbf: {  	[dreg:$0x0] =	wrdreg $0xFFFFFFFF;
	(pc) =	sbr.abs _section_cstart, $3  }
0xc0: {  	[dreg:$0x1] =	wrdreg $0xFFFFFFFF  }
0xc1: {  	_ =	task.clear_ibuf [dreg:s7], $0x2FFFF;
	_ =	strace $0x9FFFFFFF  }
0xc2: {  	(tm) =	ssettm $0x7FFFFFFF  }
0xc3: {  	_ =	shalt  }
tec
execute0_lowered:
.L_overlay_start_1:
0x0: {  	(tag) =	ssettag $0x1  }
0x1: {  	s0 =	srdreg.scid;
	s2 =	stileid.u32  }
0x2: {  	s0 =	sand.u32 $0x1, s0;
	s2 =	sshll.u32 s2, $0x1  }
0x3: {  	s1 =	rddreg [dreg:$0x0];
	s4 =	sor.u32 s0, s2  }
0x4: {  	s3 =	rddreg [dreg:$0x1];
	s5 =	smul.u32 $0xC8, s4  }
0x5: {  	s2 =	simm.s32 $0x0;
	s0 =	ssub.s32 $0x2, s0;
	s6 =	smul.u32 $0x7D000, s4  }
0x6: {  	[smem:$0x7FF] =	sst s2;
	s4 =	smul.u32 $0xFA00, s4;
	s24 =	sshrl.u32 s0, $0x1  }
0x7: {  	s7 =	sadd.s32 $0x5A00, s1;
	_ =	strace $0x80000047;
	s0 =	ssub.s32 s0, s24  }
0x8: {  	s3 =	sadd.s32 s3, s5;
	s6 =	sshrl.u32 s6, $0x3;
	s8 =	sadd.s32 s7, s4  }
0x9: {  	s0 =	smax.u32 s0, $0x1;
	[dreg:$0x3] =	wrdreg s3;
	s9 =	sadd.s32 s7, s6  }
0xa: {  	[dreg:$0x4] =	wrdreg s8;
	s3 =	sadd.s32 $0x620200, s1;
	p1 =	sne.s32 s0, $0x1  }
0xb: {  	s1 =	sadd.s32 $0xFFFFFFFF, s0;
	s11 =	sadd.s32 $0xC80, s9;
	s0 =	rddreg [dreg:$0x3]  }
0xc: {  	s12 =	sadd.s32 $0x1900, s9;
	[dreg:$0x5] =	wrdreg s11  }
0xd: {  	s13 =	sadd.s32 $0x2580, s9;
	[dreg:$0x6] =	wrdreg s12  }
0xe: {  	s14 =	sadd.s32 $0x3200, s9;
	[dreg:$0x7] =	wrdreg s13  }
0xf: {  	s15 =	sadd.s32 $0x3E80, s9;
	[dreg:$0x8] =	wrdreg s14  }
0x10: {  	s16 =	sadd.s32 $0x4B00, s9;
	[dreg:$0x9] =	wrdreg s15  }
0x11: {  	s17 =	sadd.s32 $0x5780, s9;
	[dreg:$0xa] =	wrdreg s16  }
0x12: {  	s31 =	simm.s32 $0xA0;
	s18 =	sadd.s32 $0x6400, s9;
	[dreg:$0xb] =	wrdreg s17  }
0x13: {  	s30 =	simm.s32 $0xF0;
	s19 =	sadd.s32 $0x7080, s9;
	[dreg:$0xc] =	wrdreg s18  }
0x14: {  	s29 =	simm.s32 $0x140;
	s20 =	sadd.s32 $0x7D00, s9;
	[dreg:$0xd] =	wrdreg s19  }
0x15: {  	s28 =	simm.s32 $0x190;
	s21 =	sadd.s32 $0x8980, s9;
	[dreg:$0xe] =	wrdreg s20  }
0x16: {  	p0 =	por $0x0, $0x0;
	s5 =	sadd.s32 $0x9600, s9;
	[dreg:$0xf] =	wrdreg s21  }
0x17: {  	s24 =	simm.s32 $0x280;
	s22 =	sadd.s32 $0xA280, s9;
	[dreg:$0x10] =	wrdreg s5  }
0x18: {  	s4 =	simm.s32 $0x3;
	s23 =	sadd.s32 $0xAF00, s9;
	[dreg:$0x11] =	wrdreg s22  }
0x19: {  	s6 =	simm.s32 $0x6A40;
	s25 =	sadd.s32 $0xBB80, s9;
	[dreg:$0x12] =	wrdreg s23  }
0x1a: {  	s8 =	simm.s32 $0x2;
	s26 =	sadd.s32 $0xC800, s9;
	[dreg:$0x13] =	wrdreg s25  }
0x1b: {  	s10 =	sadd.s32 $0xD480, s9;
	s7 =	sadd.s32 $0xE100, s9;
	[dreg:$0x14] =	wrdreg s26  }
0x1c: {  	s5 =	sadd.s32 $0xED80, s9;
	s11 =	simm.s32 $0x50;
	s9 =	simm.s32 $0x640  }
.Ltmp0:
0x1d: {  	s12 =	simm.s32 $0x1;
	s26 =	simm.s32 $0x1E0;
	(pc) =	sbr.rel @!p1 .LBB2_3-.Ltmp0, $4  }
0x1e: {  	s25 =	simm.s32 $0x230;
	s23 =	simm.s32 $0x2D0;
	s22 =	simm.s32 $0x320  }
0x1f: {  	s21 =	simm.s32 $0x370;
	s20 =	simm.s32 $0x3C0;
	s19 =	simm.s32 $0x410  }
0x20: {  	s18 =	simm.s32 $0x460;
	s17 =	simm.s32 $0x4B0;
	s16 =	simm.s32 $0x500  }
0x21: {  	s15 =	simm.s32 $0x550;
	s14 =	simm.s32 $0x5A0;
	s13 =	simm.s32 $0x5F0  }
0x22: {  	[tilespmem:s2], [sflag:$0x3] =	stream.linear.gather [hbm4b:s0+s2], $0x640, $0x38;
	[tilespmem:$0xCE40] =	vst v63  }
0x23: {  	_ =	swait.ge [sflag:s4], $0x640  }
0x24: {  	[sflag:s4] =	ssyncset.done $0x0  }
0x25: {  	[sflag:s4] =	ssyncadd.s32 $0xFFFFF9C0  }
0x26: {  	[tilespmem:s9], [sflag:$0x1] =	stream.indirect.gather [hbm4b:s3+s11], $0x140, s2, s11, $0xb8;
	[tilespmem:$0xCE40] =	vst v63  }
0x27: {  	_ = 	snop  }
0x28: {  	[tilespmem:s6], [sflag:$0x2] =	stream.indirect.gather [hbm4b:s3+s11], $0x140, s11, s11, $0xb8;
	[tilespmem:$0xCE40] =	vst v63  }
0x29: {  	_ =	swait.ge [sflag:s12], $0x6400  }
0x2a: {  	[sflag:s12] =	ssyncset.done $0x0  }
0x2b: {  	s0 =	rddreg [dreg:$0x4];
	[sflag:s12] =	ssyncadd.s32 $0xFFFF9C00  }
0x2c: {  	[hbm4b:s0+s2] =	stream.linear.scatter [tilespmem:s9], [sflag:$0x3], $0x6400, $0x38;
	[tilespmem:$0xCE40] =	vst v63  }
0x2d: {  	_ =	swait.ge [sflag:s4], $0x6400  }
0x2e: {  	[sflag:s4] =	ssyncset.done $0x0  }
0x2f: {  	[sflag:s4] =	ssyncadd.s32 $0xFFFF9C00  }
0x30: {  	[tilespmem:s9], [sflag:$0x1] =	stream.indirect.gather [hbm4b:s3+s11], $0x140, s31, s11, $0xb8;
	[tilespmem:$0xCE40] =	vst v63  }
0x31: {  	_ =	swait.ge [sflag:s8], $0x6400  }
0x32: {  	[sflag:s8] =	ssyncset.done $0x0  }
0x33: {  	s0 =	rddreg [dreg:$0x5];
	[sflag:s8] =	ssyncadd.s32 $0xFFFF9C00  }
0x34: {  	[hbm4b:s0+s2] =	stream.linear.scatter [tilespmem:s6], [sflag:$0x3], $0x6400, $0x38;
	[tilespmem:$0xCE40] =	vst v63  }
0x35: {  	_ =	swait.ge [sflag:s4], $0x6400  }
0x36: {  	[sflag:s4] =	ssyncset.done $0x0  }
0x37: {  	[sflag:s4] =	ssyncadd.s32 $0xFFFF9C00  }
0x38: {  	[tilespmem:s6], [sflag:$0x2] =	stream.indirect.gather [hbm4b:s3+s11], $0x140, s30, s11, $0xb8;
	[tilespmem:$0xCE40] =	vst v63  }
0x39: {  	_ =	swait.ge [sflag:s12], $0x6400  }
0x3a: {  	[sflag:s12] =	ssyncset.done $0x0  }
0x3b: {  	s0 =	rddreg [dreg:$0x6];
	[sflag:s12] =	ssyncadd.s32 $0xFFFF9C00  }
0x3c: {  	[hbm4b:s0+s2] =	stream.linear.scatter [tilespmem:s9], [sflag:$0x3], $0x6400, $0x38;
	[tilespmem:$0xCE40] =	vst v63  }
0x3d: {  	_ =	swait.ge [sflag:s4], $0x6400  }
0x3e: {  	[sflag:s4] =	ssyncset.done $0x0  }
0x3f: {  	[sflag:s4] =	ssyncadd.s32 $0xFFFF9C00  }
0x40: {  	[tilespmem:s9], [sflag:$0x1] =	stream.indirect.gather [hbm4b:s3+s11], $0x140, s29, s11, $0xb8;
	[tilespmem:$0xCE40] =	vst v63  }
0x41: {  	_ =	swait.ge [sflag:s8], $0x6400  }
0x42: {  	[sflag:s8] =	ssyncset.done $0x0  }
0x43: {  	s0 =	rddreg [dreg:$0x7];
	[sflag:s8] =	ssyncadd.s32 $0xFFFF9C00  }
0x44: {  	[hbm4b:s0+s2] =	stream.linear.scatter [tilespmem:s6], [sflag:$0x3], $0x6400, $0x38;
	[tilespmem:$0xCE40] =	vst v63  }
0x45: {  	_ =	swait.ge [sflag:s4], $0x6400  }
0x46: {  	[sflag:s4] =	ssyncset.done $0x0  }
0x47: {  	[sflag:s4] =	ssyncadd.s32 $0xFFFF9C00  }
0x48: {  	[tilespmem:s6], [sflag:$0x2] =	stream.indirect.gather [hbm4b:s3+s11], $0x140, s28, s11, $0xb8;
	[tilespmem:$0xCE40] =	vst v63  }
0x49: {  	_ =	swait.ge [sflag:s12], $0x6400  }
0x4a: {  	[sflag:s12] =	ssyncset.done $0x0  }
0x4b: {  	s0 =	rddreg [dreg:$0x8];
	[sflag:s12] =	ssyncadd.s32 $0xFFFF9C00  }
0x4c: {  	[hbm4b:s0+s2] =	stream.linear.scatter [tilespmem:s9], [sflag:$0x3], $0x6400, $0x38;
	[tilespmem:$0xCE40] =	vst v63  }
0x4d: {  	_ =	swait.ge [sflag:s4], $0x6400  }
0x4e: {  	[sflag:s4] =	ssyncset.done $0x0  }
0x4f: {  	[sflag:s4] =	ssyncadd.s32 $0xFFFF9C00  }
0x50: {  	[tilespmem:s9], [sflag:$0x1] =	stream.indirect.gather [hbm4b:s3+s11], $0x140, s26, s11, $0xb8;
	[tilespmem:$0xCE40] =	vst v63  }
0x51: {  	_ =	swait.ge [sflag:s8], $0x6400  }
0x52: {  	[sflag:s8] =	ssyncset.done $0x0  }
0x53: {  	s0 =	rddreg [dreg:$0x9];
	[sflag:s8] =	ssyncadd.s32 $0xFFFF9C00  }
0x54: {  	[hbm4b:s0+s2] =	stream.linear.scatter [tilespmem:s6], [sflag:$0x3], $0x6400, $0x38;
	[tilespmem:$0xCE40] =	vst v63  }
0x55: {  	_ =	swait.ge [sflag:s4], $0x6400  }
0x56: {  	[sflag:s4] =	ssyncset.done $0x0  }
0x57: {  	[sflag:s4] =	ssyncadd.s32 $0xFFFF9C00  }
0x58: {  	[tilespmem:s6], [sflag:$0x2] =	stream.indirect.gather [hbm4b:s3+s11], $0x140, s25, s11, $0xb8;
	[tilespmem:$0xCE40] =	vst v63  }
0x59: {  	_ =	swait.ge [sflag:s12], $0x6400  }
0x5a: {  	[sflag:s12] =	ssyncset.done $0x0  }
0x5b: {  	s0 =	rddreg [dreg:$0xa];
	[sflag:s12] =	ssyncadd.s32 $0xFFFF9C00  }
0x5c: {  	[hbm4b:s0+s2] =	stream.linear.scatter [tilespmem:s9], [sflag:$0x3], $0x6400, $0x38;
	[tilespmem:$0xCE40] =	vst v63  }
0x5d: {  	_ =	swait.ge [sflag:s4], $0x6400  }
0x5e: {  	[sflag:s4] =	ssyncset.done $0x0  }
0x5f: {  	[sflag:s4] =	ssyncadd.s32 $0xFFFF9C00  }
0x60: {  	[tilespmem:s9], [sflag:$0x1] =	stream.indirect.gather [hbm4b:s3+s11], $0x140, s24, s11, $0xb8;
	[tilespmem:$0xCE40] =	vst v63  }
0x61: {  	_ =	swait.ge [sflag:s8], $0x6400  }
0x62: {  	[sflag:s8] =	ssyncset.done $0x0  }
0x63: {  	s0 =	rddreg [dreg:$0xb];
	[sflag:s8] =	ssyncadd.s32 $0xFFFF9C00  }
0x64: {  	[hbm4b:s0+s2] =	stream.linear.scatter [tilespmem:s6], [sflag:$0x3], $0x6400, $0x38;
	[tilespmem:$0xCE40] =	vst v63  }
0x65: {  	_ =	swait.ge [sflag:s4], $0x6400  }
0x66: {  	[sflag:s4] =	ssyncset.done $0x0  }
0x67: {  	[sflag:s4] =	ssyncadd.s32 $0xFFFF9C00  }
0x68: {  	[tilespmem:s6], [sflag:$0x2] =	stream.indirect.gather [hbm4b:s3+s11], $0x140, s23, s11, $0xb8;
	[tilespmem:$0xCE40] =	vst v63  }
0x69: {  	_ =	swait.ge [sflag:s12], $0x6400  }
0x6a: {  	[sflag:s12] =	ssyncset.done $0x0  }
0x6b: {  	s0 =	rddreg [dreg:$0xc];
	[sflag:s12] =	ssyncadd.s32 $0xFFFF9C00  }
0x6c: {  	[hbm4b:s0+s2] =	stream.linear.scatter [tilespmem:s9], [sflag:$0x3], $0x6400, $0x38;
	[tilespmem:$0xCE40] =	vst v63  }
0x6d: {  	_ =	swait.ge [sflag:s4], $0x6400  }
0x6e: {  	[sflag:s4] =	ssyncset.done $0x0  }
0x6f: {  	[sflag:s4] =	ssyncadd.s32 $0xFFFF9C00  }
0x70: {  	[tilespmem:s9], [sflag:$0x1] =	stream.indirect.gather [hbm4b:s3+s11], $0x140, s22, s11, $0xb8;
	[tilespmem:$0xCE40] =	vst v63  }
0x71: {  	_ =	swait.ge [sflag:s8], $0x6400  }
0x72: {  	[sflag:s8] =	ssyncset.done $0x0  }
0x73: {  	s0 =	rddreg [dreg:$0xd];
	[sflag:s8] =	ssyncadd.s32 $0xFFFF9C00  }
0x74: {  	[hbm4b:s0+s2] =	stream.linear.scatter [tilespmem:s6], [sflag:$0x3], $0x6400, $0x38;
	[tilespmem:$0xCE40] =	vst v63  }
0x75: {  	_ =	swait.ge [sflag:s4], $0x6400  }
0x76: {  	[sflag:s4] =	ssyncset.done $0x0  }
0x77: {  	[sflag:s4] =	ssyncadd.s32 $0xFFFF9C00  }
0x78: {  	[tilespmem:s6], [sflag:$0x2] =	stream.indirect.gather [hbm4b:s3+s11], $0x140, s21, s11, $0xb8;
	[tilespmem:$0xCE40] =	vst v63  }
0x79: {  	_ =	swait.ge [sflag:s12], $0x6400  }
0x7a: {  	[sflag:s12] =	ssyncset.done $0x0  }
0x7b: {  	s0 =	rddreg [dreg:$0xe];
	[sflag:s12] =	ssyncadd.s32 $0xFFFF9C00  }
0x7c: {  	[hbm4b:s0+s2] =	stream.linear.scatter [tilespmem:s9], [sflag:$0x3], $0x6400, $0x38;
	[tilespmem:$0xCE40] =	vst v63  }
0x7d: {  	_ =	swait.ge [sflag:s4], $0x6400  }
0x7e: {  	[sflag:s4] =	ssyncset.done $0x0  }
0x7f: {  	[sflag:s4] =	ssyncadd.s32 $0xFFFF9C00  }
0x80: {  	[tilespmem:s9], [sflag:$0x1] =	stream.indirect.gather [hbm4b:s3+s11], $0x140, s20, s11, $0xb8;
	[tilespmem:$0xCE40] =	vst v63  }
0x81: {  	_ =	swait.ge [sflag:s8], $0x6400  }
0x82: {  	[sflag:s8] =	ssyncset.done $0x0  }
0x83: {  	s0 =	rddreg [dreg:$0xf];
	[sflag:s8] =	ssyncadd.s32 $0xFFFF9C00  }
0x84: {  	[hbm4b:s0+s2] =	stream.linear.scatter [tilespmem:s6], [sflag:$0x3], $0x6400, $0x38;
	[tilespmem:$0xCE40] =	vst v63  }
0x85: {  	_ =	swait.ge [sflag:s4], $0x6400  }
0x86: {  	[sflag:s4] =	ssyncset.done $0x0  }
0x87: {  	[sflag:s4] =	ssyncadd.s32 $0xFFFF9C00  }
0x88: {  	[tilespmem:s6], [sflag:$0x2] =	stream.indirect.gather [hbm4b:s3+s11], $0x140, s19, s11, $0xb8;
	[tilespmem:$0xCE40] =	vst v63  }
0x89: {  	_ =	swait.ge [sflag:s12], $0x6400  }
0x8a: {  	[sflag:s12] =	ssyncset.done $0x0  }
0x8b: {  	s0 =	rddreg [dreg:$0x10];
	[sflag:s12] =	ssyncadd.s32 $0xFFFF9C00  }
0x8c: {  	[hbm4b:s0+s2] =	stream.linear.scatter [tilespmem:s9], [sflag:$0x3], $0x6400, $0x38;
	[tilespmem:$0xCE40] =	vst v63  }
0x8d: {  	_ =	swait.ge [sflag:s4], $0x6400  }
0x8e: {  	[sflag:s4] =	ssyncset.done $0x0  }
0x8f: {  	[sflag:s4] =	ssyncadd.s32 $0xFFFF9C00  }
0x90: {  	[tilespmem:s9], [sflag:$0x1] =	stream.indirect.gather [hbm4b:s3+s11], $0x140, s18, s11, $0xb8;
	[tilespmem:$0xCE40] =	vst v63  }
0x91: {  	_ =	swait.ge [sflag:s8], $0x6400  }
0x92: {  	[sflag:s8] =	ssyncset.done $0x0  }
0x93: {  	s0 =	rddreg [dreg:$0x11];
	[sflag:s8] =	ssyncadd.s32 $0xFFFF9C00  }
0x94: {  	[hbm4b:s0+s2] =	stream.linear.scatter [tilespmem:s6], [sflag:$0x3], $0x6400, $0x38;
	[tilespmem:$0xCE40] =	vst v63  }
0x95: {  	_ =	swait.ge [sflag:s4], $0x6400  }
0x96: {  	[sflag:s4] =	ssyncset.done $0x0  }
0x97: {  	[sflag:s4] =	ssyncadd.s32 $0xFFFF9C00  }
0x98: {  	[tilespmem:s6], [sflag:$0x2] =	stream.indirect.gather [hbm4b:s3+s11], $0x140, s17, s11, $0xb8;
	[tilespmem:$0xCE40] =	vst v63  }
0x99: {  	_ =	swait.ge [sflag:s12], $0x6400  }
0x9a: {  	[sflag:s12] =	ssyncset.done $0x0  }
0x9b: {  	s0 =	rddreg [dreg:$0x12];
	[sflag:s12] =	ssyncadd.s32 $0xFFFF9C00  }
0x9c: {  	[hbm4b:s0+s2] =	stream.linear.scatter [tilespmem:s9], [sflag:$0x3], $0x6400, $0x38;
	[tilespmem:$0xCE40] =	vst v63  }
0x9d: {  	_ =	swait.ge [sflag:s4], $0x6400  }
0x9e: {  	[sflag:s4] =	ssyncset.done $0x0  }
0x9f: {  	[sflag:s4] =	ssyncadd.s32 $0xFFFF9C00  }
0xa0: {  	[tilespmem:s9], [sflag:$0x1] =	stream.indirect.gather [hbm4b:s3+s11], $0x140, s16, s11, $0xb8;
	[tilespmem:$0xCE40] =	vst v63  }
0xa1: {  	_ =	swait.ge [sflag:s8], $0x6400  }
0xa2: {  	[sflag:s8] =	ssyncset.done $0x0  }
0xa3: {  	s0 =	rddreg [dreg:$0x13];
	[sflag:s8] =	ssyncadd.s32 $0xFFFF9C00  }
0xa4: {  	[hbm4b:s0+s2] =	stream.linear.scatter [tilespmem:s6], [sflag:$0x3], $0x6400, $0x38;
	[tilespmem:$0xCE40] =	vst v63  }
0xa5: {  	_ =	swait.ge [sflag:s4], $0x6400  }
0xa6: {  	[sflag:s4] =	ssyncset.done $0x0  }
0xa7: {  	[sflag:s4] =	ssyncadd.s32 $0xFFFF9C00  }
0xa8: {  	[tilespmem:s6], [sflag:$0x2] =	stream.indirect.gather [hbm4b:s3+s11], $0x140, s15, s11, $0xb8;
	[tilespmem:$0xCE40] =	vst v63  }
0xa9: {  	_ =	swait.ge [sflag:s12], $0x6400  }
0xaa: {  	[sflag:s12] =	ssyncset.done $0x0  }
0xab: {  	s0 =	rddreg [dreg:$0x14];
	[sflag:s12] =	ssyncadd.s32 $0xFFFF9C00  }
0xac: {  	[hbm4b:s0+s2] =	stream.linear.scatter [tilespmem:s9], [sflag:$0x3], $0x6400, $0x38;
	[tilespmem:$0xCE40] =	vst v63  }
0xad: {  	_ =	swait.ge [sflag:s4], $0x6400  }
0xae: {  	[sflag:s4] =	ssyncset.done $0x0  }
0xaf: {  	[sflag:s4] =	ssyncadd.s32 $0xFFFF9C00  }
0xb0: {  	[tilespmem:s9], [sflag:$0x1] =	stream.indirect.gather [hbm4b:s3+s11], $0x140, s14, s11, $0xb8;
	[tilespmem:$0xCE40] =	vst v63  }
0xb1: {  	_ =	swait.ge [sflag:s8], $0x6400  }
0xb2: {  	[sflag:s8] =	ssyncset.done $0x0  }
0xb3: {  	[sflag:s8] =	ssyncadd.s32 $0xFFFF9C00  }
0xb4: {  	[hbm4b:s10+s2] =	stream.linear.scatter [tilespmem:s6], [sflag:$0x3], $0x6400, $0x38;
	[tilespmem:$0xCE40] =	vst v63  }
0xb5: {  	_ =	swait.ge [sflag:s4], $0x6400  }
0xb6: {  	[sflag:s4] =	ssyncset.done $0x0  }
0xb7: {  	[sflag:s4] =	ssyncadd.s32 $0xFFFF9C00  }
0xb8: {  	[tilespmem:s6], [sflag:$0x2] =	stream.indirect.gather [hbm4b:s3+s11], $0x140, s13, s11, $0xb8;
	[tilespmem:$0xCE40] =	vst v63  }
0xb9: {  	_ =	swait.ge [sflag:s12], $0x6400  }
0xba: {  	[sflag:s12] =	ssyncset.done $0x0  }
0xbb: {  	[sflag:s12] =	ssyncadd.s32 $0xFFFF9C00  }
0xbc: {  	[hbm4b:s7+s2] =	stream.linear.scatter [tilespmem:s9], [sflag:$0x3], $0x6400, $0x38;
	[tilespmem:$0xCE40] =	vst v63  }
0xbd: {  	_ =	swait.ge [sflag:s4], $0x6400  }
0xbe: {  	[sflag:s4] =	ssyncset.done $0x0  }
0xbf: {  	[sflag:s4] =	ssyncadd.s32 $0xFFFF9C00  }
0xc0: {  	p1 =	sne.s32 s1, $0x1;
	_ =	swait.ge [sflag:s8], $0x6400  }
.Ltmp1:
0xc1: {  	[sflag:s8] =	ssyncset.done $0x0;
	(pc) =	sbr.rel @!p1 .LBB2_3-.Ltmp1, $4  }
0xc2: {  	[sflag:s8] =	ssyncadd.s32 $0xFFFF9C00  }
0xc3: {  	[hbm4b:s5+s2] =	stream.linear.scatter [tilespmem:s6], [sflag:$0x3], $0x6400, $0x38;
	[tilespmem:$0xCE40] =	vst v63  }
0xc4: {  	s1 =	sadd.s32 $0xFFFFFFFF, s1;
	_ =	swait.ge [sflag:s4], $0x6400  }
0xc5: {  	p0 =	por $0x1, $0x1;
	s0 =	rddreg [dreg:$0x3];
	[sflag:s4] =	ssyncset.done $0x0  }
.LBB2_2:
0xc6: {  	[sflag:s4] =	ssyncadd.s32 $0xFFFF9C00  }
0xc7: {  	[tilespmem:s2], [sflag:$0x3] =	stream.linear.gather [hbm4b:s0+s2], $0x640, $0x38;
	[tilespmem:$0xCE40] =	vst v63  }
0xc8: {  	_ =	swait.ge [sflag:s4], $0x640  }
0xc9: {  	[sflag:s4] =	ssyncset.done $0x0  }
0xca: {  	[sflag:s4] =	ssyncadd.s32 $0xFFFFF9C0  }
0xcb: {  	[tilespmem:s9], [sflag:$0x1] =	stream.indirect.gather [hbm4b:s3+s11], $0x140, s2, s11, $0xb8;
	[tilespmem:$0xCE40] =	vst v63  }
0xcc: {  	_ = 	snop  }
0xcd: {  	[tilespmem:s6], [sflag:$0x2] =	stream.indirect.gather [hbm4b:s3+s11], $0x140, s11, s11, $0xb8;
	[tilespmem:$0xCE40] =	vst v63  }
0xce: {  	_ =	swait.ge [sflag:s12], $0x6400  }
0xcf: {  	[sflag:s12] =	ssyncset.done $0x0  }
0xd0: {  	s0 =	rddreg [dreg:$0x4];
	[sflag:s12] =	ssyncadd.s32 $0xFFFF9C00  }
0xd1: {  	[hbm4b:s0+s2] =	stream.linear.scatter [tilespmem:s9], [sflag:$0x3], $0x6400, $0x38;
	[tilespmem:$0xCE40] =	vst v63  }
0xd2: {  	_ =	swait.ge [sflag:s4], $0x6400  }
0xd3: {  	[sflag:s4] =	ssyncset.done $0x0  }
0xd4: {  	[sflag:s4] =	ssyncadd.s32 $0xFFFF9C00  }
0xd5: {  	[tilespmem:s9], [sflag:$0x1] =	stream.indirect.gather [hbm4b:s3+s11], $0x140, s31, s11, $0xb8;
	[tilespmem:$0xCE40] =	vst v63  }
0xd6: {  	_ =	swait.ge [sflag:s8], $0x6400  }
0xd7: {  	[sflag:s8] =	ssyncset.done $0x0  }
0xd8: {  	s0 =	rddreg [dreg:$0x5];
	[sflag:s8] =	ssyncadd.s32 $0xFFFF9C00  }
0xd9: {  	[hbm4b:s0+s2] =	stream.linear.scatter [tilespmem:s6], [sflag:$0x3], $0x6400, $0x38;
	[tilespmem:$0xCE40] =	vst v63  }
0xda: {  	_ =	swait.ge [sflag:s4], $0x6400  }
0xdb: {  	[sflag:s4] =	ssyncset.done $0x0  }
0xdc: {  	[sflag:s4] =	ssyncadd.s32 $0xFFFF9C00  }
0xdd: {  	[tilespmem:s6], [sflag:$0x2] =	stream.indirect.gather [hbm4b:s3+s11], $0x140, s30, s11, $0xb8;
	[tilespmem:$0xCE40] =	vst v63  }
0xde: {  	_ =	swait.ge [sflag:s12], $0x6400  }
0xdf: {  	[sflag:s12] =	ssyncset.done $0x0  }
0xe0: {  	s0 =	rddreg [dreg:$0x6];
	[sflag:s12] =	ssyncadd.s32 $0xFFFF9C00  }
0xe1: {  	[hbm4b:s0+s2] =	stream.linear.scatter [tilespmem:s9], [sflag:$0x3], $0x6400, $0x38;
	[tilespmem:$0xCE40] =	vst v63  }
0xe2: {  	_ =	swait.ge [sflag:s4], $0x6400  }
0xe3: {  	[sflag:s4] =	ssyncset.done $0x0  }
0xe4: {  	[sflag:s4] =	ssyncadd.s32 $0xFFFF9C00  }
0xe5: {  	[tilespmem:s9], [sflag:$0x1] =	stream.indirect.gather [hbm4b:s3+s11], $0x140, s29, s11, $0xb8;
	[tilespmem:$0xCE40] =	vst v63  }
0xe6: {  	_ =	swait.ge [sflag:s8], $0x6400  }
0xe7: {  	[sflag:s8] =	ssyncset.done $0x0  }
0xe8: {  	s0 =	rddreg [dreg:$0x7];
	[sflag:s8] =	ssyncadd.s32 $0xFFFF9C00  }
0xe9: {  	[hbm4b:s0+s2] =	stream.linear.scatter [tilespmem:s6], [sflag:$0x3], $0x6400, $0x38;
	[tilespmem:$0xCE40] =	vst v63  }
0xea: {  	_ =	swait.ge [sflag:s4], $0x6400  }
0xeb: {  	[sflag:s4] =	ssyncset.done $0x0  }
0xec: {  	[sflag:s4] =	ssyncadd.s32 $0xFFFF9C00  }
0xed: {  	[tilespmem:s6], [sflag:$0x2] =	stream.indirect.gather [hbm4b:s3+s11], $0x140, s28, s11, $0xb8;
	[tilespmem:$0xCE40] =	vst v63  }
0xee: {  	_ =	swait.ge [sflag:s12], $0x6400  }
0xef: {  	[sflag:s12] =	ssyncset.done $0x0  }
0xf0: {  	s0 =	rddreg [dreg:$0x8];
	[sflag:s12] =	ssyncadd.s32 $0xFFFF9C00  }
0xf1: {  	[hbm4b:s0+s2] =	stream.linear.scatter [tilespmem:s9], [sflag:$0x3], $0x6400, $0x38;
	[tilespmem:$0xCE40] =	vst v63  }
0xf2: {  	_ =	swait.ge [sflag:s4], $0x6400  }
0xf3: {  	[sflag:s4] =	ssyncset.done $0x0  }
0xf4: {  	[sflag:s4] =	ssyncadd.s32 $0xFFFF9C00  }
0xf5: {  	[tilespmem:s9], [sflag:$0x1] =	stream.indirect.gather [hbm4b:s3+s11], $0x140, s26, s11, $0xb8;
	[tilespmem:$0xCE40] =	vst v63  }
0xf6: {  	_ =	swait.ge [sflag:s8], $0x6400  }
0xf7: {  	[sflag:s8] =	ssyncset.done $0x0  }
0xf8: {  	s0 =	rddreg [dreg:$0x9];
	[sflag:s8] =	ssyncadd.s32 $0xFFFF9C00  }
0xf9: {  	[hbm4b:s0+s2] =	stream.linear.scatter [tilespmem:s6], [sflag:$0x3], $0x6400, $0x38;
	[tilespmem:$0xCE40] =	vst v63  }
0xfa: {  	_ =	swait.ge [sflag:s4], $0x6400  }
0xfb: {  	[sflag:s4] =	ssyncset.done $0x0  }
0xfc: {  	[sflag:s4] =	ssyncadd.s32 $0xFFFF9C00  }
0xfd: {  	[tilespmem:s6], [sflag:$0x2] =	stream.indirect.gather [hbm4b:s3+s11], $0x140, s25, s11, $0xb8;
	[tilespmem:$0xCE40] =	vst v63  }
0xfe: {  	_ =	swait.ge [sflag:s12], $0x6400  }
0xff: {  	[sflag:s12] =	ssyncset.done $0x0  }
0x100: {  	s0 =	rddreg [dreg:$0xa];
	[sflag:s12] =	ssyncadd.s32 $0xFFFF9C00  }
0x101: {  	[hbm4b:s0+s2] =	stream.linear.scatter [tilespmem:s9], [sflag:$0x3], $0x6400, $0x38;
	[tilespmem:$0xCE40] =	vst v63  }
0x102: {  	_ =	swait.ge [sflag:s4], $0x6400  }
0x103: {  	[sflag:s4] =	ssyncset.done $0x0  }
0x104: {  	[sflag:s4] =	ssyncadd.s32 $0xFFFF9C00  }
0x105: {  	[tilespmem:s9], [sflag:$0x1] =	stream.indirect.gather [hbm4b:s3+s11], $0x140, s24, s11, $0xb8;
	[tilespmem:$0xCE40] =	vst v63  }
0x106: {  	_ =	swait.ge [sflag:s8], $0x6400  }
0x107: {  	[sflag:s8] =	ssyncset.done $0x0  }
0x108: {  	s0 =	rddreg [dreg:$0xb];
	[sflag:s8] =	ssyncadd.s32 $0xFFFF9C00  }
0x109: {  	[hbm4b:s0+s2] =	stream.linear.scatter [tilespmem:s6], [sflag:$0x3], $0x6400, $0x38;
	[tilespmem:$0xCE40] =	vst v63  }
0x10a: {  	_ =	swait.ge [sflag:s4], $0x6400  }
0x10b: {  	[sflag:s4] =	ssyncset.done $0x0  }
0x10c: {  	[sflag:s4] =	ssyncadd.s32 $0xFFFF9C00  }
0x10d: {  	[tilespmem:s6], [sflag:$0x2] =	stream.indirect.gather [hbm4b:s3+s11], $0x140, s23, s11, $0xb8;
	[tilespmem:$0xCE40] =	vst v63  }
0x10e: {  	_ =	swait.ge [sflag:s12], $0x6400  }
0x10f: {  	[sflag:s12] =	ssyncset.done $0x0  }
0x110: {  	s0 =	rddreg [dreg:$0xc];
	[sflag:s12] =	ssyncadd.s32 $0xFFFF9C00  }
0x111: {  	[hbm4b:s0+s2] =	stream.linear.scatter [tilespmem:s9], [sflag:$0x3], $0x6400, $0x38;
	[tilespmem:$0xCE40] =	vst v63  }
0x112: {  	_ =	swait.ge [sflag:s4], $0x6400  }
0x113: {  	[sflag:s4] =	ssyncset.done $0x0  }
0x114: {  	[sflag:s4] =	ssyncadd.s32 $0xFFFF9C00  }
0x115: {  	[tilespmem:s9], [sflag:$0x1] =	stream.indirect.gather [hbm4b:s3+s11], $0x140, s22, s11, $0xb8;
	[tilespmem:$0xCE40] =	vst v63  }
0x116: {  	_ =	swait.ge [sflag:s8], $0x6400  }
0x117: {  	[sflag:s8] =	ssyncset.done $0x0  }
0x118: {  	s0 =	rddreg [dreg:$0xd];
	[sflag:s8] =	ssyncadd.s32 $0xFFFF9C00  }
0x119: {  	[hbm4b:s0+s2] =	stream.linear.scatter [tilespmem:s6], [sflag:$0x3], $0x6400, $0x38;
	[tilespmem:$0xCE40] =	vst v63  }
0x11a: {  	_ =	swait.ge [sflag:s4], $0x6400  }
0x11b: {  	[sflag:s4] =	ssyncset.done $0x0  }
0x11c: {  	[sflag:s4] =	ssyncadd.s32 $0xFFFF9C00  }
0x11d: {  	[tilespmem:s6], [sflag:$0x2] =	stream.indirect.gather [hbm4b:s3+s11], $0x140, s21, s11, $0xb8;
	[tilespmem:$0xCE40] =	vst v63  }
0x11e: {  	_ =	swait.ge [sflag:s12], $0x6400  }
0x11f: {  	[sflag:s12] =	ssyncset.done $0x0  }
0x120: {  	s0 =	rddreg [dreg:$0xe];
	[sflag:s12] =	ssyncadd.s32 $0xFFFF9C00  }
0x121: {  	[hbm4b:s0+s2] =	stream.linear.scatter [tilespmem:s9], [sflag:$0x3], $0x6400, $0x38;
	[tilespmem:$0xCE40] =	vst v63  }
0x122: {  	_ =	swait.ge [sflag:s4], $0x6400  }
0x123: {  	[sflag:s4] =	ssyncset.done $0x0  }
0x124: {  	[sflag:s4] =	ssyncadd.s32 $0xFFFF9C00  }
0x125: {  	[tilespmem:s9], [sflag:$0x1] =	stream.indirect.gather [hbm4b:s3+s11], $0x140, s20, s11, $0xb8;
	[tilespmem:$0xCE40] =	vst v63  }
0x126: {  	_ =	swait.ge [sflag:s8], $0x6400  }
0x127: {  	[sflag:s8] =	ssyncset.done $0x0  }
0x128: {  	s0 =	rddreg [dreg:$0xf];
	[sflag:s8] =	ssyncadd.s32 $0xFFFF9C00  }
0x129: {  	[hbm4b:s0+s2] =	stream.linear.scatter [tilespmem:s6], [sflag:$0x3], $0x6400, $0x38;
	[tilespmem:$0xCE40] =	vst v63  }
0x12a: {  	_ =	swait.ge [sflag:s4], $0x6400  }
0x12b: {  	[sflag:s4] =	ssyncset.done $0x0  }
0x12c: {  	[sflag:s4] =	ssyncadd.s32 $0xFFFF9C00  }
0x12d: {  	[tilespmem:s6], [sflag:$0x2] =	stream.indirect.gather [hbm4b:s3+s11], $0x140, s19, s11, $0xb8;
	[tilespmem:$0xCE40] =	vst v63  }
0x12e: {  	_ =	swait.ge [sflag:s12], $0x6400  }
0x12f: {  	[sflag:s12] =	ssyncset.done $0x0  }
0x130: {  	s0 =	rddreg [dreg:$0x10];
	[sflag:s12] =	ssyncadd.s32 $0xFFFF9C00  }
0x131: {  	[hbm4b:s0+s2] =	stream.linear.scatter [tilespmem:s9], [sflag:$0x3], $0x6400, $0x38;
	[tilespmem:$0xCE40] =	vst v63  }
0x132: {  	_ =	swait.ge [sflag:s4], $0x6400  }
0x133: {  	[sflag:s4] =	ssyncset.done $0x0  }
0x134: {  	[sflag:s4] =	ssyncadd.s32 $0xFFFF9C00  }
0x135: {  	[tilespmem:s9], [sflag:$0x1] =	stream.indirect.gather [hbm4b:s3+s11], $0x140, s18, s11, $0xb8;
	[tilespmem:$0xCE40] =	vst v63  }
0x136: {  	_ =	swait.ge [sflag:s8], $0x6400  }
0x137: {  	[sflag:s8] =	ssyncset.done $0x0  }
0x138: {  	s0 =	rddreg [dreg:$0x11];
	[sflag:s8] =	ssyncadd.s32 $0xFFFF9C00  }
0x139: {  	[hbm4b:s0+s2] =	stream.linear.scatter [tilespmem:s6], [sflag:$0x3], $0x6400, $0x38;
	[tilespmem:$0xCE40] =	vst v63  }
0x13a: {  	_ =	swait.ge [sflag:s4], $0x6400  }
0x13b: {  	[sflag:s4] =	ssyncset.done $0x0  }
0x13c: {  	[sflag:s4] =	ssyncadd.s32 $0xFFFF9C00  }
0x13d: {  	[tilespmem:s6], [sflag:$0x2] =	stream.indirect.gather [hbm4b:s3+s11], $0x140, s17, s11, $0xb8;
	[tilespmem:$0xCE40] =	vst v63  }
0x13e: {  	_ =	swait.ge [sflag:s12], $0x6400  }
0x13f: {  	[sflag:s12] =	ssyncset.done $0x0  }
0x140: {  	s0 =	rddreg [dreg:$0x12];
	[sflag:s12] =	ssyncadd.s32 $0xFFFF9C00  }
0x141: {  	[hbm4b:s0+s2] =	stream.linear.scatter [tilespmem:s9], [sflag:$0x3], $0x6400, $0x38;
	[tilespmem:$0xCE40] =	vst v63  }
0x142: {  	_ =	swait.ge [sflag:s4], $0x6400  }
0x143: {  	[sflag:s4] =	ssyncset.done $0x0  }
0x144: {  	[sflag:s4] =	ssyncadd.s32 $0xFFFF9C00  }
0x145: {  	[tilespmem:s9], [sflag:$0x1] =	stream.indirect.gather [hbm4b:s3+s11], $0x140, s16, s11, $0xb8;
	[tilespmem:$0xCE40] =	vst v63  }
0x146: {  	_ =	swait.ge [sflag:s8], $0x6400  }
0x147: {  	[sflag:s8] =	ssyncset.done $0x0  }
0x148: {  	s0 =	rddreg [dreg:$0x13];
	[sflag:s8] =	ssyncadd.s32 $0xFFFF9C00  }
0x149: {  	[hbm4b:s0+s2] =	stream.linear.scatter [tilespmem:s6], [sflag:$0x3], $0x6400, $0x38;
	[tilespmem:$0xCE40] =	vst v63  }
0x14a: {  	_ =	swait.ge [sflag:s4], $0x6400  }
0x14b: {  	[sflag:s4] =	ssyncset.done $0x0  }
0x14c: {  	[sflag:s4] =	ssyncadd.s32 $0xFFFF9C00  }
0x14d: {  	[tilespmem:s6], [sflag:$0x2] =	stream.indirect.gather [hbm4b:s3+s11], $0x140, s15, s11, $0xb8;
	[tilespmem:$0xCE40] =	vst v63  }
0x14e: {  	_ =	swait.ge [sflag:s12], $0x6400  }
0x14f: {  	[sflag:s12] =	ssyncset.done $0x0  }
0x150: {  	s0 =	rddreg [dreg:$0x14];
	[sflag:s12] =	ssyncadd.s32 $0xFFFF9C00  }
0x151: {  	[hbm4b:s0+s2] =	stream.linear.scatter [tilespmem:s9], [sflag:$0x3], $0x6400, $0x38;
	[tilespmem:$0xCE40] =	vst v63  }
0x152: {  	_ =	swait.ge [sflag:s4], $0x6400  }
0x153: {  	[sflag:s4] =	ssyncset.done $0x0  }
0x154: {  	[sflag:s4] =	ssyncadd.s32 $0xFFFF9C00  }
0x155: {  	[tilespmem:s9], [sflag:$0x1] =	stream.indirect.gather [hbm4b:s3+s11], $0x140, s14, s11, $0xb8;
	[tilespmem:$0xCE40] =	vst v63  }
0x156: {  	_ =	swait.ge [sflag:s8], $0x6400  }
0x157: {  	[sflag:s8] =	ssyncset.done $0x0  }
0x158: {  	[sflag:s8] =	ssyncadd.s32 $0xFFFF9C00  }
0x159: {  	[hbm4b:s10+s2] =	stream.linear.scatter [tilespmem:s6], [sflag:$0x3], $0x6400, $0x38;
	[tilespmem:$0xCE40] =	vst v63  }
0x15a: {  	_ =	swait.ge [sflag:s4], $0x6400  }
0x15b: {  	[sflag:s4] =	ssyncset.done $0x0  }
0x15c: {  	[sflag:s4] =	ssyncadd.s32 $0xFFFF9C00  }
0x15d: {  	[tilespmem:s6], [sflag:$0x2] =	stream.indirect.gather [hbm4b:s3+s11], $0x140, s13, s11, $0xb8;
	[tilespmem:$0xCE40] =	vst v63  }
0x15e: {  	_ =	swait.ge [sflag:s12], $0x6400  }
0x15f: {  	[sflag:s12] =	ssyncset.done $0x0  }
0x160: {  	[sflag:s12] =	ssyncadd.s32 $0xFFFF9C00  }
0x161: {  	[hbm4b:s7+s2] =	stream.linear.scatter [tilespmem:s9], [sflag:$0x3], $0x6400, $0x38;
	[tilespmem:$0xCE40] =	vst v63  }
0x162: {  	_ =	swait.ge [sflag:s4], $0x6400  }
0x163: {  	[sflag:s4] =	ssyncset.done $0x0  }
0x164: {  	[sflag:s4] =	ssyncadd.s32 $0xFFFF9C00  }
0x165: {  	p1 =	sne.s32 s1, $0x1;
	_ =	swait.ge [sflag:s8], $0x6400  }
.Ltmp2:
0x166: {  	[sflag:s8] =	ssyncset.done $0x0;
	(pc) =	sbr.rel @p1 .LBB2_2-.Ltmp2, $4  }
0x167: {  	[sflag:s8] =	ssyncadd.s32 $0xFFFF9C00  }
0x168: {  	[hbm4b:s5+s2] =	stream.linear.scatter [tilespmem:s6], [sflag:$0x3], $0x6400, $0x38;
	[tilespmem:$0xCE40] =	vst v63  }
0x169: {  	_ =	swait.ge [sflag:s4], $0x6400  }
0x16a: {  	s1 =	sadd.s32 $0xFFFFFFFF, s1;
	s0 =	rddreg [dreg:$0x3];
	[sflag:s4] =	ssyncset.done $0x0  }
.LBB2_3:
0x16b: {  	[sflag:s4] =	ssyncadd.s32 @p0 $0xFFFF9C00  }
0x16c: {  	[tilespmem:s2], [sflag:$0x3] =	stream.linear.gather [hbm4b:s0+s2], $0x640, $0x38;
	[tilespmem:$0xCE40] =	vst v63  }
0x16d: {  	_ =	swait.ge [sflag:s4], $0x640  }
0x16e: {  	[sflag:s4] =	ssyncset.done $0x0  }
0x16f: {  	[sflag:s4] =	ssyncadd.s32 $0xFFFFF9C0  }
0x170: {  	[tilespmem:s9], [sflag:$0x1] =	stream.indirect.gather [hbm4b:s3+s11], $0x140, s2, s11, $0xb8;
	[tilespmem:$0xCE40] =	vst v63  }
0x171: {  	_ = 	snop  }
0x172: {  	[tilespmem:s6], [sflag:$0x2] =	stream.indirect.gather [hbm4b:s3+s11], $0x140, s11, s11, $0xb8;
	[tilespmem:$0xCE40] =	vst v63  }
0x173: {  	_ =	swait.ge [sflag:s12], $0x6400  }
0x174: {  	[sflag:s12] =	ssyncset.done $0x0  }
0x175: {  	s1 =	rddreg [dreg:$0x4];
	[sflag:s12] =	ssyncadd.s32 $0xFFFF9C00  }
0x176: {  	[hbm4b:s1+s2] =	stream.linear.scatter [tilespmem:s9], [sflag:$0x3], $0x6400, $0x38;
	[tilespmem:$0xCE40] =	vst v63  }
0x177: {  	_ =	swait.ge [sflag:s4], $0x6400  }
0x178: {  	[sflag:s4] =	ssyncset.done $0x0  }
0x179: {  	[sflag:s4] =	ssyncadd.s32 $0xFFFF9C00  }
0x17a: {  	[tilespmem:s9], [sflag:$0x1] =	stream.indirect.gather [hbm4b:s3+s11], $0x140, s31, s11, $0xb8;
	[tilespmem:$0xCE40] =	vst v63  }
0x17b: {  	_ =	swait.ge [sflag:s8], $0x6400  }
0x17c: {  	[sflag:s8] =	ssyncset.done $0x0  }
0x17d: {  	s1 =	rddreg [dreg:$0x5];
	[sflag:s8] =	ssyncadd.s32 $0xFFFF9C00  }
0x17e: {  	[hbm4b:s1+s2] =	stream.linear.scatter [tilespmem:s6], [sflag:$0x3], $0x6400, $0x38;
	[tilespmem:$0xCE40] =	vst v63  }
0x17f: {  	_ =	swait.ge [sflag:s4], $0x6400  }
0x180: {  	[sflag:s4] =	ssyncset.done $0x0  }
0x181: {  	[sflag:s4] =	ssyncadd.s32 $0xFFFF9C00  }
0x182: {  	[tilespmem:s6], [sflag:$0x2] =	stream.indirect.gather [hbm4b:s3+s11], $0x140, s30, s11, $0xb8;
	[tilespmem:$0xCE40] =	vst v63  }
0x183: {  	_ =	swait.ge [sflag:s12], $0x6400  }
0x184: {  	[sflag:s12] =	ssyncset.done $0x0  }
0x185: {  	s31 =	rddreg [dreg:$0x6];
	[sflag:s12] =	ssyncadd.s32 $0xFFFF9C00  }
0x186: {  	[hbm4b:s31+s2] =	stream.linear.scatter [tilespmem:s9], [sflag:$0x3], $0x6400, $0x38;
	[tilespmem:$0xCE40] =	vst v63  }
0x187: {  	_ =	swait.ge [sflag:s4], $0x6400  }
0x188: {  	[sflag:s4] =	ssyncset.done $0x0  }
0x189: {  	[sflag:s4] =	ssyncadd.s32 $0xFFFF9C00  }
0x18a: {  	[tilespmem:s9], [sflag:$0x1] =	stream.indirect.gather [hbm4b:s3+s11], $0x140, s29, s11, $0xb8;
	[tilespmem:$0xCE40] =	vst v63  }
0x18b: {  	_ =	swait.ge [sflag:s8], $0x6400  }
0x18c: {  	[sflag:s8] =	ssyncset.done $0x0  }
0x18d: {  	s1 =	rddreg [dreg:$0x7];
	[sflag:s8] =	ssyncadd.s32 $0xFFFF9C00  }
0x18e: {  	[hbm4b:s1+s2] =	stream.linear.scatter [tilespmem:s6], [sflag:$0x3], $0x6400, $0x38;
	[tilespmem:$0xCE40] =	vst v63  }
0x18f: {  	_ =	swait.ge [sflag:s4], $0x6400  }
0x190: {  	[sflag:s4] =	ssyncset.done $0x0  }
0x191: {  	[sflag:s4] =	ssyncadd.s32 $0xFFFF9C00  }
0x192: {  	[tilespmem:s6], [sflag:$0x2] =	stream.indirect.gather [hbm4b:s3+s11], $0x140, s28, s11, $0xb8;
	[tilespmem:$0xCE40] =	vst v63  }
0x193: {  	_ =	swait.ge [sflag:s12], $0x6400  }
0x194: {  	[sflag:s12] =	ssyncset.done $0x0  }
0x195: {  	s28 =	rddreg [dreg:$0x8];
	[sflag:s12] =	ssyncadd.s32 $0xFFFF9C00  }
0x196: {  	[hbm4b:s28+s2] =	stream.linear.scatter [tilespmem:s9], [sflag:$0x3], $0x6400, $0x38;
	[tilespmem:$0xCE40] =	vst v63  }
0x197: {  	_ =	swait.ge [sflag:s4], $0x6400  }
0x198: {  	[sflag:s4] =	ssyncset.done $0x0  }
0x199: {  	[sflag:s4] =	ssyncadd.s32 $0xFFFF9C00  }
0x19a: {  	[tilespmem:s9], [sflag:$0x1] =	stream.indirect.gather [hbm4b:s3+s11], $0x140, s26, s11, $0xb8;
	[tilespmem:$0xCE40] =	vst v63  }
0x19b: {  	_ =	swait.ge [sflag:s8], $0x6400  }
0x19c: {  	[sflag:s8] =	ssyncset.done $0x0  }
0x19d: {  	s29 =	rddreg [dreg:$0x9];
	[sflag:s8] =	ssyncadd.s32 $0xFFFF9C00  }
0x19e: {  	[hbm4b:s29+s2] =	stream.linear.scatter [tilespmem:s6], [sflag:$0x3], $0x6400, $0x38;
	[tilespmem:$0xCE40] =	vst v63  }
0x19f: {  	_ =	swait.ge [sflag:s4], $0x6400  }
0x1a0: {  	[sflag:s4] =	ssyncset.done $0x0  }
0x1a1: {  	[sflag:s4] =	ssyncadd.s32 $0xFFFF9C00  }
0x1a2: {  	[tilespmem:s6], [sflag:$0x2] =	stream.indirect.gather [hbm4b:s3+s11], $0x140, s25, s11, $0xb8;
	[tilespmem:$0xCE40] =	vst v63  }
0x1a3: {  	_ =	swait.ge [sflag:s12], $0x6400  }
0x1a4: {  	[sflag:s12] =	ssyncset.done $0x0  }
0x1a5: {  	s30 =	rddreg [dreg:$0xa];
	[sflag:s12] =	ssyncadd.s32 $0xFFFF9C00  }
0x1a6: {  	[hbm4b:s30+s2] =	stream.linear.scatter [tilespmem:s9], [sflag:$0x3], $0x6400, $0x38;
	[tilespmem:$0xCE40] =	vst v63  }
0x1a7: {  	_ =	swait.ge [sflag:s4], $0x6400  }
0x1a8: {  	[sflag:s4] =	ssyncset.done $0x0  }
0x1a9: {  	[sflag:s4] =	ssyncadd.s32 $0xFFFF9C00  }
0x1aa: {  	[tilespmem:s9], [sflag:$0x1] =	stream.indirect.gather [hbm4b:s3+s11], $0x140, s24, s11, $0xb8;
	[tilespmem:$0xCE40] =	vst v63  }
0x1ab: {  	_ =	swait.ge [sflag:s8], $0x6400  }
0x1ac: {  	[sflag:s8] =	ssyncset.done $0x0  }
0x1ad: {  	s31 =	rddreg [dreg:$0xb];
	[sflag:s8] =	ssyncadd.s32 $0xFFFF9C00  }
0x1ae: {  	[hbm4b:s31+s2] =	stream.linear.scatter [tilespmem:s6], [sflag:$0x3], $0x6400, $0x38;
	[tilespmem:$0xCE40] =	vst v63  }
0x1af: {  	_ =	swait.ge [sflag:s4], $0x6400  }
0x1b0: {  	[sflag:s4] =	ssyncset.done $0x0  }
0x1b1: {  	[sflag:s4] =	ssyncadd.s32 $0xFFFF9C00  }
0x1b2: {  	[tilespmem:s6], [sflag:$0x2] =	stream.indirect.gather [hbm4b:s3+s11], $0x140, s23, s11, $0xb8;
	[tilespmem:$0xCE40] =	vst v63  }
0x1b3: {  	_ =	swait.ge [sflag:s12], $0x6400  }
0x1b4: {  	[sflag:s12] =	ssyncset.done $0x0  }
0x1b5: {  	s1 =	rddreg [dreg:$0xc];
	[sflag:s12] =	ssyncadd.s32 $0xFFFF9C00  }
0x1b6: {  	[hbm4b:s1+s2] =	stream.linear.scatter [tilespmem:s9], [sflag:$0x3], $0x6400, $0x38;
	[tilespmem:$0xCE40] =	vst v63  }
0x1b7: {  	_ =	swait.ge [sflag:s4], $0x6400  }
0x1b8: {  	[sflag:s4] =	ssyncset.done $0x0  }
0x1b9: {  	[sflag:s4] =	ssyncadd.s32 $0xFFFF9C00  }
0x1ba: {  	[tilespmem:s9], [sflag:$0x1] =	stream.indirect.gather [hbm4b:s3+s11], $0x140, s22, s11, $0xb8;
	[tilespmem:$0xCE40] =	vst v63  }
0x1bb: {  	_ =	swait.ge [sflag:s8], $0x6400  }
0x1bc: {  	[sflag:s8] =	ssyncset.done $0x0  }
0x1bd: {  	s22 =	rddreg [dreg:$0xd];
	[sflag:s8] =	ssyncadd.s32 $0xFFFF9C00  }
0x1be: {  	[hbm4b:s22+s2] =	stream.linear.scatter [tilespmem:s6], [sflag:$0x3], $0x6400, $0x38;
	[tilespmem:$0xCE40] =	vst v63  }
0x1bf: {  	_ =	swait.ge [sflag:s4], $0x6400  }
0x1c0: {  	[sflag:s4] =	ssyncset.done $0x0  }
0x1c1: {  	[sflag:s4] =	ssyncadd.s32 $0xFFFF9C00  }
0x1c2: {  	[tilespmem:s6], [sflag:$0x2] =	stream.indirect.gather [hbm4b:s3+s11], $0x140, s21, s11, $0xb8;
	[tilespmem:$0xCE40] =	vst v63  }
0x1c3: {  	_ =	swait.ge [sflag:s12], $0x6400  }
0x1c4: {  	[sflag:s12] =	ssyncset.done $0x0  }
0x1c5: {  	s23 =	rddreg [dreg:$0xe];
	[sflag:s12] =	ssyncadd.s32 $0xFFFF9C00  }
0x1c6: {  	[hbm4b:s23+s2] =	stream.linear.scatter [tilespmem:s9], [sflag:$0x3], $0x6400, $0x38;
	[tilespmem:$0xCE40] =	vst v63  }
0x1c7: {  	_ =	swait.ge [sflag:s4], $0x6400  }
0x1c8: {  	[sflag:s4] =	ssyncset.done $0x0  }
0x1c9: {  	[sflag:s4] =	ssyncadd.s32 $0xFFFF9C00  }
0x1ca: {  	[tilespmem:s9], [sflag:$0x1] =	stream.indirect.gather [hbm4b:s3+s11], $0x140, s20, s11, $0xb8;
	[tilespmem:$0xCE40] =	vst v63  }
0x1cb: {  	_ =	swait.ge [sflag:s8], $0x6400  }
0x1cc: {  	[sflag:s8] =	ssyncset.done $0x0  }
0x1cd: {  	s24 =	rddreg [dreg:$0xf];
	[sflag:s8] =	ssyncadd.s32 $0xFFFF9C00  }
0x1ce: {  	[hbm4b:s24+s2] =	stream.linear.scatter [tilespmem:s6], [sflag:$0x3], $0x6400, $0x38;
	[tilespmem:$0xCE40] =	vst v63  }
0x1cf: {  	_ =	swait.ge [sflag:s4], $0x6400  }
0x1d0: {  	[sflag:s4] =	ssyncset.done $0x0  }
0x1d1: {  	[sflag:s4] =	ssyncadd.s32 $0xFFFF9C00  }
0x1d2: {  	[tilespmem:s6], [sflag:$0x2] =	stream.indirect.gather [hbm4b:s3+s11], $0x140, s19, s11, $0xb8;
	[tilespmem:$0xCE40] =	vst v63  }
0x1d3: {  	_ =	swait.ge [sflag:s12], $0x6400  }
0x1d4: {  	[sflag:s12] =	ssyncset.done $0x0  }
0x1d5: {  	s25 =	rddreg [dreg:$0x10];
	[sflag:s12] =	ssyncadd.s32 $0xFFFF9C00  }
0x1d6: {  	[hbm4b:s25+s2] =	stream.linear.scatter [tilespmem:s9], [sflag:$0x3], $0x6400, $0x38;
	[tilespmem:$0xCE40] =	vst v63  }
0x1d7: {  	_ =	swait.ge [sflag:s4], $0x6400  }
0x1d8: {  	[sflag:s4] =	ssyncset.done $0x0  }
0x1d9: {  	[sflag:s4] =	ssyncadd.s32 $0xFFFF9C00  }
0x1da: {  	[tilespmem:s9], [sflag:$0x1] =	stream.indirect.gather [hbm4b:s3+s11], $0x140, s18, s11, $0xb8;
	[tilespmem:$0xCE40] =	vst v63  }
0x1db: {  	_ =	swait.ge [sflag:s8], $0x6400  }
0x1dc: {  	[sflag:s8] =	ssyncset.done $0x0  }
0x1dd: {  	s26 =	rddreg [dreg:$0x11];
	[sflag:s8] =	ssyncadd.s32 $0xFFFF9C00  }
0x1de: {  	[hbm4b:s26+s2] =	stream.linear.scatter [tilespmem:s6], [sflag:$0x3], $0x6400, $0x38;
	[tilespmem:$0xCE40] =	vst v63  }
0x1df: {  	_ =	swait.ge [sflag:s4], $0x6400  }
0x1e0: {  	[sflag:s4] =	ssyncset.done $0x0  }
0x1e1: {  	[sflag:s4] =	ssyncadd.s32 $0xFFFF9C00  }
0x1e2: {  	[tilespmem:s6], [sflag:$0x2] =	stream.indirect.gather [hbm4b:s3+s11], $0x140, s17, s11, $0xb8;
	[tilespmem:$0xCE40] =	vst v63  }
0x1e3: {  	_ =	swait.ge [sflag:s12], $0x6400  }
0x1e4: {  	[sflag:s12] =	ssyncset.done $0x0  }
0x1e5: {  	s28 =	rddreg [dreg:$0x12];
	[sflag:s12] =	ssyncadd.s32 $0xFFFF9C00  }
0x1e6: {  	[hbm4b:s28+s2] =	stream.linear.scatter [tilespmem:s9], [sflag:$0x3], $0x6400, $0x38;
	[tilespmem:$0xCE40] =	vst v63  }
0x1e7: {  	_ =	swait.ge [sflag:s4], $0x6400  }
0x1e8: {  	[sflag:s4] =	ssyncset.done $0x0  }
0x1e9: {  	[sflag:s4] =	ssyncadd.s32 $0xFFFF9C00  }
0x1ea: {  	[tilespmem:s9], [sflag:$0x1] =	stream.indirect.gather [hbm4b:s3+s11], $0x140, s16, s11, $0xb8;
	[tilespmem:$0xCE40] =	vst v63  }
0x1eb: {  	_ =	swait.ge [sflag:s8], $0x6400  }
0x1ec: {  	[sflag:s8] =	ssyncset.done $0x0  }
0x1ed: {  	s29 =	rddreg [dreg:$0x13];
	[sflag:s8] =	ssyncadd.s32 $0xFFFF9C00  }
0x1ee: {  	[hbm4b:s29+s2] =	stream.linear.scatter [tilespmem:s6], [sflag:$0x3], $0x6400, $0x38;
	[tilespmem:$0xCE40] =	vst v63  }
0x1ef: {  	_ =	swait.ge [sflag:s4], $0x6400  }
0x1f0: {  	[sflag:s4] =	ssyncset.done $0x0  }
0x1f1: {  	[sflag:s4] =	ssyncadd.s32 $0xFFFF9C00  }
0x1f2: {  	[tilespmem:s6], [sflag:$0x2] =	stream.indirect.gather [hbm4b:s3+s11], $0x140, s15, s11, $0xb8;
	[tilespmem:$0xCE40] =	vst v63  }
0x1f3: {  	_ =	swait.ge [sflag:s12], $0x6400  }
0x1f4: {  	[sflag:s12] =	ssyncset.done $0x0  }
0x1f5: {  	s30 =	rddreg [dreg:$0x14];
	[sflag:s12] =	ssyncadd.s32 $0xFFFF9C00  }
0x1f6: {  	[hbm4b:s30+s2] =	stream.linear.scatter [tilespmem:s9], [sflag:$0x3], $0x6400, $0x38;
	[tilespmem:$0xCE40] =	vst v63  }
0x1f7: {  	_ =	swait.ge [sflag:s4], $0x6400  }
0x1f8: {  	[sflag:s4] =	ssyncset.done $0x0  }
0x1f9: {  	[sflag:s4] =	ssyncadd.s32 $0xFFFF9C00  }
0x1fa: {  	[tilespmem:s9], [sflag:$0x1] =	stream.indirect.gather [hbm4b:s3+s11], $0x140, s14, s11, $0xb8;
	[tilespmem:$0xCE40] =	vst v63  }
0x1fb: {  	_ =	swait.ge [sflag:s8], $0x6400  }
0x1fc: {  	[sflag:s8] =	ssyncset.done $0x0  }
0x1fd: {  	[sflag:s8] =	ssyncadd.s32 $0xFFFF9C00  }
0x1fe: {  	[hbm4b:s10+s2] =	stream.linear.scatter [tilespmem:s6], [sflag:$0x3], $0x6400, $0x38;
	[tilespmem:$0xCE40] =	vst v63  }
0x1ff: {  	_ =	swait.ge [sflag:s4], $0x6400  }
0x200: {  	[sflag:s4] =	ssyncset.done $0x0  }
0x201: {  	[sflag:s4] =	ssyncadd.s32 $0xFFFF9C00  }
0x202: {  	[tilespmem:s6], [sflag:$0x2] =	stream.indirect.gather [hbm4b:s3+s11], $0x140, s13, s11, $0xb8;
	[tilespmem:$0xCE40] =	vst v63  }
0x203: {  	_ =	swait.ge [sflag:s12], $0x6400  }
0x204: {  	[sflag:s12] =	ssyncset.done $0x0  }
0x205: {  	[sflag:s12] =	ssyncadd.s32 $0xFFFF9C00  }
0x206: {  	[hbm4b:s7+s2] =	stream.linear.scatter [tilespmem:s9], [sflag:$0x3], $0x6400, $0x38;
	[tilespmem:$0xCE40] =	vst v63  }
0x207: {  	_ =	swait.ge [sflag:s4], $0x6400  }
0x208: {  	[sflag:s4] =	ssyncset.done $0x0  }
0x209: {  	[sflag:s4] =	ssyncadd.s32 $0xFFFF9C00  }
0x20a: {  	_ =	swait.ge [sflag:s8], $0x6400  }
0x20b: {  	[sflag:s8] =	ssyncset.done $0x0  }
0x20c: {  	[sflag:s8] =	ssyncadd.s32 $0xFFFF9C00  }
0x20d: {  	[hbm4b:s5+s2] =	stream.linear.scatter [tilespmem:s6], [sflag:$0x3], $0x6400, $0x38;
	[tilespmem:$0xCE40] =	vst v63  }
0x20e: {  	_ =	swait.ge [sflag:s4], $0x6400  }
0x20f: {  	[sflag:s4] =	ssyncset.done $0x0  }
0x210: {  	[sflag:s4] =	ssyncadd.s32 $0xFFFF9C00  }
0x211: {  	_ =	sfence.sel $0x180000  }
0x212: {  	[bflag:$0x0] =	sbarrier.arrive $0xFFFF  }
0x213: {  	_ =	strace $0x90000047  }
0x214: {  	s31 =	stileid.u32;
	[bflag:$0x2] =	sbarrier.arrive $0xFFFF  }
0x215: {  	p0 =	sne.s32 s31, $0x0;
	s0 =	rddreg [dreg:$0x2]  }
0x216: {  	s0 =	sadd.s32 @!p0 $0x100000, s0  }
0x217: {  	[sflag:s0] =	ssyncadd.tile.s32 @!p0 $0x1;
	_ =	shalt  }
.Lfunc_end2:
_tile_overlayer_lowered:
.L_overlay_start_2:
0x218: {  	(tag) =	ssettag $0x2  }
0x219: {  	s0 =	rddreg [dreg:$0x0];
	s2 =	stileid.u32  }
0x21a: {  	s1 =	rddreg [dreg:$0x1];
	p0 =	sne.s32 s2, $0x0  }
0x21b: {  	s3 =	rddreg [dreg:$0x2];
	[bflag:$0x3] =	sbarrier.arrive $0xFFFF;
	s2 =	simm.s32 @!p0 $0x1C03  }
0x21c: {  	[timem:s3], [sflag:s2] =	dma.local @!p0 [hbm:s0], s1  }
0x21d: {  	s0 =	simm.s32 @!p0 $0x3  }
0x21e: {  	_ =	swait.ge @!p0 [sflag:s0], s1  }
0x21f: {  	s1 =	ssub.s32 @!p0 $0x0, s1;
	[sflag:s0] =	ssyncset.done @!p0 $0x0  }
0x220: {  	[sflag:s0] =	ssyncadd.s32 @!p0 s1  }
0x221: {  	[bflag:$0x3] =	sbarrier.arrive $0xFFFF  }
0x222: {  	_ =	shalt  }

</sc_bundles>
